<compile_context>
chip_gen: v7x
topology: tpu7x:2x2x1
jax: 0.10.2.dev20260603
libtpu: 0.0.44.dev20260713+nightly
codegen_flags: <defaults>
</compile_context>

<pallas_src>
import functools

import jax
import jax.numpy as jnp
from jax import lax
from jax.experimental import pallas as pl
from jax.experimental.pallas import tpu as pltpu
from jax.experimental.pallas import tpu_sc as plsc

N = 10000
D = 128
HD = D // 2
NP = 10240
EPW = 20480
E_PAD = 16 * EPW
CHUNK = 128
NCH = EPW // CHUNK
NCH_DEG = NCH // 2
GROUP = 5
ROWS_PER_TILE = NP // 16

_mesh = plsc.VectorSubcoreMesh(core_axis_name="c", subcore_axis_name="s",
                               num_cores=2, num_subcores=16)


_DEG_KW = dict(
    out_type=jax.ShapeDtypeStruct((2, NP, 16), jnp.float32),
    mesh=_mesh,
    scratch_types=[
        pltpu.VMEM((NCH_DEG, CHUNK), jnp.int32),
        pltpu.VMEM((CHUNK, 16), jnp.float32),
        pltpu.VMEM_SHARED((NP, 16), jnp.float32),
    ],
    compiler_params=pltpu.CompilerParams(use_tc_tiling_on_sc=False),
)


def _deg_body(dst_hbm, ones_hbm, zero_hbm, out_hbm, dst_v, ones_v, acc):
    cid = lax.axis_index("c")
    sid = lax.axis_index("s")
    wid = cid * 16 + sid
    pltpu.sync_copy(zero_hbm.at[pl.ds(0, ROWS_PER_TILE)],
                    acc.at[pl.ds(sid * ROWS_PER_TILE, ROWS_PER_TILE)])
    pltpu.sync_copy(dst_hbm.at[pl.ds(wid * NCH_DEG, NCH_DEG)], dst_v)
    pltpu.sync_copy(ones_hbm, ones_v)
    plsc.subcore_barrier()

    def body(it, carry):
        for b in range(4):
            pltpu.sync_copy(ones_v, acc.at[dst_v.at[it * 4 + b]], add=True)
        return carry

    lax.fori_loop(0, NCH_DEG // 4, body, 0, unroll=False)
    plsc.subcore_barrier()
    pltpu.sync_copy(acc.at[pl.ds(sid * ROWS_PER_TILE, ROWS_PER_TILE)],
                    out_hbm.at[cid, pl.ds(sid * ROWS_PER_TILE, ROWS_PER_TILE)])


_AGG_KW = dict(
    out_type=jax.ShapeDtypeStruct((2, NP, HD), jnp.float32),
    mesh=_mesh,
    scratch_types=[
        pltpu.VMEM((NCH, CHUNK), jnp.int32),
        pltpu.VMEM((NCH, CHUNK), jnp.int32),
        [pltpu.VMEM((CHUNK, HD), jnp.float32) for _ in range(GROUP)],
        [pltpu.SemaphoreType.DMA for _ in range(GROUP)],
        [pltpu.SemaphoreType.DMA for _ in range(GROUP)],
        pltpu.VMEM_SHARED((NP, HD), jnp.float32),
    ],
    compiler_params=pltpu.CompilerParams(use_tc_tiling_on_sc=False),
)


def _agg_body(h_hbm, src_hbm, dst_hbm, zero_hbm, out_hbm,
              src_v, dst_v, bufs, gsems, ssems, acc):
    cid = lax.axis_index("c")
    sid = lax.axis_index("s")
    pltpu.sync_copy(zero_hbm.at[pl.ds(0, ROWS_PER_TILE)],
                    acc.at[pl.ds(sid * ROWS_PER_TILE, ROWS_PER_TILE)])
    pltpu.sync_copy(src_hbm.at[cid, pl.ds(sid * NCH, NCH)], src_v)
    pltpu.sync_copy(dst_hbm.at[pl.ds(sid * NCH, NCH)], dst_v)
    plsc.subcore_barrier()

    def body(it, carry):
        j0 = it * GROUP
        gh = []
        for b in range(GROUP):
            gh.append(pltpu.async_copy(
                h_hbm.at[src_v.at[j0 + b]], bufs[b], gsems[b]))
        sh = []
        for b in range(GROUP):
            gh[b].wait()
            sh.append(pltpu.async_copy(
                bufs[b], acc.at[dst_v.at[j0 + b]], ssems[b], add=True))
        for b in range(GROUP):
            sh[b].wait()
        return carry

    lax.fori_loop(0, NCH // GROUP, body, 0, unroll=False)
    plsc.subcore_barrier()
    pltpu.sync_copy(acc.at[pl.ds(sid * ROWS_PER_TILE, ROWS_PER_TILE)],
                    out_hbm.at[cid, pl.ds(sid * ROWS_PER_TILE, ROWS_PER_TILE)])


_deg_kernel = pl.kernel(_deg_body, **_DEG_KW)
_agg_kernel = pl.kernel(_agg_body, **_AGG_KW)


_DN = (((1,), (1,)), ((), ()))

BLK = 1000


def _lin_body(h_ref, wr_ref, b_ref, o_ref):
    o_ref[...] = lax.dot_general(
        jnp.concatenate([h_ref[0], h_ref[1]], axis=1), wr_ref[...], _DN,
        precision=lax.Precision.HIGHEST,
        preferred_element_type=jnp.float32) + b_ref[...]


def _comb1_body(p_ref, dp_ref, r_ref, wl_ref, o_ref, inv_ref):
    deg = dp_ref[0, :, 0:1] + dp_ref[1, :, 0:1]
    inv = 1.0 / jnp.maximum(deg, 1.0)
    inv_ref[...] = inv
    mean = jnp.concatenate([p_ref[0], p_ref[1]], axis=1) * inv
    out = lax.dot_general(mean, wl_ref[...], _DN,
                          precision=lax.Precision.HIGHEST,
                          preferred_element_type=jnp.float32) + r_ref[...]
    out = jnp.maximum(out, 0.0)
    o_ref[0] = out[:, :HD]
    o_ref[1] = out[:, HD:]


def _comb_body(p_ref, r_ref, inv_ref, wl_ref, o_ref):
    mean = jnp.concatenate([p_ref[0], p_ref[1]], axis=1) * inv_ref[...]
    out = lax.dot_general(mean, wl_ref[...], _DN,
                          precision=lax.Precision.HIGHEST,
                          preferred_element_type=jnp.float32) + r_ref[...]
    out = jnp.maximum(out, 0.0)
    o_ref[0] = out[:, :HD]
    o_ref[1] = out[:, HD:]


def _final_body(p_ref, r_ref, inv_ref, wl_ref, wc_ref, bc_ref, o_ref):
    mean = jnp.concatenate([p_ref[0], p_ref[1]], axis=1) * inv_ref[...]
    t = lax.dot_general(mean, wl_ref[...], _DN,
                        precision=lax.Precision.HIGHEST,
                        preferred_element_type=jnp.float32) + r_ref[...]
    t = jnp.maximum(t, 0.0)
    o_ref[...] = lax.dot_general(t, wc_ref[...], _DN,
                                 precision=lax.Precision.HIGHEST,
                                 preferred_element_type=jnp.float32) + bc_ref[...]


def _p_spec():
    return pl.BlockSpec((2, BLK, HD), lambda i: (0, i, 0))


def _row_spec(w):
    return pl.BlockSpec((BLK, w), lambda i: (i, 0))


def _full_spec(r, c):
    return pl.BlockSpec((r, c), lambda i: (0, 0))


def _lin_tc(hs, wr, b):
    return pl.pallas_call(
        _lin_body,
        grid=(N // BLK,),
        in_specs=[_p_spec(), _full_spec(D, D), _full_spec(1, D)],
        out_specs=_row_spec(D),
        out_shape=jax.ShapeDtypeStruct((N, D), jnp.float32),
    )(hs, wr, b)


def _comb1_tc(p, dp, r, wl):
    return pl.pallas_call(
        _comb1_body,
        grid=(N // BLK,),
        in_specs=[_p_spec(), pl.BlockSpec((2, BLK, 16), lambda i: (0, i, 0)),
                  _row_spec(D), _full_spec(D, D)],
        out_specs=[_p_spec(), _row_spec(1)],
        out_shape=[jax.ShapeDtypeStruct((2, N, HD), jnp.float32),
                   jax.ShapeDtypeStruct((N, 1), jnp.float32)],
    )(p, dp, r, wl)


def _comb_tc(p, r, inv, wl):
    return pl.pallas_call(
        _comb_body,
        grid=(N // BLK,),
        in_specs=[_p_spec(), _row_spec(D), _row_spec(1), _full_spec(D, D)],
        out_specs=_p_spec(),
        out_shape=jax.ShapeDtypeStruct((2, N, HD), jnp.float32),
    )(p, r, inv, wl)


def _final_tc(p, r, inv, wl, wc, bc):
    C = wc.shape[0]
    return pl.pallas_call(
        _final_body,
        grid=(N // BLK,),
        in_specs=[_p_spec(), _row_spec(D), _row_spec(1), _full_spec(D, D),
                  _full_spec(C, D), _full_spec(1, C)],
        out_specs=_row_spec(C),
        out_shape=jax.ShapeDtypeStruct((N, C), jnp.float32),
    )(p, r, inv, wl, wc, bc)


def kernel(x, edge_index, W1l, W1r, b1, W2l, W2r, b2, W3l, W3r, b3,
           W4l, W4r, b4, Wc, bc):
    E = edge_index.shape[1]
    pad = E_PAD - E
    src = jnp.concatenate([edge_index[0], jnp.zeros((pad,), jnp.int32)])
    dst = jnp.concatenate([edge_index[1], jnp.full((pad,), N, jnp.int32)])
    src2 = src.reshape(E_PAD // CHUNK, CHUNK)
    dst2 = dst.reshape(E_PAD // CHUNK, CHUNK)
    src3 = jnp.stack([src2, src2 + N])

    zeroH = jnp.zeros((ROWS_PER_TILE, HD), jnp.float32)
    zero16 = jnp.zeros((ROWS_PER_TILE, 16), jnp.float32)
    ones16 = jnp.ones((CHUNK, 16), jnp.float32)

    b1r = b1.reshape(1, D)
    b2r = b2.reshape(1, D)
    b3r = b3.reshape(1, D)
    b4r = b4.reshape(1, D)
    bcr = bc.reshape(1, -1)

    xs = jnp.stack([x[:, :HD], x[:, HD:]])

    dp = _deg_kernel(dst2, ones16, zero16)
    r1 = _lin_tc(xs, W1r, b1r)
    p1 = _agg_kernel(xs.reshape(2 * N, HD), src3, dst2, zeroH)
    h1s, inv = _comb1_tc(p1, dp, r1, W1l)
    r2 = _lin_tc(h1s, W2r, b2r)
    p2 = _agg_kernel(h1s.reshape(2 * N, HD), src3, dst2, zeroH)
    h2s = _comb_tc(p2, r2, inv, W2l)
    r3 = _lin_tc(h2s, W3r, b3r)
    p3 = _agg_kernel(h2s.reshape(2 * N, HD), src3, dst2, zeroH)
    h3s = _comb_tc(p3, r3, inv, W3l)
    r4 = _lin_tc(h3s, W4r, b4r)
    p4 = _agg_kernel(h3s.reshape(2 * N, HD), src3, dst2, zeroH)
    return _final_tc(p4, r4, inv, W4l, Wc, bcr)

# --- scband reference (transcript-rebuilt; emitter-appended) ---
"""Pipeline reference for scband-graph-sagemodel-8014408974787 (READ-ONLY COPY).

The authoritative reference and input builder live on the scoring server;
editing this copy changes nothing except your own understanding.
"""

import jax, jax.numpy as jnp
import numpy as np

N = 10000
E = 320000
D = 128
H = 128
C = 47


def _winit(key, out_dim, in_dim):
    return jax.random.normal(key, (out_dim, in_dim), dtype=jnp.float32) * (1.0 / np.sqrt(in_dim))


def setup_inputs(seed: int = 0) -> dict:
    key = jax.random.key(seed)
    ks = jax.random.split(key, 20)
    inp = {}
    inp["x"] = jax.random.normal(ks[0], (N, D), dtype=jnp.float32)
    inp["edge_index"] = jax.random.randint(ks[1], (2, E), 0, N, dtype=jnp.int32)
    # sage1 = GraphSAGE(D, H, num_layers=2): SAGEConv(D,H) -> relu -> SAGEConv(H,H)
    inp["W1l"] = _winit(ks[2], H, D); inp["W1r"] = _winit(ks[3], H, D); inp["b1"] = jnp.zeros((H,), jnp.float32)
    inp["W2l"] = _winit(ks[4], H, H); inp["W2r"] = _winit(ks[5], H, H); inp["b2"] = jnp.zeros((H,), jnp.float32)
    # sage2 = GraphSAGE(H, H, num_layers=2)
    inp["W3l"] = _winit(ks[6], H, H); inp["W3r"] = _winit(ks[7], H, H); inp["b3"] = jnp.zeros((H,), jnp.float32)
    inp["W4l"] = _winit(ks[8], H, H); inp["W4r"] = _winit(ks[9], H, H); inp["b4"] = jnp.zeros((H,), jnp.float32)
    # classifier
    inp["Wc"] = _winit(ks[10], C, H); inp["bc"] = jnp.zeros((C,), jnp.float32)
    return inp


def _sage_conv(x, edge_index, Wl, Wr, b):
    # PyG SAGEConv (mean aggr): out = lin_l(mean_{j in N(i)} x_j) + lin_r(x_i)
    src = edge_index[0]
    dst = edge_index[1]
    msg = jnp.take(x, src, axis=0)                    # gather (SparseCore)
    agg = jax.ops.segment_sum(msg, dst, num_segments=N)  # scatter-add
    deg = jax.ops.segment_sum(jnp.ones((edge_index.shape[1],), x.dtype), dst, num_segments=N)
    mean = agg / jnp.clip(deg, 1.0)[:, None]
    return mean @ Wl.T + b + x @ Wr.T


def _sage_block(x, edge_index, Wa_l, Wa_r, ba, Wb_l, Wb_r, bb):
    # GraphSAGE(num_layers=2): conv -> relu -> conv (no act after last layer)
    h = jax.nn.relu(_sage_conv(x, edge_index, Wa_l, Wa_r, ba))
    return _sage_conv(h, edge_index, Wb_l, Wb_r, bb)


def reference(x, edge_index, W1l, W1r, b1, W2l, W2r, b2, W3l, W3r, b3, W4l, W4r, b4, Wc, bc):
    h = jax.nn.relu(_sage_block(x, edge_index, W1l, W1r, b1, W2l, W2r, b2))
    # dropout(p=0.5) is identity in eval mode
    h = jax.nn.relu(_sage_block(h, edge_index, W3l, W3r, b3, W4l, W4r, b4))
    out = h @ Wc.T + bc
    return out

if __name__ == "__main__":
    import jax
    _d = setup_inputs()
    print(jax.jit(kernel)(*tuple(_d.values())))

</pallas_src>

<mosaic_0001>
#map = affine_map<(d0, d1) -> (0, 0)>
#map1 = affine_map<(d0, d1) -> (0, 0, 0)>
module attributes {stable_mosaic.version = 14 : i64} {
  func.func @_agg_body(%arg0: i32, %arg1: i32, %arg2: memref<20000x64xf32, #tpu.memory_space<hbm>>, %arg3: memref<2x2560x128xi32, #tpu.memory_space<hbm>>, %arg4: memref<2560x128xi32, #tpu.memory_space<hbm>>, %arg5: memref<640x64xf32, #tpu.memory_space<hbm>>, %arg6: memref<2x10240x64xf32, #tpu.memory_space<hbm>>, %arg7: memref<160x128xi32, #tpu.memory_space<vmem>>, %arg8: memref<160x128xi32, #tpu.memory_space<vmem>>, %arg9: memref<128x64xf32, #tpu.memory_space<vmem>>, %arg10: memref<128x64xf32, #tpu.memory_space<vmem>>, %arg11: memref<128x64xf32, #tpu.memory_space<vmem>>, %arg12: memref<128x64xf32, #tpu.memory_space<vmem>>, %arg13: memref<128x64xf32, #tpu.memory_space<vmem>>, %arg14: memref<!tpu.dma_semaphore, #tpu.memory_space<semaphore_mem>>, %arg15: memref<!tpu.dma_semaphore, #tpu.memory_space<semaphore_mem>>, %arg16: memref<!tpu.dma_semaphore, #tpu.memory_space<semaphore_mem>>, %arg17: memref<!tpu.dma_semaphore, #tpu.memory_space<semaphore_mem>>, %arg18: memref<!tpu.dma_semaphore, #tpu.memory_space<semaphore_mem>>, %arg19: memref<!tpu.dma_semaphore, #tpu.memory_space<semaphore_mem>>, %arg20: memref<!tpu.dma_semaphore, #tpu.memory_space<semaphore_mem>>, %arg21: memref<!tpu.dma_semaphore, #tpu.memory_space<semaphore_mem>>, %arg22: memref<!tpu.dma_semaphore, #tpu.memory_space<semaphore_mem>>, %arg23: memref<!tpu.dma_semaphore, #tpu.memory_space<semaphore_mem>>, %arg24: memref<10240x64xf32, #tpu.memory_space<vmem_shared>>) attributes {dimension_semantics = [#tpu.dimension_semantics<core_parallel>, #tpu.dimension_semantics<subcore_parallel>], iteration_bounds = array<i64: 2, 16>, scalar_prefetch = 0 : i64, scratch_operands = 18 : i64, tpu.core_type = #tpu.core_type<sc_vector_subcore>, window_params = [{transform_indices = #map}, {transform_indices = #map1}, {transform_indices = #map}, {transform_indices = #map}, {transform_indices = #map1}]} {
    %mul3A = arith.constant 640 : i32
    %mul3A_0 = arith.muli %arg1, %mul3A : i32
    "tpu.region"() ({
      %run_scoped3A = tpu.sem_alloc : memref<!tpu.dma_semaphore, #tpu.memory_space<semaphore_mem>>
      %dma_start3A = arith.constant 0 : i32
      %dma_start3A_15 = tpu.memref_slice %arg24[%mul3A_0, %dma_start3A] : memref<10240x64xf32, #tpu.memory_space<vmem_shared>> -> memref<640x64xf32, #tpu.memory_space<vmem_shared>>
      %dma_start3A_16 = arith.constant 0 : i32
      %dma_start3A_17 = arith.constant 0 : i32
      %dma_start3A_18 = tpu.memref_slice %arg5[%dma_start3A_16, %dma_start3A_17] : memref<640x64xf32, #tpu.memory_space<hbm>> -> memref<640x64xf32, #tpu.memory_space<hbm>>
      tpu.enqueue_dma source(%dma_start3A_18 : memref<640x64xf32, #tpu.memory_space<hbm>>) target(%dma_start3A_15 : memref<640x64xf32, #tpu.memory_space<vmem_shared>>) target_semaphore(%run_scoped3A : memref<!tpu.dma_semaphore, #tpu.memory_space<semaphore_mem>>)
      %dma_wait3A = arith.constant 0 : i32
      %dma_wait3A_19 = tpu.memref_slice %arg24[%mul3A_0, %dma_wait3A] : memref<10240x64xf32, #tpu.memory_space<vmem_shared>> -> memref<640x64xf32, #tpu.memory_space<vmem_shared>>
      %dma_wait3A_20 = arith.constant 0 : i32
      %dma_wait3A_21 = arith.constant 0 : i32
      %dma_wait3A_22 = tpu.memref_slice %arg5[%dma_wait3A_20, %dma_wait3A_21] : memref<640x64xf32, #tpu.memory_space<hbm>> -> memref<640x64xf32, #tpu.memory_space<hbm>>
      tpu.wait_dma2 semaphore(%run_scoped3A : memref<!tpu.dma_semaphore, #tpu.memory_space<semaphore_mem>>) src(%dma_wait3A_22 : memref<640x64xf32, #tpu.memory_space<hbm>>) dst(%dma_wait3A_19 : memref<640x64xf32, #tpu.memory_space<vmem_shared>>)
      tpu.yield
    }) : () -> ()
    %mul3A_1 = arith.constant 160 : i32
    %mul3A_2 = arith.muli %arg1, %mul3A_1 : i32
    "tpu.region"() ({
      %run_scoped3A = tpu.sem_alloc : memref<!tpu.dma_semaphore, #tpu.memory_space<semaphore_mem>>
      %dma_start3A = arith.constant 0 : i32
      %dma_start3A_15 = tpu.memref_slice %arg3[%arg0, %mul3A_2, %dma_start3A] : memref<2x2560x128xi32, #tpu.memory_space<hbm>> -> memref<1x160x128xi32, #tpu.memory_space<hbm>>
      %dma_start3A_16 = tpu.memref_squeeze %dma_start3A_15 : memref<1x160x128xi32, #tpu.memory_space<hbm>> -> memref<160x128xi32, #tpu.memory_space<hbm>>
      %dma_start3A_17 = arith.constant 0 : i32
      %dma_start3A_18 = tpu.memref_slice %arg3[%arg0, %mul3A_2, %dma_start3A_17] : memref<2x2560x128xi32, #tpu.memory_space<hbm>> -> memref<1x160x128xi32, #tpu.memory_space<hbm>>
      %dma_start3A_19 = tpu.memref_squeeze %dma_start3A_18 : memref<1x160x128xi32, #tpu.memory_space<hbm>> -> memref<160x128xi32, #tpu.memory_space<hbm>>
      tpu.enqueue_dma source(%dma_start3A_19 : memref<160x128xi32, #tpu.memory_space<hbm>>) target(%arg7 : memref<160x128xi32, #tpu.memory_space<vmem>>) target_semaphore(%run_scoped3A : memref<!tpu.dma_semaphore, #tpu.memory_space<semaphore_mem>>)
      %dma_wait3A = arith.constant 0 : i32
      %dma_wait3A_20 = tpu.memref_slice %arg3[%arg0, %mul3A_2, %dma_wait3A] : memref<2x2560x128xi32, #tpu.memory_space<hbm>> -> memref<1x160x128xi32, #tpu.memory_space<hbm>>
      %dma_wait3A_21 = tpu.memref_squeeze %dma_wait3A_20 : memref<1x160x128xi32, #tpu.memory_space<hbm>> -> memref<160x128xi32, #tpu.memory_space<hbm>>
      %dma_wait3A_22 = arith.constant 0 : i32
      %dma_wait3A_23 = tpu.memref_slice %arg3[%arg0, %mul3A_2, %dma_wait3A_22] : memref<2x2560x128xi32, #tpu.memory_space<hbm>> -> memref<1x160x128xi32, #tpu.memory_space<hbm>>
      %dma_wait3A_24 = tpu.memref_squeeze %dma_wait3A_23 : memref<1x160x128xi32, #tpu.memory_space<hbm>> -> memref<160x128xi32, #tpu.memory_space<hbm>>
      tpu.wait_dma2 semaphore(%run_scoped3A : memref<!tpu.dma_semaphore, #tpu.memory_space<semaphore_mem>>) src(%dma_wait3A_24 : memref<160x128xi32, #tpu.memory_space<hbm>>) dst(%arg7 : memref<160x128xi32, #tpu.memory_space<vmem>>)
      tpu.yield
    }) : () -> ()
    %mul3A_3 = arith.constant 160 : i32
    %mul3A_4 = arith.muli %arg1, %mul3A_3 : i32
    "tpu.region"() ({
      %run_scoped3A = tpu.sem_alloc : memref<!tpu.dma_semaphore, #tpu.memory_space<semaphore_mem>>
      %dma_start3A = arith.constant 0 : i32
      %dma_start3A_15 = tpu.memref_slice %arg4[%mul3A_4, %dma_start3A] : memref<2560x128xi32, #tpu.memory_space<hbm>> -> memref<160x128xi32, #tpu.memory_space<hbm>>
      %dma_start3A_16 = arith.constant 0 : i32
      %dma_start3A_17 = tpu.memref_slice %arg4[%mul3A_4, %dma_start3A_16] : memref<2560x128xi32, #tpu.memory_space<hbm>> -> memref<160x128xi32, #tpu.memory_space<hbm>>
      tpu.enqueue_dma source(%dma_start3A_17 : memref<160x128xi32, #tpu.memory_space<hbm>>) target(%arg8 : memref<160x128xi32, #tpu.memory_space<vmem>>) target_semaphore(%run_scoped3A : memref<!tpu.dma_semaphore, #tpu.memory_space<semaphore_mem>>)
      %dma_wait3A = arith.constant 0 : i32
      %dma_wait3A_18 = tpu.memref_slice %arg4[%mul3A_4, %dma_wait3A] : memref<2560x128xi32, #tpu.memory_space<hbm>> -> memref<160x128xi32, #tpu.memory_space<hbm>>
      %dma_wait3A_19 = arith.constant 0 : i32
      %dma_wait3A_20 = tpu.memref_slice %arg4[%mul3A_4, %dma_wait3A_19] : memref<2560x128xi32, #tpu.memory_space<hbm>> -> memref<160x128xi32, #tpu.memory_space<hbm>>
      tpu.wait_dma2 semaphore(%run_scoped3A : memref<!tpu.dma_semaphore, #tpu.memory_space<semaphore_mem>>) src(%dma_wait3A_20 : memref<160x128xi32, #tpu.memory_space<hbm>>) dst(%arg8 : memref<160x128xi32, #tpu.memory_space<vmem>>)
      tpu.yield
    }) : () -> ()
    %barrier3A = arith.constant 0 : index
    tpu.barrier barrier_id(%barrier3A)
    %scan3A = arith.constant 0 : i32
    %scan3A_5 = arith.constant 0 : i32
    %scan3A_6 = arith.constant 32 : i32
    %scan3A_7 = arith.addi %scan3A_5, %scan3A_6 : i32
    %scan3A_8 = arith.constant 1 : i32
    scf.for %scan3A_15 = %scan3A_5 to %scan3A_7 step %scan3A_8  : i32 {
      %mul3A_16 = arith.constant 5 : i32
      %mul3A_17 = arith.muli %scan3A_15, %mul3A_16 : i32
      %add3A = arith.constant 0 : i32
      %add3A_18 = arith.addi %mul3A_17, %add3A : i32
      %dma_start3A = arith.constant 0 : i32
      %dma_start3A_19 = tpu.memref_slice %arg7[%add3A_18, %dma_start3A] : memref<160x128xi32, #tpu.memory_space<vmem>> -> memref<1x128xi32, #tpu.memory_space<vmem>>
      %dma_start3A_20 = tpu.memref_squeeze %dma_start3A_19 : memref<1x128xi32, #tpu.memory_space<vmem>> -> memref<128xi32, #tpu.memory_space<vmem>>
      %dma_start3A_21 = arith.constant 0 : i32
      %dma_start3A_22 = arith.constant 0 : i32
      %dma_start3A_23 = tpu.memref_slice %arg2[%dma_start3A_21, %dma_start3A_22] : memref<20000x64xf32, #tpu.memory_space<hbm>> -> memref<20000x64xf32, #tpu.memory_space<hbm>>
      tpu.enqueue_indirect_dma source(%dma_start3A_23 : memref<20000x64xf32, #tpu.memory_space<hbm>>) target(%arg9 : memref<128x64xf32, #tpu.memory_space<vmem>>) offsets(%dma_start3A_20 : memref<128xi32, #tpu.memory_space<vmem>>) semaphore(%arg14 : memref<!tpu.dma_semaphore, #tpu.memory_space<semaphore_mem>>)
      %add3A_24 = arith.constant 1 : i32
      %add3A_25 = arith.addi %mul3A_17, %add3A_24 : i32
      %dma_start3A_26 = arith.constant 0 : i32
      %dma_start3A_27 = tpu.memref_slice %arg7[%add3A_25, %dma_start3A_26] : memref<160x128xi32, #tpu.memory_space<vmem>> -> memref<1x128xi32, #tpu.memory_space<vmem>>
      %dma_start3A_28 = tpu.memref_squeeze %dma_start3A_27 : memref<1x128xi32, #tpu.memory_space<vmem>> -> memref<128xi32, #tpu.memory_space<vmem>>
      %dma_start3A_29 = arith.constant 0 : i32
      %dma_start3A_30 = arith.constant 0 : i32
      %dma_start3A_31 = tpu.memref_slice %arg2[%dma_start3A_29, %dma_start3A_30] : memref<20000x64xf32, #tpu.memory_space<hbm>> -> memref<20000x64xf32, #tpu.memory_space<hbm>>
      tpu.enqueue_indirect_dma source(%dma_start3A_31 : memref<20000x64xf32, #tpu.memory_space<hbm>>) target(%arg10 : memref<128x64xf32, #tpu.memory_space<vmem>>) offsets(%dma_start3A_28 : memref<128xi32, #tpu.memory_space<vmem>>) semaphore(%arg15 : memref<!tpu.dma_semaphore, #tpu.memory_space<semaphore_mem>>)
      %add3A_32 = arith.constant 2 : i32
      %add3A_33 = arith.addi %mul3A_17, %add3A_32 : i32
      %dma_start3A_34 = arith.constant 0 : i32
      %dma_start3A_35 = tpu.memref_slice %arg7[%add3A_33, %dma_start3A_34] : memref<160x128xi32, #tpu.memory_space<vmem>> -> memref<1x128xi32, #tpu.memory_space<vmem>>
      %dma_start3A_36 = tpu.memref_squeeze %dma_start3A_35 : memref<1x128xi32, #tpu.memory_space<vmem>> -> memref<128xi32, #tpu.memory_space<vmem>>
      %dma_start3A_37 = arith.constant 0 : i32
      %dma_start3A_38 = arith.constant 0 : i32
      %dma_start3A_39 = tpu.memref_slice %arg2[%dma_start3A_37, %dma_start3A_38] : memref<20000x64xf32, #tpu.memory_space<hbm>> -> memref<20000x64xf32, #tpu.memory_space<hbm>>
      tpu.enqueue_indirect_dma source(%dma_start3A_39 : memref<20000x64xf32, #tpu.memory_space<hbm>>) target(%arg11 : memref<128x64xf32, #tpu.memory_space<vmem>>) offsets(%dma_start3A_36 : memref<128xi32, #tpu.memory_space<vmem>>) semaphore(%arg16 : memref<!tpu.dma_semaphore, #tpu.memory_space<semaphore_mem>>)
      %add3A_40 = arith.constant 3 : i32
      %add3A_41 = arith.addi %mul3A_17, %add3A_40 : i32
      %dma_start3A_42 = arith.constant 0 : i32
      %dma_start3A_43 = tpu.memref_slice %arg7[%add3A_41, %dma_start3A_42] : memref<160x128xi32, #tpu.memory_space<vmem>> -> memref<1x128xi32, #tpu.memory_space<vmem>>
      %dma_start3A_44 = tpu.memref_squeeze %dma_start3A_43 : memref<1x128xi32, #tpu.memory_space<vmem>> -> memref<128xi32, #tpu.memory_space<vmem>>
      %dma_start3A_45 = arith.constant 0 : i32
      %dma_start3A_46 = arith.constant 0 : i32
      %dma_start3A_47 = tpu.memref_slice %arg2[%dma_start3A_45, %dma_start3A_46] : memref<20000x64xf32, #tpu.memory_space<hbm>> -> memref<20000x64xf32, #tpu.memory_space<hbm>>
      tpu.enqueue_indirect_dma source(%dma_start3A_47 : memref<20000x64xf32, #tpu.memory_space<hbm>>) target(%arg12 : memref<128x64xf32, #tpu.memory_space<vmem>>) offsets(%dma_start3A_44 : memref<128xi32, #tpu.memory_space<vmem>>) semaphore(%arg17 : memref<!tpu.dma_semaphore, #tpu.memory_space<semaphore_mem>>)
      %add3A_48 = arith.constant 4 : i32
      %add3A_49 = arith.addi %mul3A_17, %add3A_48 : i32
      %dma_start3A_50 = arith.constant 0 : i32
      %dma_start3A_51 = tpu.memref_slice %arg7[%add3A_49, %dma_start3A_50] : memref<160x128xi32, #tpu.memory_space<vmem>> -> memref<1x128xi32, #tpu.memory_space<vmem>>
      %dma_start3A_52 = tpu.memref_squeeze %dma_start3A_51 : memref<1x128xi32, #tpu.memory_space<vmem>> -> memref<128xi32, #tpu.memory_space<vmem>>
      %dma_start3A_53 = arith.constant 0 : i32
      %dma_start3A_54 = arith.constant 0 : i32
      %dma_start3A_55 = tpu.memref_slice %arg2[%dma_start3A_53, %dma_start3A_54] : memref<20000x64xf32, #tpu.memory_space<hbm>> -> memref<20000x64xf32, #tpu.memory_space<hbm>>
      tpu.enqueue_indirect_dma source(%dma_start3A_55 : memref<20000x64xf32, #tpu.memory_space<hbm>>) target(%arg13 : memref<128x64xf32, #tpu.memory_space<vmem>>) offsets(%dma_start3A_52 : memref<128xi32, #tpu.memory_space<vmem>>) semaphore(%arg18 : memref<!tpu.dma_semaphore, #tpu.memory_space<semaphore_mem>>)
      %dma_wait3A = arith.constant 0 : i32
      %dma_wait3A_56 = tpu.memref_slice %arg7[%add3A_18, %dma_wait3A] : memref<160x128xi32, #tpu.memory_space<vmem>> -> memref<1x128xi32, #tpu.memory_space<vmem>>
      %dma_wait3A_57 = tpu.memref_squeeze %dma_wait3A_56 : memref<1x128xi32, #tpu.memory_space<vmem>> -> memref<128xi32, #tpu.memory_space<vmem>>
      %dma_wait3A_58 = arith.constant 0 : i32
      %dma_wait3A_59 = arith.constant 0 : i32
      %dma_wait3A_60 = tpu.memref_slice %arg2[%dma_wait3A_58, %dma_wait3A_59] : memref<20000x64xf32, #tpu.memory_space<hbm>> -> memref<20000x64xf32, #tpu.memory_space<hbm>>
      tpu.wait_indirect_dma semaphore(%arg14 : memref<!tpu.dma_semaphore, #tpu.memory_space<semaphore_mem>>) src(%dma_wait3A_60 : memref<20000x64xf32, #tpu.memory_space<hbm>>) dst(%arg9 : memref<128x64xf32, #tpu.memory_space<vmem>>)
      %add3A_61 = arith.constant 0 : i32
      %add3A_62 = arith.addi %mul3A_17, %add3A_61 : i32
      %dma_start3A_63 = arith.constant 0 : i32
      %dma_start3A_64 = tpu.memref_slice %arg8[%add3A_62, %dma_start3A_63] : memref<160x128xi32, #tpu.memory_space<vmem>> -> memref<1x128xi32, #tpu.memory_space<vmem>>
      %dma_start3A_65 = tpu.memref_squeeze %dma_start3A_64 : memref<1x128xi32, #tpu.memory_space<vmem>> -> memref<128xi32, #tpu.memory_space<vmem>>
      %dma_start3A_66 = arith.constant 0 : i32
      %dma_start3A_67 = arith.constant 0 : i32
      %dma_start3A_68 = tpu.memref_slice %arg24[%dma_start3A_66, %dma_start3A_67] : memref<10240x64xf32, #tpu.memory_space<vmem_shared>> -> memref<10240x64xf32, #tpu.memory_space<vmem_shared>>
      tpu.enqueue_indirect_dma source(%arg9 : memref<128x64xf32, #tpu.memory_space<vmem>>) target(%dma_start3A_68 : memref<10240x64xf32, #tpu.memory_space<vmem_shared>>) offsets(%dma_start3A_65 : memref<128xi32, #tpu.memory_space<vmem>>) semaphore(%arg19 : memref<!tpu.dma_semaphore, #tpu.memory_space<semaphore_mem>>) {add = true}
      %dma_wait3A_69 = arith.constant 0 : i32
      %dma_wait3A_70 = tpu.memref_slice %arg7[%add3A_25, %dma_wait3A_69] : memref<160x128xi32, #tpu.memory_space<vmem>> -> memref<1x128xi32, #tpu.memory_space<vmem>>
      %dma_wait3A_71 = tpu.memref_squeeze %dma_wait3A_70 : memref<1x128xi32, #tpu.memory_space<vmem>> -> memref<128xi32, #tpu.memory_space<vmem>>
      %dma_wait3A_72 = arith.constant 0 : i32
      %dma_wait3A_73 = arith.constant 0 : i32
      %dma_wait3A_74 = tpu.memref_slice %arg2[%dma_wait3A_72, %dma_wait3A_73] : memref<20000x64xf32, #tpu.memory_space<hbm>> -> memref<20000x64xf32, #tpu.memory_space<hbm>>
      tpu.wait_indirect_dma semaphore(%arg15 : memref<!tpu.dma_semaphore, #tpu.memory_space<semaphore_mem>>) src(%dma_wait3A_74 : memref<20000x64xf32, #tpu.memory_space<hbm>>) dst(%arg10 : memref<128x64xf32, #tpu.memory_space<vmem>>)
      %add3A_75 = arith.constant 1 : i32
      %add3A_76 = arith.addi %mul3A_17, %add3A_75 : i32
      %dma_start3A_77 = arith.constant 0 : i32
      %dma_start3A_78 = tpu.memref_slice %arg8[%add3A_76, %dma_start3A_77] : memref<160x128xi32, #tpu.memory_space<vmem>> -> memref<1x128xi32, #tpu.memory_space<vmem>>
      %dma_start3A_79 = tpu.memref_squeeze %dma_start3A_78 : memref<1x128xi32, #tpu.memory_space<vmem>> -> memref<128xi32, #tpu.memory_space<vmem>>
      %dma_start3A_80 = arith.constant 0 : i32
      %dma_start3A_81 = arith.constant 0 : i32
      %dma_start3A_82 = tpu.memref_slice %arg24[%dma_start3A_80, %dma_start3A_81] : memref<10240x64xf32, #tpu.memory_space<vmem_shared>> -> memref<10240x64xf32, #tpu.memory_space<vmem_shared>>
      tpu.enqueue_indirect_dma source(%arg10 : memref<128x64xf32, #tpu.memory_space<vmem>>) target(%dma_start3A_82 : memref<10240x64xf32, #tpu.memory_space<vmem_shared>>) offsets(%dma_start3A_79 : memref<128xi32, #tpu.memory_space<vmem>>) semaphore(%arg20 : memref<!tpu.dma_semaphore, #tpu.memory_space<semaphore_mem>>) {add = true}
      %dma_wait3A_83 = arith.constant 0 : i32
      %dma_wait3A_84 = tpu.memref_slice %arg7[%add3A_33, %dma_wait3A_83] : memref<160x128xi32, #tpu.memory_space<vmem>> -> memref<1x128xi32, #tpu.memory_space<vmem>>
      %dma_wait3A_85 = tpu.memref_squeeze %dma_wait3A_84 : memref<1x128xi32, #tpu.memory_space<vmem>> -> memref<128xi32, #tpu.memory_space<vmem>>
      %dma_wait3A_86 = arith.constant 0 : i32
      %dma_wait3A_87 = arith.constant 0 : i32
      %dma_wait3A_88 = tpu.memref_slice %arg2[%dma_wait3A_86, %dma_wait3A_87] : memref<20000x64xf32, #tpu.memory_space<hbm>> -> memref<20000x64xf32, #tpu.memory_space<hbm>>
      tpu.wait_indirect_dma semaphore(%arg16 : memref<!tpu.dma_semaphore, #tpu.memory_space<semaphore_mem>>) src(%dma_wait3A_88 : memref<20000x64xf32, #tpu.memory_space<hbm>>) dst(%arg11 : memref<128x64xf32, #tpu.memory_space<vmem>>)
      %add3A_89 = arith.constant 2 : i32
      %add3A_90 = arith.addi %mul3A_17, %add3A_89 : i32
      %dma_start3A_91 = arith.constant 0 : i32
      %dma_start3A_92 = tpu.memref_slice %arg8[%add3A_90, %dma_start3A_91] : memref<160x128xi32, #tpu.memory_space<vmem>> -> memref<1x128xi32, #tpu.memory_space<vmem>>
      %dma_start3A_93 = tpu.memref_squeeze %dma_start3A_92 : memref<1x128xi32, #tpu.memory_space<vmem>> -> memref<128xi32, #tpu.memory_space<vmem>>
      %dma_start3A_94 = arith.constant 0 : i32
      %dma_start3A_95 = arith.constant 0 : i32
      %dma_start3A_96 = tpu.memref_slice %arg24[%dma_start3A_94, %dma_start3A_95] : memref<10240x64xf32, #tpu.memory_space<vmem_shared>> -> memref<10240x64xf32, #tpu.memory_space<vmem_shared>>
      tpu.enqueue_indirect_dma source(%arg11 : memref<128x64xf32, #tpu.memory_space<vmem>>) target(%dma_start3A_96 : memref<10240x64xf32, #tpu.memory_space<vmem_shared>>) offsets(%dma_start3A_93 : memref<128xi32, #tpu.memory_space<vmem>>) semaphore(%arg21 : memref<!tpu.dma_semaphore, #tpu.memory_space<semaphore_mem>>) {add = true}
      %dma_wait3A_97 = arith.constant 0 : i32
      %dma_wait3A_98 = tpu.memref_slice %arg7[%add3A_41, %dma_wait3A_97] : memref<160x128xi32, #tpu.memory_space<vmem>> -> memref<1x128xi32, #tpu.memory_space<vmem>>
      %dma_wait3A_99 = tpu.memref_squeeze %dma_wait3A_98 : memref<1x128xi32, #tpu.memory_space<vmem>> -> memref<128xi32, #tpu.memory_space<vmem>>
      %dma_wait3A_100 = arith.constant 0 : i32
      %dma_wait3A_101 = arith.constant 0 : i32
      %dma_wait3A_102 = tpu.memref_slice %arg2[%dma_wait3A_100, %dma_wait3A_101] : memref<20000x64xf32, #tpu.memory_space<hbm>> -> memref<20000x64xf32, #tpu.memory_space<hbm>>
      tpu.wait_indirect_dma semaphore(%arg17 : memref<!tpu.dma_semaphore, #tpu.memory_space<semaphore_mem>>) src(%dma_wait3A_102 : memref<20000x64xf32, #tpu.memory_space<hbm>>) dst(%arg12 : memref<128x64xf32, #tpu.memory_space<vmem>>)
      %add3A_103 = arith.constant 3 : i32
      %add3A_104 = arith.addi %mul3A_17, %add3A_103 : i32
      %dma_start3A_105 = arith.constant 0 : i32
      %dma_start3A_106 = tpu.memref_slice %arg8[%add3A_104, %dma_start3A_105] : memref<160x128xi32, #tpu.memory_space<vmem>> -> memref<1x128xi32, #tpu.memory_space<vmem>>
      %dma_start3A_107 = tpu.memref_squeeze %dma_start3A_106 : memref<1x128xi32, #tpu.memory_space<vmem>> -> memref<128xi32, #tpu.memory_space<vmem>>
      %dma_start3A_108 = arith.constant 0 : i32
      %dma_start3A_109 = arith.constant 0 : i32
      %dma_start3A_110 = tpu.memref_slice %arg24[%dma_start3A_108, %dma_start3A_109] : memref<10240x64xf32, #tpu.memory_space<vmem_shared>> -> memref<10240x64xf32, #tpu.memory_space<vmem_shared>>
      tpu.enqueue_indirect_dma source(%arg12 : memref<128x64xf32, #tpu.memory_space<vmem>>) target(%dma_start3A_110 : memref<10240x64xf32, #tpu.memory_space<vmem_shared>>) offsets(%dma_start3A_107 : memref<128xi32, #tpu.memory_space<vmem>>) semaphore(%arg22 : memref<!tpu.dma_semaphore, #tpu.memory_space<semaphore_mem>>) {add = true}
      %dma_wait3A_111 = arith.constant 0 : i32
      %dma_wait3A_112 = tpu.memref_slice %arg7[%add3A_49, %dma_wait3A_111] : memref<160x128xi32, #tpu.memory_space<vmem>> -> memref<1x128xi32, #tpu.memory_space<vmem>>
      %dma_wait3A_113 = tpu.memref_squeeze %dma_wait3A_112 : memref<1x128xi32, #tpu.memory_space<vmem>> -> memref<128xi32, #tpu.memory_space<vmem>>
      %dma_wait3A_114 = arith.constant 0 : i32
      %dma_wait3A_115 = arith.constant 0 : i32
      %dma_wait3A_116 = tpu.memref_slice %arg2[%dma_wait3A_114, %dma_wait3A_115] : memref<20000x64xf32, #tpu.memory_space<hbm>> -> memref<20000x64xf32, #tpu.memory_space<hbm>>
      tpu.wait_indirect_dma semaphore(%arg18 : memref<!tpu.dma_semaphore, #tpu.memory_space<semaphore_mem>>) src(%dma_wait3A_116 : memref<20000x64xf32, #tpu.memory_space<hbm>>) dst(%arg13 : memref<128x64xf32, #tpu.memory_space<vmem>>)
      %add3A_117 = arith.constant 4 : i32
      %add3A_118 = arith.addi %mul3A_17, %add3A_117 : i32
      %dma_start3A_119 = arith.constant 0 : i32
      %dma_start3A_120 = tpu.memref_slice %arg8[%add3A_118, %dma_start3A_119] : memref<160x128xi32, #tpu.memory_space<vmem>> -> memref<1x128xi32, #tpu.memory_space<vmem>>
      %dma_start3A_121 = tpu.memref_squeeze %dma_start3A_120 : memref<1x128xi32, #tpu.memory_space<vmem>> -> memref<128xi32, #tpu.memory_space<vmem>>
      %dma_start3A_122 = arith.constant 0 : i32
      %dma_start3A_123 = arith.constant 0 : i32
      %dma_start3A_124 = tpu.memref_slice %arg24[%dma_start3A_122, %dma_start3A_123] : memref<10240x64xf32, #tpu.memory_space<vmem_shared>> -> memref<10240x64xf32, #tpu.memory_space<vmem_shared>>
      tpu.enqueue_indirect_dma source(%arg13 : memref<128x64xf32, #tpu.memory_space<vmem>>) target(%dma_start3A_124 : memref<10240x64xf32, #tpu.memory_space<vmem_shared>>) offsets(%dma_start3A_121 : memref<128xi32, #tpu.memory_space<vmem>>) semaphore(%arg23 : memref<!tpu.dma_semaphore, #tpu.memory_space<semaphore_mem>>) {add = true}
      %dma_wait3A_125 = arith.constant 0 : i32
      %dma_wait3A_126 = tpu.memref_slice %arg8[%add3A_62, %dma_wait3A_125] : memref<160x128xi32, #tpu.memory_space<vmem>> -> memref<1x128xi32, #tpu.memory_space<vmem>>
      %dma_wait3A_127 = tpu.memref_squeeze %dma_wait3A_126 : memref<1x128xi32, #tpu.memory_space<vmem>> -> memref<128xi32, #tpu.memory_space<vmem>>
      %dma_wait3A_128 = arith.constant 0 : i32
      %dma_wait3A_129 = arith.constant 0 : i32
      %dma_wait3A_130 = tpu.memref_slice %arg24[%dma_wait3A_128, %dma_wait3A_129] : memref<10240x64xf32, #tpu.memory_space<vmem_shared>> -> memref<10240x64xf32, #tpu.memory_space<vmem_shared>>
      tpu.wait_indirect_dma semaphore(%arg19 : memref<!tpu.dma_semaphore, #tpu.memory_space<semaphore_mem>>) src(%arg9 : memref<128x64xf32, #tpu.memory_space<vmem>>) dst(%dma_wait3A_130 : memref<10240x64xf32, #tpu.memory_space<vmem_shared>>)
      %dma_wait3A_131 = arith.constant 0 : i32
      %dma_wait3A_132 = tpu.memref_slice %arg8[%add3A_76, %dma_wait3A_131] : memref<160x128xi32, #tpu.memory_space<vmem>> -> memref<1x128xi32, #tpu.memory_space<vmem>>
      %dma_wait3A_133 = tpu.memref_squeeze %dma_wait3A_132 : memref<1x128xi32, #tpu.memory_space<vmem>> -> memref<128xi32, #tpu.memory_space<vmem>>
      %dma_wait3A_134 = arith.constant 0 : i32
      %dma_wait3A_135 = arith.constant 0 : i32
      %dma_wait3A_136 = tpu.memref_slice %arg24[%dma_wait3A_134, %dma_wait3A_135] : memref<10240x64xf32, #tpu.memory_space<vmem_shared>> -> memref<10240x64xf32, #tpu.memory_space<vmem_shared>>
      tpu.wait_indirect_dma semaphore(%arg20 : memref<!tpu.dma_semaphore, #tpu.memory_space<semaphore_mem>>) src(%arg10 : memref<128x64xf32, #tpu.memory_space<vmem>>) dst(%dma_wait3A_136 : memref<10240x64xf32, #tpu.memory_space<vmem_shared>>)
      %dma_wait3A_137 = arith.constant 0 : i32
      %dma_wait3A_138 = tpu.memref_slice %arg8[%add3A_90, %dma_wait3A_137] : memref<160x128xi32, #tpu.memory_space<vmem>> -> memref<1x128xi32, #tpu.memory_space<vmem>>
      %dma_wait3A_139 = tpu.memref_squeeze %dma_wait3A_138 : memref<1x128xi32, #tpu.memory_space<vmem>> -> memref<128xi32, #tpu.memory_space<vmem>>
      %dma_wait3A_140 = arith.constant 0 : i32
      %dma_wait3A_141 = arith.constant 0 : i32
      %dma_wait3A_142 = tpu.memref_slice %arg24[%dma_wait3A_140, %dma_wait3A_141] : memref<10240x64xf32, #tpu.memory_space<vmem_shared>> -> memref<10240x64xf32, #tpu.memory_space<vmem_shared>>
      tpu.wait_indirect_dma semaphore(%arg21 : memref<!tpu.dma_semaphore, #tpu.memory_space<semaphore_mem>>) src(%arg11 : memref<128x64xf32, #tpu.memory_space<vmem>>) dst(%dma_wait3A_142 : memref<10240x64xf32, #tpu.memory_space<vmem_shared>>)
      %dma_wait3A_143 = arith.constant 0 : i32
      %dma_wait3A_144 = tpu.memref_slice %arg8[%add3A_104, %dma_wait3A_143] : memref<160x128xi32, #tpu.memory_space<vmem>> -> memref<1x128xi32, #tpu.memory_space<vmem>>
      %dma_wait3A_145 = tpu.memref_squeeze %dma_wait3A_144 : memref<1x128xi32, #tpu.memory_space<vmem>> -> memref<128xi32, #tpu.memory_space<vmem>>
      %dma_wait3A_146 = arith.constant 0 : i32
      %dma_wait3A_147 = arith.constant 0 : i32
      %dma_wait3A_148 = tpu.memref_slice %arg24[%dma_wait3A_146, %dma_wait3A_147] : memref<10240x64xf32, #tpu.memory_space<vmem_shared>> -> memref<10240x64xf32, #tpu.memory_space<vmem_shared>>
      tpu.wait_indirect_dma semaphore(%arg22 : memref<!tpu.dma_semaphore, #tpu.memory_space<semaphore_mem>>) src(%arg12 : memref<128x64xf32, #tpu.memory_space<vmem>>) dst(%dma_wait3A_148 : memref<10240x64xf32, #tpu.memory_space<vmem_shared>>)
      %dma_wait3A_149 = arith.constant 0 : i32
      %dma_wait3A_150 = tpu.memref_slice %arg8[%add3A_118, %dma_wait3A_149] : memref<160x128xi32, #tpu.memory_space<vmem>> -> memref<1x128xi32, #tpu.memory_space<vmem>>
      %dma_wait3A_151 = tpu.memref_squeeze %dma_wait3A_150 : memref<1x128xi32, #tpu.memory_space<vmem>> -> memref<128xi32, #tpu.memory_space<vmem>>
      %dma_wait3A_152 = arith.constant 0 : i32
      %dma_wait3A_153 = arith.constant 0 : i32
      %dma_wait3A_154 = tpu.memref_slice %arg24[%dma_wait3A_152, %dma_wait3A_153] : memref<10240x64xf32, #tpu.memory_space<vmem_shared>> -> memref<10240x64xf32, #tpu.memory_space<vmem_shared>>
      tpu.wait_indirect_dma semaphore(%arg23 : memref<!tpu.dma_semaphore, #tpu.memory_space<semaphore_mem>>) src(%arg13 : memref<128x64xf32, #tpu.memory_space<vmem>>) dst(%dma_wait3A_154 : memref<10240x64xf32, #tpu.memory_space<vmem_shared>>)
    }
    %scan3A_9 = arith.constant 32 : i32
    %barrier3A_10 = arith.constant 0 : index
    tpu.barrier barrier_id(%barrier3A_10)
    %mul3A_11 = arith.constant 640 : i32
    %mul3A_12 = arith.muli %arg1, %mul3A_11 : i32
    %mul3A_13 = arith.constant 640 : i32
    %mul3A_14 = arith.muli %arg1, %mul3A_13 : i32
    "tpu.region"() ({
      %run_scoped3A = tpu.sem_alloc : memref<!tpu.dma_semaphore, #tpu.memory_space<semaphore_mem>>
      %dma_start3A = arith.constant 0 : i32
      %dma_start3A_15 = tpu.memref_slice %arg6[%arg0, %mul3A_14, %dma_start3A] : memref<2x10240x64xf32, #tpu.memory_space<hbm>> -> memref<1x640x64xf32, #tpu.memory_space<hbm>>
      %dma_start3A_16 = tpu.memref_squeeze %dma_start3A_15 : memref<1x640x64xf32, #tpu.memory_space<hbm>> -> memref<640x64xf32, #tpu.memory_space<hbm>>
      %dma_start3A_17 = arith.constant 0 : i32
      %dma_start3A_18 = tpu.memref_slice %arg24[%mul3A_12, %dma_start3A_17] : memref<10240x64xf32, #tpu.memory_space<vmem_shared>> -> memref<640x64xf32, #tpu.memory_space<vmem_shared>>
      tpu.enqueue_dma source(%dma_start3A_18 : memref<640x64xf32, #tpu.memory_space<vmem_shared>>) target(%dma_start3A_16 : memref<640x64xf32, #tpu.memory_space<hbm>>) target_semaphore(%run_scoped3A : memref<!tpu.dma_semaphore, #tpu.memory_space<semaphore_mem>>)
      %dma_wait3A = arith.constant 0 : i32
      %dma_wait3A_19 = tpu.memref_slice %arg6[%arg0, %mul3A_14, %dma_wait3A] : memref<2x10240x64xf32, #tpu.memory_space<hbm>> -> memref<1x640x64xf32, #tpu.memory_space<hbm>>
      %dma_wait3A_20 = tpu.memref_squeeze %dma_wait3A_19 : memref<1x640x64xf32, #tpu.memory_space<hbm>> -> memref<640x64xf32, #tpu.memory_space<hbm>>
      %dma_wait3A_21 = arith.constant 0 : i32
      %dma_wait3A_22 = tpu.memref_slice %arg24[%mul3A_12, %dma_wait3A_21] : memref<10240x64xf32, #tpu.memory_space<vmem_shared>> -> memref<640x64xf32, #tpu.memory_space<vmem_shared>>
      tpu.wait_dma2 semaphore(%run_scoped3A : memref<!tpu.dma_semaphore, #tpu.memory_space<semaphore_mem>>) src(%dma_wait3A_22 : memref<640x64xf32, #tpu.memory_space<vmem_shared>>) dst(%dma_wait3A_20 : memref<640x64xf32, #tpu.memory_space<hbm>>)
      tpu.yield
    }) : () -> ()
    return
  }
}

#map = affine_map<(d0, d1) -> (0, 0)>
#map1 = affine_map<(d0, d1) -> (0, 0, 0)>
module attributes {stable_mosaic.version = 14 : i64} {
  func.func @_deg_body(%arg0: i32, %arg1: i32, %arg2: memref<2560x128xi32, #tpu.memory_space<hbm>>, %arg3: memref<128x16xf32, #tpu.memory_space<hbm>>, %arg4: memref<640x16xf32, #tpu.memory_space<hbm>>, %arg5: memref<2x10240x16xf32, #tpu.memory_space<hbm>>, %arg6: memref<80x128xi32, #tpu.memory_space<vmem>>, %arg7: memref<128x16xf32, #tpu.memory_space<vmem>>, %arg8: memref<10240x16xf32, #tpu.memory_space<vmem_shared>>) attributes {dimension_semantics = [#tpu.dimension_semantics<core_parallel>, #tpu.dimension_semantics<subcore_parallel>], iteration_bounds = array<i64: 2, 16>, scalar_prefetch = 0 : i64, scratch_operands = 3 : i64, tpu.core_type = #tpu.core_type<sc_vector_subcore>, window_params = [{transform_indices = #map}, {transform_indices = #map}, {transform_indices = #map}, {transform_indices = #map1}]} {
    %mul3A = arith.constant 16 : i32
    %mul3A_0 = arith.muli %arg0, %mul3A : i32
    %add3A = arith.addi %mul3A_0, %arg1 : i32
    %mul3A_1 = arith.constant 640 : i32
    %mul3A_2 = arith.muli %arg1, %mul3A_1 : i32
    "tpu.region"() ({
      %run_scoped3A = tpu.sem_alloc : memref<!tpu.dma_semaphore, #tpu.memory_space<semaphore_mem>>
      %dma_start3A = arith.constant 0 : i32
      %dma_start3A_15 = tpu.memref_slice %arg8[%mul3A_2, %dma_start3A] : memref<10240x16xf32, #tpu.memory_space<vmem_shared>> -> memref<640x16xf32, #tpu.memory_space<vmem_shared>>
      %dma_start3A_16 = arith.constant 0 : i32
      %dma_start3A_17 = arith.constant 0 : i32
      %dma_start3A_18 = tpu.memref_slice %arg4[%dma_start3A_16, %dma_start3A_17] : memref<640x16xf32, #tpu.memory_space<hbm>> -> memref<640x16xf32, #tpu.memory_space<hbm>>
      tpu.enqueue_dma source(%dma_start3A_18 : memref<640x16xf32, #tpu.memory_space<hbm>>) target(%dma_start3A_15 : memref<640x16xf32, #tpu.memory_space<vmem_shared>>) target_semaphore(%run_scoped3A : memref<!tpu.dma_semaphore, #tpu.memory_space<semaphore_mem>>)
      %dma_wait3A = arith.constant 0 : i32
      %dma_wait3A_19 = tpu.memref_slice %arg8[%mul3A_2, %dma_wait3A] : memref<10240x16xf32, #tpu.memory_space<vmem_shared>> -> memref<640x16xf32, #tpu.memory_space<vmem_shared>>
      %dma_wait3A_20 = arith.constant 0 : i32
      %dma_wait3A_21 = arith.constant 0 : i32
      %dma_wait3A_22 = tpu.memref_slice %arg4[%dma_wait3A_20, %dma_wait3A_21] : memref<640x16xf32, #tpu.memory_space<hbm>> -> memref<640x16xf32, #tpu.memory_space<hbm>>
      tpu.wait_dma2 semaphore(%run_scoped3A : memref<!tpu.dma_semaphore, #tpu.memory_space<semaphore_mem>>) src(%dma_wait3A_22 : memref<640x16xf32, #tpu.memory_space<hbm>>) dst(%dma_wait3A_19 : memref<640x16xf32, #tpu.memory_space<vmem_shared>>)
      tpu.yield
    }) : () -> ()
    %mul3A_3 = arith.constant 80 : i32
    %mul3A_4 = arith.muli %add3A, %mul3A_3 : i32
    "tpu.region"() ({
      %run_scoped3A = tpu.sem_alloc : memref<!tpu.dma_semaphore, #tpu.memory_space<semaphore_mem>>
      %dma_start3A = arith.constant 0 : i32
      %dma_start3A_15 = tpu.memref_slice %arg2[%mul3A_4, %dma_start3A] : memref<2560x128xi32, #tpu.memory_space<hbm>> -> memref<80x128xi32, #tpu.memory_space<hbm>>
      %dma_start3A_16 = arith.constant 0 : i32
      %dma_start3A_17 = tpu.memref_slice %arg2[%mul3A_4, %dma_start3A_16] : memref<2560x128xi32, #tpu.memory_space<hbm>> -> memref<80x128xi32, #tpu.memory_space<hbm>>
      tpu.enqueue_dma source(%dma_start3A_17 : memref<80x128xi32, #tpu.memory_space<hbm>>) target(%arg6 : memref<80x128xi32, #tpu.memory_space<vmem>>) target_semaphore(%run_scoped3A : memref<!tpu.dma_semaphore, #tpu.memory_space<semaphore_mem>>)
      %dma_wait3A = arith.constant 0 : i32
      %dma_wait3A_18 = tpu.memref_slice %arg2[%mul3A_4, %dma_wait3A] : memref<2560x128xi32, #tpu.memory_space<hbm>> -> memref<80x128xi32, #tpu.memory_space<hbm>>
      %dma_wait3A_19 = arith.constant 0 : i32
      %dma_wait3A_20 = tpu.memref_slice %arg2[%mul3A_4, %dma_wait3A_19] : memref<2560x128xi32, #tpu.memory_space<hbm>> -> memref<80x128xi32, #tpu.memory_space<hbm>>
      tpu.wait_dma2 semaphore(%run_scoped3A : memref<!tpu.dma_semaphore, #tpu.memory_space<semaphore_mem>>) src(%dma_wait3A_20 : memref<80x128xi32, #tpu.memory_space<hbm>>) dst(%arg6 : memref<80x128xi32, #tpu.memory_space<vmem>>)
      tpu.yield
    }) : () -> ()
    "tpu.region"() ({
      %run_scoped3A = tpu.sem_alloc : memref<!tpu.dma_semaphore, #tpu.memory_space<semaphore_mem>>
      tpu.enqueue_dma source(%arg3 : memref<128x16xf32, #tpu.memory_space<hbm>>) target(%arg7 : memref<128x16xf32, #tpu.memory_space<vmem>>) target_semaphore(%run_scoped3A : memref<!tpu.dma_semaphore, #tpu.memory_space<semaphore_mem>>)
      tpu.wait_dma2 semaphore(%run_scoped3A : memref<!tpu.dma_semaphore, #tpu.memory_space<semaphore_mem>>) src(%arg3 : memref<128x16xf32, #tpu.memory_space<hbm>>) dst(%arg7 : memref<128x16xf32, #tpu.memory_space<vmem>>)
      tpu.yield
    }) : () -> ()
    %barrier3A = arith.constant 0 : index
    tpu.barrier barrier_id(%barrier3A)
    %scan3A = arith.constant 0 : i32
    %scan3A_5 = arith.constant 0 : i32
    %scan3A_6 = arith.constant 20 : i32
    %scan3A_7 = arith.addi %scan3A_5, %scan3A_6 : i32
    %scan3A_8 = arith.constant 1 : i32
    scf.for %scan3A_15 = %scan3A_5 to %scan3A_7 step %scan3A_8  : i32 {
      %mul3A_16 = arith.constant 4 : i32
      %mul3A_17 = arith.muli %scan3A_15, %mul3A_16 : i32
      %add3A_18 = arith.constant 0 : i32
      %add3A_19 = arith.addi %mul3A_17, %add3A_18 : i32
      "tpu.region"() ({
        %run_scoped3A = tpu.sem_alloc : memref<!tpu.dma_semaphore, #tpu.memory_space<semaphore_mem>>
        %dma_start3A = arith.constant 0 : i32
        %dma_start3A_32 = tpu.memref_slice %arg6[%add3A_19, %dma_start3A] : memref<80x128xi32, #tpu.memory_space<vmem>> -> memref<1x128xi32, #tpu.memory_space<vmem>>
        %dma_start3A_33 = tpu.memref_squeeze %dma_start3A_32 : memref<1x128xi32, #tpu.memory_space<vmem>> -> memref<128xi32, #tpu.memory_space<vmem>>
        %dma_start3A_34 = arith.constant 0 : i32
        %dma_start3A_35 = arith.constant 0 : i32
        %dma_start3A_36 = tpu.memref_slice %arg8[%dma_start3A_34, %dma_start3A_35] : memref<10240x16xf32, #tpu.memory_space<vmem_shared>> -> memref<10240x16xf32, #tpu.memory_space<vmem_shared>>
        tpu.enqueue_indirect_dma source(%arg7 : memref<128x16xf32, #tpu.memory_space<vmem>>) target(%dma_start3A_36 : memref<10240x16xf32, #tpu.memory_space<vmem_shared>>) offsets(%dma_start3A_33 : memref<128xi32, #tpu.memory_space<vmem>>) semaphore(%run_scoped3A : memref<!tpu.dma_semaphore, #tpu.memory_space<semaphore_mem>>) {add = true}
        %dma_wait3A = arith.constant 0 : i32
        %dma_wait3A_37 = tpu.memref_slice %arg6[%add3A_19, %dma_wait3A] : memref<80x128xi32, #tpu.memory_space<vmem>> -> memref<1x128xi32, #tpu.memory_space<vmem>>
        %dma_wait3A_38 = tpu.memref_squeeze %dma_wait3A_37 : memref<1x128xi32, #tpu.memory_space<vmem>> -> memref<128xi32, #tpu.memory_space<vmem>>
        %dma_wait3A_39 = arith.constant 0 : i32
        %dma_wait3A_40 = arith.constant 0 : i32
        %dma_wait3A_41 = tpu.memref_slice %arg8[%dma_wait3A_39, %dma_wait3A_40] : memref<10240x16xf32, #tpu.memory_space<vmem_shared>> -> memref<10240x16xf32, #tpu.memory_space<vmem_shared>>
        tpu.wait_indirect_dma semaphore(%run_scoped3A : memref<!tpu.dma_semaphore, #tpu.memory_space<semaphore_mem>>) src(%arg7 : memref<128x16xf32, #tpu.memory_space<vmem>>) dst(%dma_wait3A_41 : memref<10240x16xf32, #tpu.memory_space<vmem_shared>>)
        tpu.yield
      }) : () -> ()
      %mul3A_20 = arith.constant 4 : i32
      %mul3A_21 = arith.muli %scan3A_15, %mul3A_20 : i32
      %add3A_22 = arith.constant 1 : i32
      %add3A_23 = arith.addi %mul3A_21, %add3A_22 : i32
      "tpu.region"() ({
        %run_scoped3A = tpu.sem_alloc : memref<!tpu.dma_semaphore, #tpu.memory_space<semaphore_mem>>
        %dma_start3A = arith.constant 0 : i32
        %dma_start3A_32 = tpu.memref_slice %arg6[%add3A_23, %dma_start3A] : memref<80x128xi32, #tpu.memory_space<vmem>> -> memref<1x128xi32, #tpu.memory_space<vmem>>
        %dma_start3A_33 = tpu.memref_squeeze %dma_start3A_32 : memref<1x128xi32, #tpu.memory_space<vmem>> -> memref<128xi32, #tpu.memory_space<vmem>>
        %dma_start3A_34 = arith.constant 0 : i32
        %dma_start3A_35 = arith.constant 0 : i32
        %dma_start3A_36 = tpu.memref_slice %arg8[%dma_start3A_34, %dma_start3A_35] : memref<10240x16xf32, #tpu.memory_space<vmem_shared>> -> memref<10240x16xf32, #tpu.memory_space<vmem_shared>>
        tpu.enqueue_indirect_dma source(%arg7 : memref<128x16xf32, #tpu.memory_space<vmem>>) target(%dma_start3A_36 : memref<10240x16xf32, #tpu.memory_space<vmem_shared>>) offsets(%dma_start3A_33 : memref<128xi32, #tpu.memory_space<vmem>>) semaphore(%run_scoped3A : memref<!tpu.dma_semaphore, #tpu.memory_space<semaphore_mem>>) {add = true}
        %dma_wait3A = arith.constant 0 : i32
        %dma_wait3A_37 = tpu.memref_slice %arg6[%add3A_23, %dma_wait3A] : memref<80x128xi32, #tpu.memory_space<vmem>> -> memref<1x128xi32, #tpu.memory_space<vmem>>
        %dma_wait3A_38 = tpu.memref_squeeze %dma_wait3A_37 : memref<1x128xi32, #tpu.memory_space<vmem>> -> memref<128xi32, #tpu.memory_space<vmem>>
        %dma_wait3A_39 = arith.constant 0 : i32
        %dma_wait3A_40 = arith.constant 0 : i32
        %dma_wait3A_41 = tpu.memref_slice %arg8[%dma_wait3A_39, %dma_wait3A_40] : memref<10240x16xf32, #tpu.memory_space<vmem_shared>> -> memref<10240x16xf32, #tpu.memory_space<vmem_shared>>
        tpu.wait_indirect_dma semaphore(%run_scoped3A : memref<!tpu.dma_semaphore, #tpu.memory_space<semaphore_mem>>) src(%arg7 : memref<128x16xf32, #tpu.memory_space<vmem>>) dst(%dma_wait3A_41 : memref<10240x16xf32, #tpu.memory_space<vmem_shared>>)
        tpu.yield
      }) : () -> ()
      %mul3A_24 = arith.constant 4 : i32
      %mul3A_25 = arith.muli %scan3A_15, %mul3A_24 : i32
      %add3A_26 = arith.constant 2 : i32
      %add3A_27 = arith.addi %mul3A_25, %add3A_26 : i32
      "tpu.region"() ({
        %run_scoped3A = tpu.sem_alloc : memref<!tpu.dma_semaphore, #tpu.memory_space<semaphore_mem>>
        %dma_start3A = arith.constant 0 : i32
        %dma_start3A_32 = tpu.memref_slice %arg6[%add3A_27, %dma_start3A] : memref<80x128xi32, #tpu.memory_space<vmem>> -> memref<1x128xi32, #tpu.memory_space<vmem>>
        %dma_start3A_33 = tpu.memref_squeeze %dma_start3A_32 : memref<1x128xi32, #tpu.memory_space<vmem>> -> memref<128xi32, #tpu.memory_space<vmem>>
        %dma_start3A_34 = arith.constant 0 : i32
        %dma_start3A_35 = arith.constant 0 : i32
        %dma_start3A_36 = tpu.memref_slice %arg8[%dma_start3A_34, %dma_start3A_35] : memref<10240x16xf32, #tpu.memory_space<vmem_shared>> -> memref<10240x16xf32, #tpu.memory_space<vmem_shared>>
        tpu.enqueue_indirect_dma source(%arg7 : memref<128x16xf32, #tpu.memory_space<vmem>>) target(%dma_start3A_36 : memref<10240x16xf32, #tpu.memory_space<vmem_shared>>) offsets(%dma_start3A_33 : memref<128xi32, #tpu.memory_space<vmem>>) semaphore(%run_scoped3A : memref<!tpu.dma_semaphore, #tpu.memory_space<semaphore_mem>>) {add = true}
        %dma_wait3A = arith.constant 0 : i32
        %dma_wait3A_37 = tpu.memref_slice %arg6[%add3A_27, %dma_wait3A] : memref<80x128xi32, #tpu.memory_space<vmem>> -> memref<1x128xi32, #tpu.memory_space<vmem>>
        %dma_wait3A_38 = tpu.memref_squeeze %dma_wait3A_37 : memref<1x128xi32, #tpu.memory_space<vmem>> -> memref<128xi32, #tpu.memory_space<vmem>>
        %dma_wait3A_39 = arith.constant 0 : i32
        %dma_wait3A_40 = arith.constant 0 : i32
        %dma_wait3A_41 = tpu.memref_slice %arg8[%dma_wait3A_39, %dma_wait3A_40] : memref<10240x16xf32, #tpu.memory_space<vmem_shared>> -> memref<10240x16xf32, #tpu.memory_space<vmem_shared>>
        tpu.wait_indirect_dma semaphore(%run_scoped3A : memref<!tpu.dma_semaphore, #tpu.memory_space<semaphore_mem>>) src(%arg7 : memref<128x16xf32, #tpu.memory_space<vmem>>) dst(%dma_wait3A_41 : memref<10240x16xf32, #tpu.memory_space<vmem_shared>>)
        tpu.yield
      }) : () -> ()
      %mul3A_28 = arith.constant 4 : i32
      %mul3A_29 = arith.muli %scan3A_15, %mul3A_28 : i32
      %add3A_30 = arith.constant 3 : i32
      %add3A_31 = arith.addi %mul3A_29, %add3A_30 : i32
      "tpu.region"() ({
        %run_scoped3A = tpu.sem_alloc : memref<!tpu.dma_semaphore, #tpu.memory_space<semaphore_mem>>
        %dma_start3A = arith.constant 0 : i32
        %dma_start3A_32 = tpu.memref_slice %arg6[%add3A_31, %dma_start3A] : memref<80x128xi32, #tpu.memory_space<vmem>> -> memref<1x128xi32, #tpu.memory_space<vmem>>
        %dma_start3A_33 = tpu.memref_squeeze %dma_start3A_32 : memref<1x128xi32, #tpu.memory_space<vmem>> -> memref<128xi32, #tpu.memory_space<vmem>>
        %dma_start3A_34 = arith.constant 0 : i32
        %dma_start3A_35 = arith.constant 0 : i32
        %dma_start3A_36 = tpu.memref_slice %arg8[%dma_start3A_34, %dma_start3A_35] : memref<10240x16xf32, #tpu.memory_space<vmem_shared>> -> memref<10240x16xf32, #tpu.memory_space<vmem_shared>>
        tpu.enqueue_indirect_dma source(%arg7 : memref<128x16xf32, #tpu.memory_space<vmem>>) target(%dma_start3A_36 : memref<10240x16xf32, #tpu.memory_space<vmem_shared>>) offsets(%dma_start3A_33 : memref<128xi32, #tpu.memory_space<vmem>>) semaphore(%run_scoped3A : memref<!tpu.dma_semaphore, #tpu.memory_space<semaphore_mem>>) {add = true}
        %dma_wait3A = arith.constant 0 : i32
        %dma_wait3A_37 = tpu.memref_slice %arg6[%add3A_31, %dma_wait3A] : memref<80x128xi32, #tpu.memory_space<vmem>> -> memref<1x128xi32, #tpu.memory_space<vmem>>
        %dma_wait3A_38 = tpu.memref_squeeze %dma_wait3A_37 : memref<1x128xi32, #tpu.memory_space<vmem>> -> memref<128xi32, #tpu.memory_space<vmem>>
        %dma_wait3A_39 = arith.constant 0 : i32
        %dma_wait3A_40 = arith.constant 0 : i32
        %dma_wait3A_41 = tpu.memref_slice %arg8[%dma_wait3A_39, %dma_wait3A_40] : memref<10240x16xf32, #tpu.memory_space<vmem_shared>> -> memref<10240x16xf32, #tpu.memory_space<vmem_shared>>
        tpu.wait_indirect_dma semaphore(%run_scoped3A : memref<!tpu.dma_semaphore, #tpu.memory_space<semaphore_mem>>) src(%arg7 : memref<128x16xf32, #tpu.memory_space<vmem>>) dst(%dma_wait3A_41 : memref<10240x16xf32, #tpu.memory_space<vmem_shared>>)
        tpu.yield
      }) : () -> ()
    }
    %scan3A_9 = arith.constant 20 : i32
    %barrier3A_10 = arith.constant 0 : index
    tpu.barrier barrier_id(%barrier3A_10)
    %mul3A_11 = arith.constant 640 : i32
    %mul3A_12 = arith.muli %arg1, %mul3A_11 : i32
    %mul3A_13 = arith.constant 640 : i32
    %mul3A_14 = arith.muli %arg1, %mul3A_13 : i32
    "tpu.region"() ({
      %run_scoped3A = tpu.sem_alloc : memref<!tpu.dma_semaphore, #tpu.memory_space<semaphore_mem>>
      %dma_start3A = arith.constant 0 : i32
      %dma_start3A_15 = tpu.memref_slice %arg5[%arg0, %mul3A_14, %dma_start3A] : memref<2x10240x16xf32, #tpu.memory_space<hbm>> -> memref<1x640x16xf32, #tpu.memory_space<hbm>>
      %dma_start3A_16 = tpu.memref_squeeze %dma_start3A_15 : memref<1x640x16xf32, #tpu.memory_space<hbm>> -> memref<640x16xf32, #tpu.memory_space<hbm>>
      %dma_start3A_17 = arith.constant 0 : i32
      %dma_start3A_18 = tpu.memref_slice %arg8[%mul3A_12, %dma_start3A_17] : memref<10240x16xf32, #tpu.memory_space<vmem_shared>> -> memref<640x16xf32, #tpu.memory_space<vmem_shared>>
      tpu.enqueue_dma source(%dma_start3A_18 : memref<640x16xf32, #tpu.memory_space<vmem_shared>>) target(%dma_start3A_16 : memref<640x16xf32, #tpu.memory_space<hbm>>) target_semaphore(%run_scoped3A : memref<!tpu.dma_semaphore, #tpu.memory_space<semaphore_mem>>)
      %dma_wait3A = arith.constant 0 : i32
      %dma_wait3A_19 = tpu.memref_slice %arg5[%arg0, %mul3A_14, %dma_wait3A] : memref<2x10240x16xf32, #tpu.memory_space<hbm>> -> memref<1x640x16xf32, #tpu.memory_space<hbm>>
      %dma_wait3A_20 = tpu.memref_squeeze %dma_wait3A_19 : memref<1x640x16xf32, #tpu.memory_space<hbm>> -> memref<640x16xf32, #tpu.memory_space<hbm>>
      %dma_wait3A_21 = arith.constant 0 : i32
      %dma_wait3A_22 = tpu.memref_slice %arg8[%mul3A_12, %dma_wait3A_21] : memref<10240x16xf32, #tpu.memory_space<vmem_shared>> -> memref<640x16xf32, #tpu.memory_space<vmem_shared>>
      tpu.wait_dma2 semaphore(%run_scoped3A : memref<!tpu.dma_semaphore, #tpu.memory_space<semaphore_mem>>) src(%dma_wait3A_22 : memref<640x16xf32, #tpu.memory_space<vmem_shared>>) dst(%dma_wait3A_20 : memref<640x16xf32, #tpu.memory_space<hbm>>)
      tpu.yield
    }) : () -> ()
    return
  }
}

#map = affine_map<(d0, d1) -> (0, 0)>
#map1 = affine_map<(d0, d1) -> (0, 0, 0)>
module attributes {stable_mosaic.version = 14 : i64} {
  func.func @_agg_body(%arg0: i32, %arg1: i32, %arg2: memref<20000x64xf32, #tpu.memory_space<hbm>>, %arg3: memref<2x2560x128xi32, #tpu.memory_space<hbm>>, %arg4: memref<2560x128xi32, #tpu.memory_space<hbm>>, %arg5: memref<640x64xf32, #tpu.memory_space<hbm>>, %arg6: memref<2x10240x64xf32, #tpu.memory_space<hbm>>, %arg7: memref<160x128xi32, #tpu.memory_space<vmem>>, %arg8: memref<160x128xi32, #tpu.memory_space<vmem>>, %arg9: memref<128x64xf32, #tpu.memory_space<vmem>>, %arg10: memref<128x64xf32, #tpu.memory_space<vmem>>, %arg11: memref<128x64xf32, #tpu.memory_space<vmem>>, %arg12: memref<128x64xf32, #tpu.memory_space<vmem>>, %arg13: memref<128x64xf32, #tpu.memory_space<vmem>>, %arg14: memref<!tpu.dma_semaphore, #tpu.memory_space<semaphore_mem>>, %arg15: memref<!tpu.dma_semaphore, #tpu.memory_space<semaphore_mem>>, %arg16: memref<!tpu.dma_semaphore, #tpu.memory_space<semaphore_mem>>, %arg17: memref<!tpu.dma_semaphore, #tpu.memory_space<semaphore_mem>>, %arg18: memref<!tpu.dma_semaphore, #tpu.memory_space<semaphore_mem>>, %arg19: memref<!tpu.dma_semaphore, #tpu.memory_space<semaphore_mem>>, %arg20: memref<!tpu.dma_semaphore, #tpu.memory_space<semaphore_mem>>, %arg21: memref<!tpu.dma_semaphore, #tpu.memory_space<semaphore_mem>>, %arg22: memref<!tpu.dma_semaphore, #tpu.memory_space<semaphore_mem>>, %arg23: memref<!tpu.dma_semaphore, #tpu.memory_space<semaphore_mem>>, %arg24: memref<10240x64xf32, #tpu.memory_space<vmem_shared>>) attributes {dimension_semantics = [#tpu.dimension_semantics<core_parallel>, #tpu.dimension_semantics<subcore_parallel>], iteration_bounds = array<i64: 2, 16>, scalar_prefetch = 0 : i64, scratch_operands = 18 : i64, tpu.core_type = #tpu.core_type<sc_vector_subcore>, window_params = [{transform_indices = #map}, {transform_indices = #map1}, {transform_indices = #map}, {transform_indices = #map}, {transform_indices = #map1}]} {
    %mul3A = arith.constant 640 : i32
    %mul3A_0 = arith.muli %arg1, %mul3A : i32
    "tpu.region"() ({
      %run_scoped3A = tpu.sem_alloc : memref<!tpu.dma_semaphore, #tpu.memory_space<semaphore_mem>>
      %dma_start3A = arith.constant 0 : i32
      %dma_start3A_15 = tpu.memref_slice %arg24[%mul3A_0, %dma_start3A] : memref<10240x64xf32, #tpu.memory_space<vmem_shared>> -> memref<640x64xf32, #tpu.memory_space<vmem_shared>>
      %dma_start3A_16 = arith.constant 0 : i32
      %dma_start3A_17 = arith.constant 0 : i32
      %dma_start3A_18 = tpu.memref_slice %arg5[%dma_start3A_16, %dma_start3A_17] : memref<640x64xf32, #tpu.memory_space<hbm>> -> memref<640x64xf32, #tpu.memory_space<hbm>>
      tpu.enqueue_dma source(%dma_start3A_18 : memref<640x64xf32, #tpu.memory_space<hbm>>) target(%dma_start3A_15 : memref<640x64xf32, #tpu.memory_space<vmem_shared>>) target_semaphore(%run_scoped3A : memref<!tpu.dma_semaphore, #tpu.memory_space<semaphore_mem>>)
      %dma_wait3A = arith.constant 0 : i32
      %dma_wait3A_19 = tpu.memref_slice %arg24[%mul3A_0, %dma_wait3A] : memref<10240x64xf32, #tpu.memory_space<vmem_shared>> -> memref<640x64xf32, #tpu.memory_space<vmem_shared>>
      %dma_wait3A_20 = arith.constant 0 : i32
      %dma_wait3A_21 = arith.constant 0 : i32
      %dma_wait3A_22 = tpu.memref_slice %arg5[%dma_wait3A_20, %dma_wait3A_21] : memref<640x64xf32, #tpu.memory_space<hbm>> -> memref<640x64xf32, #tpu.memory_space<hbm>>
      tpu.wait_dma2 semaphore(%run_scoped3A : memref<!tpu.dma_semaphore, #tpu.memory_space<semaphore_mem>>) src(%dma_wait3A_22 : memref<640x64xf32, #tpu.memory_space<hbm>>) dst(%dma_wait3A_19 : memref<640x64xf32, #tpu.memory_space<vmem_shared>>)
      tpu.yield
    }) : () -> ()
    %mul3A_1 = arith.constant 160 : i32
    %mul3A_2 = arith.muli %arg1, %mul3A_1 : i32
    "tpu.region"() ({
      %run_scoped3A = tpu.sem_alloc : memref<!tpu.dma_semaphore, #tpu.memory_space<semaphore_mem>>
      %dma_start3A = arith.constant 0 : i32
      %dma_start3A_15 = tpu.memref_slice %arg3[%arg0, %mul3A_2, %dma_start3A] : memref<2x2560x128xi32, #tpu.memory_space<hbm>> -> memref<1x160x128xi32, #tpu.memory_space<hbm>>
      %dma_start3A_16 = tpu.memref_squeeze %dma_start3A_15 : memref<1x160x128xi32, #tpu.memory_space<hbm>> -> memref<160x128xi32, #tpu.memory_space<hbm>>
      %dma_start3A_17 = arith.constant 0 : i32
      %dma_start3A_18 = tpu.memref_slice %arg3[%arg0, %mul3A_2, %dma_start3A_17] : memref<2x2560x128xi32, #tpu.memory_space<hbm>> -> memref<1x160x128xi32, #tpu.memory_space<hbm>>
      %dma_start3A_19 = tpu.memref_squeeze %dma_start3A_18 : memref<1x160x128xi32, #tpu.memory_space<hbm>> -> memref<160x128xi32, #tpu.memory_space<hbm>>
      tpu.enqueue_dma source(%dma_start3A_19 : memref<160x128xi32, #tpu.memory_space<hbm>>) target(%arg7 : memref<160x128xi32, #tpu.memory_space<vmem>>) target_semaphore(%run_scoped3A : memref<!tpu.dma_semaphore, #tpu.memory_space<semaphore_mem>>)
      %dma_wait3A = arith.constant 0 : i32
      %dma_wait3A_20 = tpu.memref_slice %arg3[%arg0, %mul3A_2, %dma_wait3A] : memref<2x2560x128xi32, #tpu.memory_space<hbm>> -> memref<1x160x128xi32, #tpu.memory_space<hbm>>
      %dma_wait3A_21 = tpu.memref_squeeze %dma_wait3A_20 : memref<1x160x128xi32, #tpu.memory_space<hbm>> -> memref<160x128xi32, #tpu.memory_space<hbm>>
      %dma_wait3A_22 = arith.constant 0 : i32
      %dma_wait3A_23 = tpu.memref_slice %arg3[%arg0, %mul3A_2, %dma_wait3A_22] : memref<2x2560x128xi32, #tpu.memory_space<hbm>> -> memref<1x160x128xi32, #tpu.memory_space<hbm>>
      %dma_wait3A_24 = tpu.memref_squeeze %dma_wait3A_23 : memref<1x160x128xi32, #tpu.memory_space<hbm>> -> memref<160x128xi32, #tpu.memory_space<hbm>>
      tpu.wait_dma2 semaphore(%run_scoped3A : memref<!tpu.dma_semaphore, #tpu.memory_space<semaphore_mem>>) src(%dma_wait3A_24 : memref<160x128xi32, #tpu.memory_space<hbm>>) dst(%arg7 : memref<160x128xi32, #tpu.memory_space<vmem>>)
      tpu.yield
    }) : () -> ()
    %mul3A_3 = arith.constant 160 : i32
    %mul3A_4 = arith.muli %arg1, %mul3A_3 : i32
    "tpu.region"() ({
      %run_scoped3A = tpu.sem_alloc : memref<!tpu.dma_semaphore, #tpu.memory_space<semaphore_mem>>
      %dma_start3A = arith.constant 0 : i32
      %dma_start3A_15 = tpu.memref_slice %arg4[%mul3A_4, %dma_start3A] : memref<2560x128xi32, #tpu.memory_space<hbm>> -> memref<160x128xi32, #tpu.memory_space<hbm>>
      %dma_start3A_16 = arith.constant 0 : i32
      %dma_start3A_17 = tpu.memref_slice %arg4[%mul3A_4, %dma_start3A_16] : memref<2560x128xi32, #tpu.memory_space<hbm>> -> memref<160x128xi32, #tpu.memory_space<hbm>>
      tpu.enqueue_dma source(%dma_start3A_17 : memref<160x128xi32, #tpu.memory_space<hbm>>) target(%arg8 : memref<160x128xi32, #tpu.memory_space<vmem>>) target_semaphore(%run_scoped3A : memref<!tpu.dma_semaphore, #tpu.memory_space<semaphore_mem>>)
      %dma_wait3A = arith.constant 0 : i32
      %dma_wait3A_18 = tpu.memref_slice %arg4[%mul3A_4, %dma_wait3A] : memref<2560x128xi32, #tpu.memory_space<hbm>> -> memref<160x128xi32, #tpu.memory_space<hbm>>
      %dma_wait3A_19 = arith.constant 0 : i32
      %dma_wait3A_20 = tpu.memref_slice %arg4[%mul3A_4, %dma_wait3A_19] : memref<2560x128xi32, #tpu.memory_space<hbm>> -> memref<160x128xi32, #tpu.memory_space<hbm>>
      tpu.wait_dma2 semaphore(%run_scoped3A : memref<!tpu.dma_semaphore, #tpu.memory_space<semaphore_mem>>) src(%dma_wait3A_20 : memref<160x128xi32, #tpu.memory_space<hbm>>) dst(%arg8 : memref<160x128xi32, #tpu.memory_space<vmem>>)
      tpu.yield
    }) : () -> ()
    %barrier3A = arith.constant 0 : index
    tpu.barrier barrier_id(%barrier3A)
    %scan3A = arith.constant 0 : i32
    %scan3A_5 = arith.constant 0 : i32
    %scan3A_6 = arith.constant 32 : i32
    %scan3A_7 = arith.addi %scan3A_5, %scan3A_6 : i32
    %scan3A_8 = arith.constant 1 : i32
    scf.for %scan3A_15 = %scan3A_5 to %scan3A_7 step %scan3A_8  : i32 {
      %mul3A_16 = arith.constant 5 : i32
      %mul3A_17 = arith.muli %scan3A_15, %mul3A_16 : i32
      %add3A = arith.constant 0 : i32
      %add3A_18 = arith.addi %mul3A_17, %add3A : i32
      %dma_start3A = arith.constant 0 : i32
      %dma_start3A_19 = tpu.memref_slice %arg7[%add3A_18, %dma_start3A] : memref<160x128xi32, #tpu.memory_space<vmem>> -> memref<1x128xi32, #tpu.memory_space<vmem>>
      %dma_start3A_20 = tpu.memref_squeeze %dma_start3A_19 : memref<1x128xi32, #tpu.memory_space<vmem>> -> memref<128xi32, #tpu.memory_space<vmem>>
      %dma_start3A_21 = arith.constant 0 : i32
      %dma_start3A_22 = arith.constant 0 : i32
      %dma_start3A_23 = tpu.memref_slice %arg2[%dma_start3A_21, %dma_start3A_22] : memref<20000x64xf32, #tpu.memory_space<hbm>> -> memref<20000x64xf32, #tpu.memory_space<hbm>>
      tpu.enqueue_indirect_dma source(%dma_start3A_23 : memref<20000x64xf32, #tpu.memory_space<hbm>>) target(%arg9 : memref<128x64xf32, #tpu.memory_space<vmem>>) offsets(%dma_start3A_20 : memref<128xi32, #tpu.memory_space<vmem>>) semaphore(%arg14 : memref<!tpu.dma_semaphore, #tpu.memory_space<semaphore_mem>>)
      %add3A_24 = arith.constant 1 : i32
      %add3A_25 = arith.addi %mul3A_17, %add3A_24 : i32
      %dma_start3A_26 = arith.constant 0 : i32
      %dma_start3A_27 = tpu.memref_slice %arg7[%add3A_25, %dma_start3A_26] : memref<160x128xi32, #tpu.memory_space<vmem>> -> memref<1x128xi32, #tpu.memory_space<vmem>>
      %dma_start3A_28 = tpu.memref_squeeze %dma_start3A_27 : memref<1x128xi32, #tpu.memory_space<vmem>> -> memref<128xi32, #tpu.memory_space<vmem>>
      %dma_start3A_29 = arith.constant 0 : i32
      %dma_start3A_30 = arith.constant 0 : i32
      %dma_start3A_31 = tpu.memref_slice %arg2[%dma_start3A_29, %dma_start3A_30] : memref<20000x64xf32, #tpu.memory_space<hbm>> -> memref<20000x64xf32, #tpu.memory_space<hbm>>
      tpu.enqueue_indirect_dma source(%dma_start3A_31 : memref<20000x64xf32, #tpu.memory_space<hbm>>) target(%arg10 : memref<128x64xf32, #tpu.memory_space<vmem>>) offsets(%dma_start3A_28 : memref<128xi32, #tpu.memory_space<vmem>>) semaphore(%arg15 : memref<!tpu.dma_semaphore, #tpu.memory_space<semaphore_mem>>)
      %add3A_32 = arith.constant 2 : i32
      %add3A_33 = arith.addi %mul3A_17, %add3A_32 : i32
      %dma_start3A_34 = arith.constant 0 : i32
      %dma_start3A_35 = tpu.memref_slice %arg7[%add3A_33, %dma_start3A_34] : memref<160x128xi32, #tpu.memory_space<vmem>> -> memref<1x128xi32, #tpu.memory_space<vmem>>
      %dma_start3A_36 = tpu.memref_squeeze %dma_start3A_35 : memref<1x128xi32, #tpu.memory_space<vmem>> -> memref<128xi32, #tpu.memory_space<vmem>>
      %dma_start3A_37 = arith.constant 0 : i32
      %dma_start3A_38 = arith.constant 0 : i32
      %dma_start3A_39 = tpu.memref_slice %arg2[%dma_start3A_37, %dma_start3A_38] : memref<20000x64xf32, #tpu.memory_space<hbm>> -> memref<20000x64xf32, #tpu.memory_space<hbm>>
      tpu.enqueue_indirect_dma source(%dma_start3A_39 : memref<20000x64xf32, #tpu.memory_space<hbm>>) target(%arg11 : memref<128x64xf32, #tpu.memory_space<vmem>>) offsets(%dma_start3A_36 : memref<128xi32, #tpu.memory_space<vmem>>) semaphore(%arg16 : memref<!tpu.dma_semaphore, #tpu.memory_space<semaphore_mem>>)
      %add3A_40 = arith.constant 3 : i32
      %add3A_41 = arith.addi %mul3A_17, %add3A_40 : i32
      %dma_start3A_42 = arith.constant 0 : i32
      %dma_start3A_43 = tpu.memref_slice %arg7[%add3A_41, %dma_start3A_42] : memref<160x128xi32, #tpu.memory_space<vmem>> -> memref<1x128xi32, #tpu.memory_space<vmem>>
      %dma_start3A_44 = tpu.memref_squeeze %dma_start3A_43 : memref<1x128xi32, #tpu.memory_space<vmem>> -> memref<128xi32, #tpu.memory_space<vmem>>
      %dma_start3A_45 = arith.constant 0 : i32
      %dma_start3A_46 = arith.constant 0 : i32
      %dma_start3A_47 = tpu.memref_slice %arg2[%dma_start3A_45, %dma_start3A_46] : memref<20000x64xf32, #tpu.memory_space<hbm>> -> memref<20000x64xf32, #tpu.memory_space<hbm>>
      tpu.enqueue_indirect_dma source(%dma_start3A_47 : memref<20000x64xf32, #tpu.memory_space<hbm>>) target(%arg12 : memref<128x64xf32, #tpu.memory_space<vmem>>) offsets(%dma_start3A_44 : memref<128xi32, #tpu.memory_space<vmem>>) semaphore(%arg17 : memref<!tpu.dma_semaphore, #tpu.memory_space<semaphore_mem>>)
      %add3A_48 = arith.constant 4 : i32
      %add3A_49 = arith.addi %mul3A_17, %add3A_48 : i32
      %dma_start3A_50 = arith.constant 0 : i32
      %dma_start3A_51 = tpu.memref_slice %arg7[%add3A_49, %dma_start3A_50] : memref<160x128xi32, #tpu.memory_space<vmem>> -> memref<1x128xi32, #tpu.memory_space<vmem>>
      %dma_start3A_52 = tpu.memref_squeeze %dma_start3A_51 : memref<1x128xi32, #tpu.memory_space<vmem>> -> memref<128xi32, #tpu.memory_space<vmem>>
      %dma_start3A_53 = arith.constant 0 : i32
      %dma_start3A_54 = arith.constant 0 : i32
      %dma_start3A_55 = tpu.memref_slice %arg2[%dma_start3A_53, %dma_start3A_54] : memref<20000x64xf32, #tpu.memory_space<hbm>> -> memref<20000x64xf32, #tpu.memory_space<hbm>>
      tpu.enqueue_indirect_dma source(%dma_start3A_55 : memref<20000x64xf32, #tpu.memory_space<hbm>>) target(%arg13 : memref<128x64xf32, #tpu.memory_space<vmem>>) offsets(%dma_start3A_52 : memref<128xi32, #tpu.memory_space<vmem>>) semaphore(%arg18 : memref<!tpu.dma_semaphore, #tpu.memory_space<semaphore_mem>>)
      %dma_wait3A = arith.constant 0 : i32
      %dma_wait3A_56 = tpu.memref_slice %arg7[%add3A_18, %dma_wait3A] : memref<160x128xi32, #tpu.memory_space<vmem>> -> memref<1x128xi32, #tpu.memory_space<vmem>>
      %dma_wait3A_57 = tpu.memref_squeeze %dma_wait3A_56 : memref<1x128xi32, #tpu.memory_space<vmem>> -> memref<128xi32, #tpu.memory_space<vmem>>
      %dma_wait3A_58 = arith.constant 0 : i32
      %dma_wait3A_59 = arith.constant 0 : i32
      %dma_wait3A_60 = tpu.memref_slice %arg2[%dma_wait3A_58, %dma_wait3A_59] : memref<20000x64xf32, #tpu.memory_space<hbm>> -> memref<20000x64xf32, #tpu.memory_space<hbm>>
      tpu.wait_indirect_dma semaphore(%arg14 : memref<!tpu.dma_semaphore, #tpu.memory_space<semaphore_mem>>) src(%dma_wait3A_60 : memref<20000x64xf32, #tpu.memory_space<hbm>>) dst(%arg9 : memref<128x64xf32, #tpu.memory_space<vmem>>)
      %add3A_61 = arith.constant 0 : i32
      %add3A_62 = arith.addi %mul3A_17, %add3A_61 : i32
      %dma_start3A_63 = arith.constant 0 : i32
      %dma_start3A_64 = tpu.memref_slice %arg8[%add3A_62, %dma_start3A_63] : memref<160x128xi32, #tpu.memory_space<vmem>> -> memref<1x128xi32, #tpu.memory_space<vmem>>
      %dma_start3A_65 = tpu.memref_squeeze %dma_start3A_64 : memref<1x128xi32, #tpu.memory_space<vmem>> -> memref<128xi32, #tpu.memory_space<vmem>>
      %dma_start3A_66 = arith.constant 0 : i32
      %dma_start3A_67 = arith.constant 0 : i32
      %dma_start3A_68 = tpu.memref_slice %arg24[%dma_start3A_66, %dma_start3A_67] : memref<10240x64xf32, #tpu.memory_space<vmem_shared>> -> memref<10240x64xf32, #tpu.memory_space<vmem_shared>>
      tpu.enqueue_indirect_dma source(%arg9 : memref<128x64xf32, #tpu.memory_space<vmem>>) target(%dma_start3A_68 : memref<10240x64xf32, #tpu.memory_space<vmem_shared>>) offsets(%dma_start3A_65 : memref<128xi32, #tpu.memory_space<vmem>>) semaphore(%arg19 : memref<!tpu.dma_semaphore, #tpu.memory_space<semaphore_mem>>) {add = true}
      %dma_wait3A_69 = arith.constant 0 : i32
      %dma_wait3A_70 = tpu.memref_slice %arg7[%add3A_25, %dma_wait3A_69] : memref<160x128xi32, #tpu.memory_space<vmem>> -> memref<1x128xi32, #tpu.memory_space<vmem>>
      %dma_wait3A_71 = tpu.memref_squeeze %dma_wait3A_70 : memref<1x128xi32, #tpu.memory_space<vmem>> -> memref<128xi32, #tpu.memory_space<vmem>>
      %dma_wait3A_72 = arith.constant 0 : i32
      %dma_wait3A_73 = arith.constant 0 : i32
      %dma_wait3A_74 = tpu.memref_slice %arg2[%dma_wait3A_72, %dma_wait3A_73] : memref<20000x64xf32, #tpu.memory_space<hbm>> -> memref<20000x64xf32, #tpu.memory_space<hbm>>
      tpu.wait_indirect_dma semaphore(%arg15 : memref<!tpu.dma_semaphore, #tpu.memory_space<semaphore_mem>>) src(%dma_wait3A_74 : memref<20000x64xf32, #tpu.memory_space<hbm>>) dst(%arg10 : memref<128x64xf32, #tpu.memory_space<vmem>>)
      %add3A_75 = arith.constant 1 : i32
      %add3A_76 = arith.addi %mul3A_17, %add3A_75 : i32
      %dma_start3A_77 = arith.constant 0 : i32
      %dma_start3A_78 = tpu.memref_slice %arg8[%add3A_76, %dma_start3A_77] : memref<160x128xi32, #tpu.memory_space<vmem>> -> memref<1x128xi32, #tpu.memory_space<vmem>>
      %dma_start3A_79 = tpu.memref_squeeze %dma_start3A_78 : memref<1x128xi32, #tpu.memory_space<vmem>> -> memref<128xi32, #tpu.memory_space<vmem>>
      %dma_start3A_80 = arith.constant 0 : i32
      %dma_start3A_81 = arith.constant 0 : i32
      %dma_start3A_82 = tpu.memref_slice %arg24[%dma_start3A_80, %dma_start3A_81] : memref<10240x64xf32, #tpu.memory_space<vmem_shared>> -> memref<10240x64xf32, #tpu.memory_space<vmem_shared>>
      tpu.enqueue_indirect_dma source(%arg10 : memref<128x64xf32, #tpu.memory_space<vmem>>) target(%dma_start3A_82 : memref<10240x64xf32, #tpu.memory_space<vmem_shared>>) offsets(%dma_start3A_79 : memref<128xi32, #tpu.memory_space<vmem>>) semaphore(%arg20 : memref<!tpu.dma_semaphore, #tpu.memory_space<semaphore_mem>>) {add = true}
      %dma_wait3A_83 = arith.constant 0 : i32
      %dma_wait3A_84 = tpu.memref_slice %arg7[%add3A_33, %dma_wait3A_83] : memref<160x128xi32, #tpu.memory_space<vmem>> -> memref<1x128xi32, #tpu.memory_space<vmem>>
      %dma_wait3A_85 = tpu.memref_squeeze %dma_wait3A_84 : memref<1x128xi32, #tpu.memory_space<vmem>> -> memref<128xi32, #tpu.memory_space<vmem>>
      %dma_wait3A_86 = arith.constant 0 : i32
      %dma_wait3A_87 = arith.constant 0 : i32
      %dma_wait3A_88 = tpu.memref_slice %arg2[%dma_wait3A_86, %dma_wait3A_87] : memref<20000x64xf32, #tpu.memory_space<hbm>> -> memref<20000x64xf32, #tpu.memory_space<hbm>>
      tpu.wait_indirect_dma semaphore(%arg16 : memref<!tpu.dma_semaphore, #tpu.memory_space<semaphore_mem>>) src(%dma_wait3A_88 : memref<20000x64xf32, #tpu.memory_space<hbm>>) dst(%arg11 : memref<128x64xf32, #tpu.memory_space<vmem>>)
      %add3A_89 = arith.constant 2 : i32
      %add3A_90 = arith.addi %mul3A_17, %add3A_89 : i32
      %dma_start3A_91 = arith.constant 0 : i32
      %dma_start3A_92 = tpu.memref_slice %arg8[%add3A_90, %dma_start3A_91] : memref<160x128xi32, #tpu.memory_space<vmem>> -> memref<1x128xi32, #tpu.memory_space<vmem>>
      %dma_start3A_93 = tpu.memref_squeeze %dma_start3A_92 : memref<1x128xi32, #tpu.memory_space<vmem>> -> memref<128xi32, #tpu.memory_space<vmem>>
      %dma_start3A_94 = arith.constant 0 : i32
      %dma_start3A_95 = arith.constant 0 : i32
      %dma_start3A_96 = tpu.memref_slice %arg24[%dma_start3A_94, %dma_start3A_95] : memref<10240x64xf32, #tpu.memory_space<vmem_shared>> -> memref<10240x64xf32, #tpu.memory_space<vmem_shared>>
      tpu.enqueue_indirect_dma source(%arg11 : memref<128x64xf32, #tpu.memory_space<vmem>>) target(%dma_start3A_96 : memref<10240x64xf32, #tpu.memory_space<vmem_shared>>) offsets(%dma_start3A_93 : memref<128xi32, #tpu.memory_space<vmem>>) semaphore(%arg21 : memref<!tpu.dma_semaphore, #tpu.memory_space<semaphore_mem>>) {add = true}
      %dma_wait3A_97 = arith.constant 0 : i32
      %dma_wait3A_98 = tpu.memref_slice %arg7[%add3A_41, %dma_wait3A_97] : memref<160x128xi32, #tpu.memory_space<vmem>> -> memref<1x128xi32, #tpu.memory_space<vmem>>
      %dma_wait3A_99 = tpu.memref_squeeze %dma_wait3A_98 : memref<1x128xi32, #tpu.memory_space<vmem>> -> memref<128xi32, #tpu.memory_space<vmem>>
      %dma_wait3A_100 = arith.constant 0 : i32
      %dma_wait3A_101 = arith.constant 0 : i32
      %dma_wait3A_102 = tpu.memref_slice %arg2[%dma_wait3A_100, %dma_wait3A_101] : memref<20000x64xf32, #tpu.memory_space<hbm>> -> memref<20000x64xf32, #tpu.memory_space<hbm>>
      tpu.wait_indirect_dma semaphore(%arg17 : memref<!tpu.dma_semaphore, #tpu.memory_space<semaphore_mem>>) src(%dma_wait3A_102 : memref<20000x64xf32, #tpu.memory_space<hbm>>) dst(%arg12 : memref<128x64xf32, #tpu.memory_space<vmem>>)
      %add3A_103 = arith.constant 3 : i32
      %add3A_104 = arith.addi %mul3A_17, %add3A_103 : i32
      %dma_start3A_105 = arith.constant 0 : i32
      %dma_start3A_106 = tpu.memref_slice %arg8[%add3A_104, %dma_start3A_105] : memref<160x128xi32, #tpu.memory_space<vmem>> -> memref<1x128xi32, #tpu.memory_space<vmem>>
      %dma_start3A_107 = tpu.memref_squeeze %dma_start3A_106 : memref<1x128xi32, #tpu.memory_space<vmem>> -> memref<128xi32, #tpu.memory_space<vmem>>
      %dma_start3A_108 = arith.constant 0 : i32
      %dma_start3A_109 = arith.constant 0 : i32
      %dma_start3A_110 = tpu.memref_slice %arg24[%dma_start3A_108, %dma_start3A_109] : memref<10240x64xf32, #tpu.memory_space<vmem_shared>> -> memref<10240x64xf32, #tpu.memory_space<vmem_shared>>
      tpu.enqueue_indirect_dma source(%arg12 : memref<128x64xf32, #tpu.memory_space<vmem>>) target(%dma_start3A_110 : memref<10240x64xf32, #tpu.memory_space<vmem_shared>>) offsets(%dma_start3A_107 : memref<128xi32, #tpu.memory_space<vmem>>) semaphore(%arg22 : memref<!tpu.dma_semaphore, #tpu.memory_space<semaphore_mem>>) {add = true}
      %dma_wait3A_111 = arith.constant 0 : i32
      %dma_wait3A_112 = tpu.memref_slice %arg7[%add3A_49, %dma_wait3A_111] : memref<160x128xi32, #tpu.memory_space<vmem>> -> memref<1x128xi32, #tpu.memory_space<vmem>>
      %dma_wait3A_113 = tpu.memref_squeeze %dma_wait3A_112 : memref<1x128xi32, #tpu.memory_space<vmem>> -> memref<128xi32, #tpu.memory_space<vmem>>
      %dma_wait3A_114 = arith.constant 0 : i32
      %dma_wait3A_115 = arith.constant 0 : i32
      %dma_wait3A_116 = tpu.memref_slice %arg2[%dma_wait3A_114, %dma_wait3A_115] : memref<20000x64xf32, #tpu.memory_space<hbm>> -> memref<20000x64xf32, #tpu.memory_space<hbm>>
      tpu.wait_indirect_dma semaphore(%arg18 : memref<!tpu.dma_semaphore, #tpu.memory_space<semaphore_mem>>) src(%dma_wait3A_116 : memref<20000x64xf32, #tpu.memory_space<hbm>>) dst(%arg13 : memref<128x64xf32, #tpu.memory_space<vmem>>)
      %add3A_117 = arith.constant 4 : i32
      %add3A_118 = arith.addi %mul3A_17, %add3A_117 : i32
      %dma_start3A_119 = arith.constant 0 : i32
      %dma_start3A_120 = tpu.memref_slice %arg8[%add3A_118, %dma_start3A_119] : memref<160x128xi32, #tpu.memory_space<vmem>> -> memref<1x128xi32, #tpu.memory_space<vmem>>
      %dma_start3A_121 = tpu.memref_squeeze %dma_start3A_120 : memref<1x128xi32, #tpu.memory_space<vmem>> -> memref<128xi32, #tpu.memory_space<vmem>>
      %dma_start3A_122 = arith.constant 0 : i32
      %dma_start3A_123 = arith.constant 0 : i32
      %dma_start3A_124 = tpu.memref_slice %arg24[%dma_start3A_122, %dma_start3A_123] : memref<10240x64xf32, #tpu.memory_space<vmem_shared>> -> memref<10240x64xf32, #tpu.memory_space<vmem_shared>>
      tpu.enqueue_indirect_dma source(%arg13 : memref<128x64xf32, #tpu.memory_space<vmem>>) target(%dma_start3A_124 : memref<10240x64xf32, #tpu.memory_space<vmem_shared>>) offsets(%dma_start3A_121 : memref<128xi32, #tpu.memory_space<vmem>>) semaphore(%arg23 : memref<!tpu.dma_semaphore, #tpu.memory_space<semaphore_mem>>) {add = true}
      %dma_wait3A_125 = arith.constant 0 : i32
      %dma_wait3A_126 = tpu.memref_slice %arg8[%add3A_62, %dma_wait3A_125] : memref<160x128xi32, #tpu.memory_space<vmem>> -> memref<1x128xi32, #tpu.memory_space<vmem>>
      %dma_wait3A_127 = tpu.memref_squeeze %dma_wait3A_126 : memref<1x128xi32, #tpu.memory_space<vmem>> -> memref<128xi32, #tpu.memory_space<vmem>>
      %dma_wait3A_128 = arith.constant 0 : i32
      %dma_wait3A_129 = arith.constant 0 : i32
      %dma_wait3A_130 = tpu.memref_slice %arg24[%dma_wait3A_128, %dma_wait3A_129] : memref<10240x64xf32, #tpu.memory_space<vmem_shared>> -> memref<10240x64xf32, #tpu.memory_space<vmem_shared>>
      tpu.wait_indirect_dma semaphore(%arg19 : memref<!tpu.dma_semaphore, #tpu.memory_space<semaphore_mem>>) src(%arg9 : memref<128x64xf32, #tpu.memory_space<vmem>>) dst(%dma_wait3A_130 : memref<10240x64xf32, #tpu.memory_space<vmem_shared>>)
      %dma_wait3A_131 = arith.constant 0 : i32
      %dma_wait3A_132 = tpu.memref_slice %arg8[%add3A_76, %dma_wait3A_131] : memref<160x128xi32, #tpu.memory_space<vmem>> -> memref<1x128xi32, #tpu.memory_space<vmem>>
      %dma_wait3A_133 = tpu.memref_squeeze %dma_wait3A_132 : memref<1x128xi32, #tpu.memory_space<vmem>> -> memref<128xi32, #tpu.memory_space<vmem>>
      %dma_wait3A_134 = arith.constant 0 : i32
      %dma_wait3A_135 = arith.constant 0 : i32
      %dma_wait3A_136 = tpu.memref_slice %arg24[%dma_wait3A_134, %dma_wait3A_135] : memref<10240x64xf32, #tpu.memory_space<vmem_shared>> -> memref<10240x64xf32, #tpu.memory_space<vmem_shared>>
      tpu.wait_indirect_dma semaphore(%arg20 : memref<!tpu.dma_semaphore, #tpu.memory_space<semaphore_mem>>) src(%arg10 : memref<128x64xf32, #tpu.memory_space<vmem>>) dst(%dma_wait3A_136 : memref<10240x64xf32, #tpu.memory_space<vmem_shared>>)
      %dma_wait3A_137 = arith.constant 0 : i32
      %dma_wait3A_138 = tpu.memref_slice %arg8[%add3A_90, %dma_wait3A_137] : memref<160x128xi32, #tpu.memory_space<vmem>> -> memref<1x128xi32, #tpu.memory_space<vmem>>
      %dma_wait3A_139 = tpu.memref_squeeze %dma_wait3A_138 : memref<1x128xi32, #tpu.memory_space<vmem>> -> memref<128xi32, #tpu.memory_space<vmem>>
      %dma_wait3A_140 = arith.constant 0 : i32
      %dma_wait3A_141 = arith.constant 0 : i32
      %dma_wait3A_142 = tpu.memref_slice %arg24[%dma_wait3A_140, %dma_wait3A_141] : memref<10240x64xf32, #tpu.memory_space<vmem_shared>> -> memref<10240x64xf32, #tpu.memory_space<vmem_shared>>
      tpu.wait_indirect_dma semaphore(%arg21 : memref<!tpu.dma_semaphore, #tpu.memory_space<semaphore_mem>>) src(%arg11 : memref<128x64xf32, #tpu.memory_space<vmem>>) dst(%dma_wait3A_142 : memref<10240x64xf32, #tpu.memory_space<vmem_shared>>)
      %dma_wait3A_143 = arith.constant 0 : i32
      %dma_wait3A_144 = tpu.memref_slice %arg8[%add3A_104, %dma_wait3A_143] : memref<160x128xi32, #tpu.memory_space<vmem>> -> memref<1x128xi32, #tpu.memory_space<vmem>>
      %dma_wait3A_145 = tpu.memref_squeeze %dma_wait3A_144 : memref<1x128xi32, #tpu.memory_space<vmem>> -> memref<128xi32, #tpu.memory_space<vmem>>
      %dma_wait3A_146 = arith.constant 0 : i32
      %dma_wait3A_147 = arith.constant 0 : i32
      %dma_wait3A_148 = tpu.memref_slice %arg24[%dma_wait3A_146, %dma_wait3A_147] : memref<10240x64xf32, #tpu.memory_space<vmem_shared>> -> memref<10240x64xf32, #tpu.memory_space<vmem_shared>>
      tpu.wait_indirect_dma semaphore(%arg22 : memref<!tpu.dma_semaphore, #tpu.memory_space<semaphore_mem>>) src(%arg12 : memref<128x64xf32, #tpu.memory_space<vmem>>) dst(%dma_wait3A_148 : memref<10240x64xf32, #tpu.memory_space<vmem_shared>>)
      %dma_wait3A_149 = arith.constant 0 : i32
      %dma_wait3A_150 = tpu.memref_slice %arg8[%add3A_118, %dma_wait3A_149] : memref<160x128xi32, #tpu.memory_space<vmem>> -> memref<1x128xi32, #tpu.memory_space<vmem>>
      %dma_wait3A_151 = tpu.memref_squeeze %dma_wait3A_150 : memref<1x128xi32, #tpu.memory_space<vmem>> -> memref<128xi32, #tpu.memory_space<vmem>>
      %dma_wait3A_152 = arith.constant 0 : i32
      %dma_wait3A_153 = arith.constant 0 : i32
      %dma_wait3A_154 = tpu.memref_slice %arg24[%dma_wait3A_152, %dma_wait3A_153] : memref<10240x64xf32, #tpu.memory_space<vmem_shared>> -> memref<10240x64xf32, #tpu.memory_space<vmem_shared>>
      tpu.wait_indirect_dma semaphore(%arg23 : memref<!tpu.dma_semaphore, #tpu.memory_space<semaphore_mem>>) src(%arg13 : memref<128x64xf32, #tpu.memory_space<vmem>>) dst(%dma_wait3A_154 : memref<10240x64xf32, #tpu.memory_space<vmem_shared>>)
    }
    %scan3A_9 = arith.constant 32 : i32
    %barrier3A_10 = arith.constant 0 : index
    tpu.barrier barrier_id(%barrier3A_10)
    %mul3A_11 = arith.constant 640 : i32
    %mul3A_12 = arith.muli %arg1, %mul3A_11 : i32
    %mul3A_13 = arith.constant 640 : i32
    %mul3A_14 = arith.muli %arg1, %mul3A_13 : i32
    "tpu.region"() ({
      %run_scoped3A = tpu.sem_alloc : memref<!tpu.dma_semaphore, #tpu.memory_space<semaphore_mem>>
      %dma_start3A = arith.constant 0 : i32
      %dma_start3A_15 = tpu.memref_slice %arg6[%arg0, %mul3A_14, %dma_start3A] : memref<2x10240x64xf32, #tpu.memory_space<hbm>> -> memref<1x640x64xf32, #tpu.memory_space<hbm>>
      %dma_start3A_16 = tpu.memref_squeeze %dma_start3A_15 : memref<1x640x64xf32, #tpu.memory_space<hbm>> -> memref<640x64xf32, #tpu.memory_space<hbm>>
      %dma_start3A_17 = arith.constant 0 : i32
      %dma_start3A_18 = tpu.memref_slice %arg24[%mul3A_12, %dma_start3A_17] : memref<10240x64xf32, #tpu.memory_space<vmem_shared>> -> memref<640x64xf32, #tpu.memory_space<vmem_shared>>
      tpu.enqueue_dma source(%dma_start3A_18 : memref<640x64xf32, #tpu.memory_space<vmem_shared>>) target(%dma_start3A_16 : memref<640x64xf32, #tpu.memory_space<hbm>>) target_semaphore(%run_scoped3A : memref<!tpu.dma_semaphore, #tpu.memory_space<semaphore_mem>>)
      %dma_wait3A = arith.constant 0 : i32
      %dma_wait3A_19 = tpu.memref_slice %arg6[%arg0, %mul3A_14, %dma_wait3A] : memref<2x10240x64xf32, #tpu.memory_space<hbm>> -> memref<1x640x64xf32, #tpu.memory_space<hbm>>
      %dma_wait3A_20 = tpu.memref_squeeze %dma_wait3A_19 : memref<1x640x64xf32, #tpu.memory_space<hbm>> -> memref<640x64xf32, #tpu.memory_space<hbm>>
      %dma_wait3A_21 = arith.constant 0 : i32
      %dma_wait3A_22 = tpu.memref_slice %arg24[%mul3A_12, %dma_wait3A_21] : memref<10240x64xf32, #tpu.memory_space<vmem_shared>> -> memref<640x64xf32, #tpu.memory_space<vmem_shared>>
      tpu.wait_dma2 semaphore(%run_scoped3A : memref<!tpu.dma_semaphore, #tpu.memory_space<semaphore_mem>>) src(%dma_wait3A_22 : memref<640x64xf32, #tpu.memory_space<vmem_shared>>) dst(%dma_wait3A_20 : memref<640x64xf32, #tpu.memory_space<hbm>>)
      tpu.yield
    }) : () -> ()
    return
  }
}

#map = affine_map<(d0, d1) -> (0, 0)>
#map1 = affine_map<(d0, d1) -> (0, 0, 0)>
module attributes {stable_mosaic.version = 14 : i64} {
  func.func @_agg_body(%arg0: i32, %arg1: i32, %arg2: memref<20000x64xf32, #tpu.memory_space<hbm>>, %arg3: memref<2x2560x128xi32, #tpu.memory_space<hbm>>, %arg4: memref<2560x128xi32, #tpu.memory_space<hbm>>, %arg5: memref<640x64xf32, #tpu.memory_space<hbm>>, %arg6: memref<2x10240x64xf32, #tpu.memory_space<hbm>>, %arg7: memref<160x128xi32, #tpu.memory_space<vmem>>, %arg8: memref<160x128xi32, #tpu.memory_space<vmem>>, %arg9: memref<128x64xf32, #tpu.memory_space<vmem>>, %arg10: memref<128x64xf32, #tpu.memory_space<vmem>>, %arg11: memref<128x64xf32, #tpu.memory_space<vmem>>, %arg12: memref<128x64xf32, #tpu.memory_space<vmem>>, %arg13: memref<128x64xf32, #tpu.memory_space<vmem>>, %arg14: memref<!tpu.dma_semaphore, #tpu.memory_space<semaphore_mem>>, %arg15: memref<!tpu.dma_semaphore, #tpu.memory_space<semaphore_mem>>, %arg16: memref<!tpu.dma_semaphore, #tpu.memory_space<semaphore_mem>>, %arg17: memref<!tpu.dma_semaphore, #tpu.memory_space<semaphore_mem>>, %arg18: memref<!tpu.dma_semaphore, #tpu.memory_space<semaphore_mem>>, %arg19: memref<!tpu.dma_semaphore, #tpu.memory_space<semaphore_mem>>, %arg20: memref<!tpu.dma_semaphore, #tpu.memory_space<semaphore_mem>>, %arg21: memref<!tpu.dma_semaphore, #tpu.memory_space<semaphore_mem>>, %arg22: memref<!tpu.dma_semaphore, #tpu.memory_space<semaphore_mem>>, %arg23: memref<!tpu.dma_semaphore, #tpu.memory_space<semaphore_mem>>, %arg24: memref<10240x64xf32, #tpu.memory_space<vmem_shared>>) attributes {dimension_semantics = [#tpu.dimension_semantics<core_parallel>, #tpu.dimension_semantics<subcore_parallel>], iteration_bounds = array<i64: 2, 16>, scalar_prefetch = 0 : i64, scratch_operands = 18 : i64, tpu.core_type = #tpu.core_type<sc_vector_subcore>, window_params = [{transform_indices = #map}, {transform_indices = #map1}, {transform_indices = #map}, {transform_indices = #map}, {transform_indices = #map1}]} {
    %mul3A = arith.constant 640 : i32
    %mul3A_0 = arith.muli %arg1, %mul3A : i32
    "tpu.region"() ({
      %run_scoped3A = tpu.sem_alloc : memref<!tpu.dma_semaphore, #tpu.memory_space<semaphore_mem>>
      %dma_start3A = arith.constant 0 : i32
      %dma_start3A_15 = tpu.memref_slice %arg24[%mul3A_0, %dma_start3A] : memref<10240x64xf32, #tpu.memory_space<vmem_shared>> -> memref<640x64xf32, #tpu.memory_space<vmem_shared>>
      %dma_start3A_16 = arith.constant 0 : i32
      %dma_start3A_17 = arith.constant 0 : i32
      %dma_start3A_18 = tpu.memref_slice %arg5[%dma_start3A_16, %dma_start3A_17] : memref<640x64xf32, #tpu.memory_space<hbm>> -> memref<640x64xf32, #tpu.memory_space<hbm>>
      tpu.enqueue_dma source(%dma_start3A_18 : memref<640x64xf32, #tpu.memory_space<hbm>>) target(%dma_start3A_15 : memref<640x64xf32, #tpu.memory_space<vmem_shared>>) target_semaphore(%run_scoped3A : memref<!tpu.dma_semaphore, #tpu.memory_space<semaphore_mem>>)
      %dma_wait3A = arith.constant 0 : i32
      %dma_wait3A_19 = tpu.memref_slice %arg24[%mul3A_0, %dma_wait3A] : memref<10240x64xf32, #tpu.memory_space<vmem_shared>> -> memref<640x64xf32, #tpu.memory_space<vmem_shared>>
      %dma_wait3A_20 = arith.constant 0 : i32
      %dma_wait3A_21 = arith.constant 0 : i32
      %dma_wait3A_22 = tpu.memref_slice %arg5[%dma_wait3A_20, %dma_wait3A_21] : memref<640x64xf32, #tpu.memory_space<hbm>> -> memref<640x64xf32, #tpu.memory_space<hbm>>
      tpu.wait_dma2 semaphore(%run_scoped3A : memref<!tpu.dma_semaphore, #tpu.memory_space<semaphore_mem>>) src(%dma_wait3A_22 : memref<640x64xf32, #tpu.memory_space<hbm>>) dst(%dma_wait3A_19 : memref<640x64xf32, #tpu.memory_space<vmem_shared>>)
      tpu.yield
    }) : () -> ()
    %mul3A_1 = arith.constant 160 : i32
    %mul3A_2 = arith.muli %arg1, %mul3A_1 : i32
    "tpu.region"() ({
      %run_scoped3A = tpu.sem_alloc : memref<!tpu.dma_semaphore, #tpu.memory_space<semaphore_mem>>
      %dma_start3A = arith.constant 0 : i32
      %dma_start3A_15 = tpu.memref_slice %arg3[%arg0, %mul3A_2, %dma_start3A] : memref<2x2560x128xi32, #tpu.memory_space<hbm>> -> memref<1x160x128xi32, #tpu.memory_space<hbm>>
      %dma_start3A_16 = tpu.memref_squeeze %dma_start3A_15 : memref<1x160x128xi32, #tpu.memory_space<hbm>> -> memref<160x128xi32, #tpu.memory_space<hbm>>
      %dma_start3A_17 = arith.constant 0 : i32
      %dma_start3A_18 = tpu.memref_slice %arg3[%arg0, %mul3A_2, %dma_start3A_17] : memref<2x2560x128xi32, #tpu.memory_space<hbm>> -> memref<1x160x128xi32, #tpu.memory_space<hbm>>
      %dma_start3A_19 = tpu.memref_squeeze %dma_start3A_18 : memref<1x160x128xi32, #tpu.memory_space<hbm>> -> memref<160x128xi32, #tpu.memory_space<hbm>>
      tpu.enqueue_dma source(%dma_start3A_19 : memref<160x128xi32, #tpu.memory_space<hbm>>) target(%arg7 : memref<160x128xi32, #tpu.memory_space<vmem>>) target_semaphore(%run_scoped3A : memref<!tpu.dma_semaphore, #tpu.memory_space<semaphore_mem>>)
      %dma_wait3A = arith.constant 0 : i32
      %dma_wait3A_20 = tpu.memref_slice %arg3[%arg0, %mul3A_2, %dma_wait3A] : memref<2x2560x128xi32, #tpu.memory_space<hbm>> -> memref<1x160x128xi32, #tpu.memory_space<hbm>>
      %dma_wait3A_21 = tpu.memref_squeeze %dma_wait3A_20 : memref<1x160x128xi32, #tpu.memory_space<hbm>> -> memref<160x128xi32, #tpu.memory_space<hbm>>
      %dma_wait3A_22 = arith.constant 0 : i32
      %dma_wait3A_23 = tpu.memref_slice %arg3[%arg0, %mul3A_2, %dma_wait3A_22] : memref<2x2560x128xi32, #tpu.memory_space<hbm>> -> memref<1x160x128xi32, #tpu.memory_space<hbm>>
      %dma_wait3A_24 = tpu.memref_squeeze %dma_wait3A_23 : memref<1x160x128xi32, #tpu.memory_space<hbm>> -> memref<160x128xi32, #tpu.memory_space<hbm>>
      tpu.wait_dma2 semaphore(%run_scoped3A : memref<!tpu.dma_semaphore, #tpu.memory_space<semaphore_mem>>) src(%dma_wait3A_24 : memref<160x128xi32, #tpu.memory_space<hbm>>) dst(%arg7 : memref<160x128xi32, #tpu.memory_space<vmem>>)
      tpu.yield
    }) : () -> ()
    %mul3A_3 = arith.constant 160 : i32
    %mul3A_4 = arith.muli %arg1, %mul3A_3 : i32
    "tpu.region"() ({
      %run_scoped3A = tpu.sem_alloc : memref<!tpu.dma_semaphore, #tpu.memory_space<semaphore_mem>>
      %dma_start3A = arith.constant 0 : i32
      %dma_start3A_15 = tpu.memref_slice %arg4[%mul3A_4, %dma_start3A] : memref<2560x128xi32, #tpu.memory_space<hbm>> -> memref<160x128xi32, #tpu.memory_space<hbm>>
      %dma_start3A_16 = arith.constant 0 : i32
      %dma_start3A_17 = tpu.memref_slice %arg4[%mul3A_4, %dma_start3A_16] : memref<2560x128xi32, #tpu.memory_space<hbm>> -> memref<160x128xi32, #tpu.memory_space<hbm>>
      tpu.enqueue_dma source(%dma_start3A_17 : memref<160x128xi32, #tpu.memory_space<hbm>>) target(%arg8 : memref<160x128xi32, #tpu.memory_space<vmem>>) target_semaphore(%run_scoped3A : memref<!tpu.dma_semaphore, #tpu.memory_space<semaphore_mem>>)
      %dma_wait3A = arith.constant 0 : i32
      %dma_wait3A_18 = tpu.memref_slice %arg4[%mul3A_4, %dma_wait3A] : memref<2560x128xi32, #tpu.memory_space<hbm>> -> memref<160x128xi32, #tpu.memory_space<hbm>>
      %dma_wait3A_19 = arith.constant 0 : i32
      %dma_wait3A_20 = tpu.memref_slice %arg4[%mul3A_4, %dma_wait3A_19] : memref<2560x128xi32, #tpu.memory_space<hbm>> -> memref<160x128xi32, #tpu.memory_space<hbm>>
      tpu.wait_dma2 semaphore(%run_scoped3A : memref<!tpu.dma_semaphore, #tpu.memory_space<semaphore_mem>>) src(%dma_wait3A_20 : memref<160x128xi32, #tpu.memory_space<hbm>>) dst(%arg8 : memref<160x128xi32, #tpu.memory_space<vmem>>)
      tpu.yield
    }) : () -> ()
    %barrier3A = arith.constant 0 : index
    tpu.barrier barrier_id(%barrier3A)
    %scan3A = arith.constant 0 : i32
    %scan3A_5 = arith.constant 0 : i32
    %scan3A_6 = arith.constant 32 : i32
    %scan3A_7 = arith.addi %scan3A_5, %scan3A_6 : i32
    %scan3A_8 = arith.constant 1 : i32
    scf.for %scan3A_15 = %scan3A_5 to %scan3A_7 step %scan3A_8  : i32 {
      %mul3A_16 = arith.constant 5 : i32
      %mul3A_17 = arith.muli %scan3A_15, %mul3A_16 : i32
      %add3A = arith.constant 0 : i32
      %add3A_18 = arith.addi %mul3A_17, %add3A : i32
      %dma_start3A = arith.constant 0 : i32
      %dma_start3A_19 = tpu.memref_slice %arg7[%add3A_18, %dma_start3A] : memref<160x128xi32, #tpu.memory_space<vmem>> -> memref<1x128xi32, #tpu.memory_space<vmem>>
      %dma_start3A_20 = tpu.memref_squeeze %dma_start3A_19 : memref<1x128xi32, #tpu.memory_space<vmem>> -> memref<128xi32, #tpu.memory_space<vmem>>
      %dma_start3A_21 = arith.constant 0 : i32
      %dma_start3A_22 = arith.constant 0 : i32
      %dma_start3A_23 = tpu.memref_slice %arg2[%dma_start3A_21, %dma_start3A_22] : memref<20000x64xf32, #tpu.memory_space<hbm>> -> memref<20000x64xf32, #tpu.memory_space<hbm>>
      tpu.enqueue_indirect_dma source(%dma_start3A_23 : memref<20000x64xf32, #tpu.memory_space<hbm>>) target(%arg9 : memref<128x64xf32, #tpu.memory_space<vmem>>) offsets(%dma_start3A_20 : memref<128xi32, #tpu.memory_space<vmem>>) semaphore(%arg14 : memref<!tpu.dma_semaphore, #tpu.memory_space<semaphore_mem>>)
      %add3A_24 = arith.constant 1 : i32
      %add3A_25 = arith.addi %mul3A_17, %add3A_24 : i32
      %dma_start3A_26 = arith.constant 0 : i32
      %dma_start3A_27 = tpu.memref_slice %arg7[%add3A_25, %dma_start3A_26] : memref<160x128xi32, #tpu.memory_space<vmem>> -> memref<1x128xi32, #tpu.memory_space<vmem>>
      %dma_start3A_28 = tpu.memref_squeeze %dma_start3A_27 : memref<1x128xi32, #tpu.memory_space<vmem>> -> memref<128xi32, #tpu.memory_space<vmem>>
      %dma_start3A_29 = arith.constant 0 : i32
      %dma_start3A_30 = arith.constant 0 : i32
      %dma_start3A_31 = tpu.memref_slice %arg2[%dma_start3A_29, %dma_start3A_30] : memref<20000x64xf32, #tpu.memory_space<hbm>> -> memref<20000x64xf32, #tpu.memory_space<hbm>>
      tpu.enqueue_indirect_dma source(%dma_start3A_31 : memref<20000x64xf32, #tpu.memory_space<hbm>>) target(%arg10 : memref<128x64xf32, #tpu.memory_space<vmem>>) offsets(%dma_start3A_28 : memref<128xi32, #tpu.memory_space<vmem>>) semaphore(%arg15 : memref<!tpu.dma_semaphore, #tpu.memory_space<semaphore_mem>>)
      %add3A_32 = arith.constant 2 : i32
      %add3A_33 = arith.addi %mul3A_17, %add3A_32 : i32
      %dma_start3A_34 = arith.constant 0 : i32
      %dma_start3A_35 = tpu.memref_slice %arg7[%add3A_33, %dma_start3A_34] : memref<160x128xi32, #tpu.memory_space<vmem>> -> memref<1x128xi32, #tpu.memory_space<vmem>>
      %dma_start3A_36 = tpu.memref_squeeze %dma_start3A_35 : memref<1x128xi32, #tpu.memory_space<vmem>> -> memref<128xi32, #tpu.memory_space<vmem>>
      %dma_start3A_37 = arith.constant 0 : i32
      %dma_start3A_38 = arith.constant 0 : i32
      %dma_start3A_39 = tpu.memref_slice %arg2[%dma_start3A_37, %dma_start3A_38] : memref<20000x64xf32, #tpu.memory_space<hbm>> -> memref<20000x64xf32, #tpu.memory_space<hbm>>
      tpu.enqueue_indirect_dma source(%dma_start3A_39 : memref<20000x64xf32, #tpu.memory_space<hbm>>) target(%arg11 : memref<128x64xf32, #tpu.memory_space<vmem>>) offsets(%dma_start3A_36 : memref<128xi32, #tpu.memory_space<vmem>>) semaphore(%arg16 : memref<!tpu.dma_semaphore, #tpu.memory_space<semaphore_mem>>)
      %add3A_40 = arith.constant 3 : i32
      %add3A_41 = arith.addi %mul3A_17, %add3A_40 : i32
      %dma_start3A_42 = arith.constant 0 : i32
      %dma_start3A_43 = tpu.memref_slice %arg7[%add3A_41, %dma_start3A_42] : memref<160x128xi32, #tpu.memory_space<vmem>> -> memref<1x128xi32, #tpu.memory_space<vmem>>
      %dma_start3A_44 = tpu.memref_squeeze %dma_start3A_43 : memref<1x128xi32, #tpu.memory_space<vmem>> -> memref<128xi32, #tpu.memory_space<vmem>>
      %dma_start3A_45 = arith.constant 0 : i32
      %dma_start3A_46 = arith.constant 0 : i32
      %dma_start3A_47 = tpu.memref_slice %arg2[%dma_start3A_45, %dma_start3A_46] : memref<20000x64xf32, #tpu.memory_space<hbm>> -> memref<20000x64xf32, #tpu.memory_space<hbm>>
      tpu.enqueue_indirect_dma source(%dma_start3A_47 : memref<20000x64xf32, #tpu.memory_space<hbm>>) target(%arg12 : memref<128x64xf32, #tpu.memory_space<vmem>>) offsets(%dma_start3A_44 : memref<128xi32, #tpu.memory_space<vmem>>) semaphore(%arg17 : memref<!tpu.dma_semaphore, #tpu.memory_space<semaphore_mem>>)
      %add3A_48 = arith.constant 4 : i32
      %add3A_49 = arith.addi %mul3A_17, %add3A_48 : i32
      %dma_start3A_50 = arith.constant 0 : i32
      %dma_start3A_51 = tpu.memref_slice %arg7[%add3A_49, %dma_start3A_50] : memref<160x128xi32, #tpu.memory_space<vmem>> -> memref<1x128xi32, #tpu.memory_space<vmem>>
      %dma_start3A_52 = tpu.memref_squeeze %dma_start3A_51 : memref<1x128xi32, #tpu.memory_space<vmem>> -> memref<128xi32, #tpu.memory_space<vmem>>
      %dma_start3A_53 = arith.constant 0 : i32
      %dma_start3A_54 = arith.constant 0 : i32
      %dma_start3A_55 = tpu.memref_slice %arg2[%dma_start3A_53, %dma_start3A_54] : memref<20000x64xf32, #tpu.memory_space<hbm>> -> memref<20000x64xf32, #tpu.memory_space<hbm>>
      tpu.enqueue_indirect_dma source(%dma_start3A_55 : memref<20000x64xf32, #tpu.memory_space<hbm>>) target(%arg13 : memref<128x64xf32, #tpu.memory_space<vmem>>) offsets(%dma_start3A_52 : memref<128xi32, #tpu.memory_space<vmem>>) semaphore(%arg18 : memref<!tpu.dma_semaphore, #tpu.memory_space<semaphore_mem>>)
      %dma_wait3A = arith.constant 0 : i32
      %dma_wait3A_56 = tpu.memref_slice %arg7[%add3A_18, %dma_wait3A] : memref<160x128xi32, #tpu.memory_space<vmem>> -> memref<1x128xi32, #tpu.memory_space<vmem>>
      %dma_wait3A_57 = tpu.memref_squeeze %dma_wait3A_56 : memref<1x128xi32, #tpu.memory_space<vmem>> -> memref<128xi32, #tpu.memory_space<vmem>>
      %dma_wait3A_58 = arith.constant 0 : i32
      %dma_wait3A_59 = arith.constant 0 : i32
      %dma_wait3A_60 = tpu.memref_slice %arg2[%dma_wait3A_58, %dma_wait3A_59] : memref<20000x64xf32, #tpu.memory_space<hbm>> -> memref<20000x64xf32, #tpu.memory_space<hbm>>
      tpu.wait_indirect_dma semaphore(%arg14 : memref<!tpu.dma_semaphore, #tpu.memory_space<semaphore_mem>>) src(%dma_wait3A_60 : memref<20000x64xf32, #tpu.memory_space<hbm>>) dst(%arg9 : memref<128x64xf32, #tpu.memory_space<vmem>>)
      %add3A_61 = arith.constant 0 : i32
      %add3A_62 = arith.addi %mul3A_17, %add3A_61 : i32
      %dma_start3A_63 = arith.constant 0 : i32
      %dma_start3A_64 = tpu.memref_slice %arg8[%add3A_62, %dma_start3A_63] : memref<160x128xi32, #tpu.memory_space<vmem>> -> memref<1x128xi32, #tpu.memory_space<vmem>>
      %dma_start3A_65 = tpu.memref_squeeze %dma_start3A_64 : memref<1x128xi32, #tpu.memory_space<vmem>> -> memref<128xi32, #tpu.memory_space<vmem>>
      %dma_start3A_66 = arith.constant 0 : i32
      %dma_start3A_67 = arith.constant 0 : i32
      %dma_start3A_68 = tpu.memref_slice %arg24[%dma_start3A_66, %dma_start3A_67] : memref<10240x64xf32, #tpu.memory_space<vmem_shared>> -> memref<10240x64xf32, #tpu.memory_space<vmem_shared>>
      tpu.enqueue_indirect_dma source(%arg9 : memref<128x64xf32, #tpu.memory_space<vmem>>) target(%dma_start3A_68 : memref<10240x64xf32, #tpu.memory_space<vmem_shared>>) offsets(%dma_start3A_65 : memref<128xi32, #tpu.memory_space<vmem>>) semaphore(%arg19 : memref<!tpu.dma_semaphore, #tpu.memory_space<semaphore_mem>>) {add = true}
      %dma_wait3A_69 = arith.constant 0 : i32
      %dma_wait3A_70 = tpu.memref_slice %arg7[%add3A_25, %dma_wait3A_69] : memref<160x128xi32, #tpu.memory_space<vmem>> -> memref<1x128xi32, #tpu.memory_space<vmem>>
      %dma_wait3A_71 = tpu.memref_squeeze %dma_wait3A_70 : memref<1x128xi32, #tpu.memory_space<vmem>> -> memref<128xi32, #tpu.memory_space<vmem>>
      %dma_wait3A_72 = arith.constant 0 : i32
      %dma_wait3A_73 = arith.constant 0 : i32
      %dma_wait3A_74 = tpu.memref_slice %arg2[%dma_wait3A_72, %dma_wait3A_73] : memref<20000x64xf32, #tpu.memory_space<hbm>> -> memref<20000x64xf32, #tpu.memory_space<hbm>>
      tpu.wait_indirect_dma semaphore(%arg15 : memref<!tpu.dma_semaphore, #tpu.memory_space<semaphore_mem>>) src(%dma_wait3A_74 : memref<20000x64xf32, #tpu.memory_space<hbm>>) dst(%arg10 : memref<128x64xf32, #tpu.memory_space<vmem>>)
      %add3A_75 = arith.constant 1 : i32
      %add3A_76 = arith.addi %mul3A_17, %add3A_75 : i32
      %dma_start3A_77 = arith.constant 0 : i32
      %dma_start3A_78 = tpu.memref_slice %arg8[%add3A_76, %dma_start3A_77] : memref<160x128xi32, #tpu.memory_space<vmem>> -> memref<1x128xi32, #tpu.memory_space<vmem>>
      %dma_start3A_79 = tpu.memref_squeeze %dma_start3A_78 : memref<1x128xi32, #tpu.memory_space<vmem>> -> memref<128xi32, #tpu.memory_space<vmem>>
      %dma_start3A_80 = arith.constant 0 : i32
      %dma_start3A_81 = arith.constant 0 : i32
      %dma_start3A_82 = tpu.memref_slice %arg24[%dma_start3A_80, %dma_start3A_81] : memref<10240x64xf32, #tpu.memory_space<vmem_shared>> -> memref<10240x64xf32, #tpu.memory_space<vmem_shared>>
      tpu.enqueue_indirect_dma source(%arg10 : memref<128x64xf32, #tpu.memory_space<vmem>>) target(%dma_start3A_82 : memref<10240x64xf32, #tpu.memory_space<vmem_shared>>) offsets(%dma_start3A_79 : memref<128xi32, #tpu.memory_space<vmem>>) semaphore(%arg20 : memref<!tpu.dma_semaphore, #tpu.memory_space<semaphore_mem>>) {add = true}
      %dma_wait3A_83 = arith.constant 0 : i32
      %dma_wait3A_84 = tpu.memref_slice %arg7[%add3A_33, %dma_wait3A_83] : memref<160x128xi32, #tpu.memory_space<vmem>> -> memref<1x128xi32, #tpu.memory_space<vmem>>
      %dma_wait3A_85 = tpu.memref_squeeze %dma_wait3A_84 : memref<1x128xi32, #tpu.memory_space<vmem>> -> memref<128xi32, #tpu.memory_space<vmem>>
      %dma_wait3A_86 = arith.constant 0 : i32
      %dma_wait3A_87 = arith.constant 0 : i32
      %dma_wait3A_88 = tpu.memref_slice %arg2[%dma_wait3A_86, %dma_wait3A_87] : memref<20000x64xf32, #tpu.memory_space<hbm>> -> memref<20000x64xf32, #tpu.memory_space<hbm>>
      tpu.wait_indirect_dma semaphore(%arg16 : memref<!tpu.dma_semaphore, #tpu.memory_space<semaphore_mem>>) src(%dma_wait3A_88 : memref<20000x64xf32, #tpu.memory_space<hbm>>) dst(%arg11 : memref<128x64xf32, #tpu.memory_space<vmem>>)
      %add3A_89 = arith.constant 2 : i32
      %add3A_90 = arith.addi %mul3A_17, %add3A_89 : i32
      %dma_start3A_91 = arith.constant 0 : i32
      %dma_start3A_92 = tpu.memref_slice %arg8[%add3A_90, %dma_start3A_91] : memref<160x128xi32, #tpu.memory_space<vmem>> -> memref<1x128xi32, #tpu.memory_space<vmem>>
      %dma_start3A_93 = tpu.memref_squeeze %dma_start3A_92 : memref<1x128xi32, #tpu.memory_space<vmem>> -> memref<128xi32, #tpu.memory_space<vmem>>
      %dma_start3A_94 = arith.constant 0 : i32
      %dma_start3A_95 = arith.constant 0 : i32
      %dma_start3A_96 = tpu.memref_slice %arg24[%dma_start3A_94, %dma_start3A_95] : memref<10240x64xf32, #tpu.memory_space<vmem_shared>> -> memref<10240x64xf32, #tpu.memory_space<vmem_shared>>
      tpu.enqueue_indirect_dma source(%arg11 : memref<128x64xf32, #tpu.memory_space<vmem>>) target(%dma_start3A_96 : memref<10240x64xf32, #tpu.memory_space<vmem_shared>>) offsets(%dma_start3A_93 : memref<128xi32, #tpu.memory_space<vmem>>) semaphore(%arg21 : memref<!tpu.dma_semaphore, #tpu.memory_space<semaphore_mem>>) {add = true}
      %dma_wait3A_97 = arith.constant 0 : i32
      %dma_wait3A_98 = tpu.memref_slice %arg7[%add3A_41, %dma_wait3A_97] : memref<160x128xi32, #tpu.memory_space<vmem>> -> memref<1x128xi32, #tpu.memory_space<vmem>>
      %dma_wait3A_99 = tpu.memref_squeeze %dma_wait3A_98 : memref<1x128xi32, #tpu.memory_space<vmem>> -> memref<128xi32, #tpu.memory_space<vmem>>
      %dma_wait3A_100 = arith.constant 0 : i32
      %dma_wait3A_101 = arith.constant 0 : i32
      %dma_wait3A_102 = tpu.memref_slice %arg2[%dma_wait3A_100, %dma_wait3A_101] : memref<20000x64xf32, #tpu.memory_space<hbm>> -> memref<20000x64xf32, #tpu.memory_space<hbm>>
      tpu.wait_indirect_dma semaphore(%arg17 : memref<!tpu.dma_semaphore, #tpu.memory_space<semaphore_mem>>) src(%dma_wait3A_102 : memref<20000x64xf32, #tpu.memory_space<hbm>>) dst(%arg12 : memref<128x64xf32, #tpu.memory_space<vmem>>)
      %add3A_103 = arith.constant 3 : i32
      %add3A_104 = arith.addi %mul3A_17, %add3A_103 : i32
      %dma_start3A_105 = arith.constant 0 : i32
      %dma_start3A_106 = tpu.memref_slice %arg8[%add3A_104, %dma_start3A_105] : memref<160x128xi32, #tpu.memory_space<vmem>> -> memref<1x128xi32, #tpu.memory_space<vmem>>
      %dma_start3A_107 = tpu.memref_squeeze %dma_start3A_106 : memref<1x128xi32, #tpu.memory_space<vmem>> -> memref<128xi32, #tpu.memory_space<vmem>>
      %dma_start3A_108 = arith.constant 0 : i32
      %dma_start3A_109 = arith.constant 0 : i32
      %dma_start3A_110 = tpu.memref_slice %arg24[%dma_start3A_108, %dma_start3A_109] : memref<10240x64xf32, #tpu.memory_space<vmem_shared>> -> memref<10240x64xf32, #tpu.memory_space<vmem_shared>>
      tpu.enqueue_indirect_dma source(%arg12 : memref<128x64xf32, #tpu.memory_space<vmem>>) target(%dma_start3A_110 : memref<10240x64xf32, #tpu.memory_space<vmem_shared>>) offsets(%dma_start3A_107 : memref<128xi32, #tpu.memory_space<vmem>>) semaphore(%arg22 : memref<!tpu.dma_semaphore, #tpu.memory_space<semaphore_mem>>) {add = true}
      %dma_wait3A_111 = arith.constant 0 : i32
      %dma_wait3A_112 = tpu.memref_slice %arg7[%add3A_49, %dma_wait3A_111] : memref<160x128xi32, #tpu.memory_space<vmem>> -> memref<1x128xi32, #tpu.memory_space<vmem>>
      %dma_wait3A_113 = tpu.memref_squeeze %dma_wait3A_112 : memref<1x128xi32, #tpu.memory_space<vmem>> -> memref<128xi32, #tpu.memory_space<vmem>>
      %dma_wait3A_114 = arith.constant 0 : i32
      %dma_wait3A_115 = arith.constant 0 : i32
      %dma_wait3A_116 = tpu.memref_slice %arg2[%dma_wait3A_114, %dma_wait3A_115] : memref<20000x64xf32, #tpu.memory_space<hbm>> -> memref<20000x64xf32, #tpu.memory_space<hbm>>
      tpu.wait_indirect_dma semaphore(%arg18 : memref<!tpu.dma_semaphore, #tpu.memory_space<semaphore_mem>>) src(%dma_wait3A_116 : memref<20000x64xf32, #tpu.memory_space<hbm>>) dst(%arg13 : memref<128x64xf32, #tpu.memory_space<vmem>>)
      %add3A_117 = arith.constant 4 : i32
      %add3A_118 = arith.addi %mul3A_17, %add3A_117 : i32
      %dma_start3A_119 = arith.constant 0 : i32
      %dma_start3A_120 = tpu.memref_slice %arg8[%add3A_118, %dma_start3A_119] : memref<160x128xi32, #tpu.memory_space<vmem>> -> memref<1x128xi32, #tpu.memory_space<vmem>>
      %dma_start3A_121 = tpu.memref_squeeze %dma_start3A_120 : memref<1x128xi32, #tpu.memory_space<vmem>> -> memref<128xi32, #tpu.memory_space<vmem>>
      %dma_start3A_122 = arith.constant 0 : i32
      %dma_start3A_123 = arith.constant 0 : i32
      %dma_start3A_124 = tpu.memref_slice %arg24[%dma_start3A_122, %dma_start3A_123] : memref<10240x64xf32, #tpu.memory_space<vmem_shared>> -> memref<10240x64xf32, #tpu.memory_space<vmem_shared>>
      tpu.enqueue_indirect_dma source(%arg13 : memref<128x64xf32, #tpu.memory_space<vmem>>) target(%dma_start3A_124 : memref<10240x64xf32, #tpu.memory_space<vmem_shared>>) offsets(%dma_start3A_121 : memref<128xi32, #tpu.memory_space<vmem>>) semaphore(%arg23 : memref<!tpu.dma_semaphore, #tpu.memory_space<semaphore_mem>>) {add = true}
      %dma_wait3A_125 = arith.constant 0 : i32
      %dma_wait3A_126 = tpu.memref_slice %arg8[%add3A_62, %dma_wait3A_125] : memref<160x128xi32, #tpu.memory_space<vmem>> -> memref<1x128xi32, #tpu.memory_space<vmem>>
      %dma_wait3A_127 = tpu.memref_squeeze %dma_wait3A_126 : memref<1x128xi32, #tpu.memory_space<vmem>> -> memref<128xi32, #tpu.memory_space<vmem>>
      %dma_wait3A_128 = arith.constant 0 : i32
      %dma_wait3A_129 = arith.constant 0 : i32
      %dma_wait3A_130 = tpu.memref_slice %arg24[%dma_wait3A_128, %dma_wait3A_129] : memref<10240x64xf32, #tpu.memory_space<vmem_shared>> -> memref<10240x64xf32, #tpu.memory_space<vmem_shared>>
      tpu.wait_indirect_dma semaphore(%arg19 : memref<!tpu.dma_semaphore, #tpu.memory_space<semaphore_mem>>) src(%arg9 : memref<128x64xf32, #tpu.memory_space<vmem>>) dst(%dma_wait3A_130 : memref<10240x64xf32, #tpu.memory_space<vmem_shared>>)
      %dma_wait3A_131 = arith.constant 0 : i32
      %dma_wait3A_132 = tpu.memref_slice %arg8[%add3A_76, %dma_wait3A_131] : memref<160x128xi32, #tpu.memory_space<vmem>> -> memref<1x128xi32, #tpu.memory_space<vmem>>
      %dma_wait3A_133 = tpu.memref_squeeze %dma_wait3A_132 : memref<1x128xi32, #tpu.memory_space<vmem>> -> memref<128xi32, #tpu.memory_space<vmem>>
      %dma_wait3A_134 = arith.constant 0 : i32
      %dma_wait3A_135 = arith.constant 0 : i32
      %dma_wait3A_136 = tpu.memref_slice %arg24[%dma_wait3A_134, %dma_wait3A_135] : memref<10240x64xf32, #tpu.memory_space<vmem_shared>> -> memref<10240x64xf32, #tpu.memory_space<vmem_shared>>
      tpu.wait_indirect_dma semaphore(%arg20 : memref<!tpu.dma_semaphore, #tpu.memory_space<semaphore_mem>>) src(%arg10 : memref<128x64xf32, #tpu.memory_space<vmem>>) dst(%dma_wait3A_136 : memref<10240x64xf32, #tpu.memory_space<vmem_shared>>)
      %dma_wait3A_137 = arith.constant 0 : i32
      %dma_wait3A_138 = tpu.memref_slice %arg8[%add3A_90, %dma_wait3A_137] : memref<160x128xi32, #tpu.memory_space<vmem>> -> memref<1x128xi32, #tpu.memory_space<vmem>>
      %dma_wait3A_139 = tpu.memref_squeeze %dma_wait3A_138 : memref<1x128xi32, #tpu.memory_space<vmem>> -> memref<128xi32, #tpu.memory_space<vmem>>
      %dma_wait3A_140 = arith.constant 0 : i32
      %dma_wait3A_141 = arith.constant 0 : i32
      %dma_wait3A_142 = tpu.memref_slice %arg24[%dma_wait3A_140, %dma_wait3A_141] : memref<10240x64xf32, #tpu.memory_space<vmem_shared>> -> memref<10240x64xf32, #tpu.memory_space<vmem_shared>>
      tpu.wait_indirect_dma semaphore(%arg21 : memref<!tpu.dma_semaphore, #tpu.memory_space<semaphore_mem>>) src(%arg11 : memref<128x64xf32, #tpu.memory_space<vmem>>) dst(%dma_wait3A_142 : memref<10240x64xf32, #tpu.memory_space<vmem_shared>>)
      %dma_wait3A_143 = arith.constant 0 : i32
      %dma_wait3A_144 = tpu.memref_slice %arg8[%add3A_104, %dma_wait3A_143] : memref<160x128xi32, #tpu.memory_space<vmem>> -> memref<1x128xi32, #tpu.memory_space<vmem>>
      %dma_wait3A_145 = tpu.memref_squeeze %dma_wait3A_144 : memref<1x128xi32, #tpu.memory_space<vmem>> -> memref<128xi32, #tpu.memory_space<vmem>>
      %dma_wait3A_146 = arith.constant 0 : i32
      %dma_wait3A_147 = arith.constant 0 : i32
      %dma_wait3A_148 = tpu.memref_slice %arg24[%dma_wait3A_146, %dma_wait3A_147] : memref<10240x64xf32, #tpu.memory_space<vmem_shared>> -> memref<10240x64xf32, #tpu.memory_space<vmem_shared>>
      tpu.wait_indirect_dma semaphore(%arg22 : memref<!tpu.dma_semaphore, #tpu.memory_space<semaphore_mem>>) src(%arg12 : memref<128x64xf32, #tpu.memory_space<vmem>>) dst(%dma_wait3A_148 : memref<10240x64xf32, #tpu.memory_space<vmem_shared>>)
      %dma_wait3A_149 = arith.constant 0 : i32
      %dma_wait3A_150 = tpu.memref_slice %arg8[%add3A_118, %dma_wait3A_149] : memref<160x128xi32, #tpu.memory_space<vmem>> -> memref<1x128xi32, #tpu.memory_space<vmem>>
      %dma_wait3A_151 = tpu.memref_squeeze %dma_wait3A_150 : memref<1x128xi32, #tpu.memory_space<vmem>> -> memref<128xi32, #tpu.memory_space<vmem>>
      %dma_wait3A_152 = arith.constant 0 : i32
      %dma_wait3A_153 = arith.constant 0 : i32
      %dma_wait3A_154 = tpu.memref_slice %arg24[%dma_wait3A_152, %dma_wait3A_153] : memref<10240x64xf32, #tpu.memory_space<vmem_shared>> -> memref<10240x64xf32, #tpu.memory_space<vmem_shared>>
      tpu.wait_indirect_dma semaphore(%arg23 : memref<!tpu.dma_semaphore, #tpu.memory_space<semaphore_mem>>) src(%arg13 : memref<128x64xf32, #tpu.memory_space<vmem>>) dst(%dma_wait3A_154 : memref<10240x64xf32, #tpu.memory_space<vmem_shared>>)
    }
    %scan3A_9 = arith.constant 32 : i32
    %barrier3A_10 = arith.constant 0 : index
    tpu.barrier barrier_id(%barrier3A_10)
    %mul3A_11 = arith.constant 640 : i32
    %mul3A_12 = arith.muli %arg1, %mul3A_11 : i32
    %mul3A_13 = arith.constant 640 : i32
    %mul3A_14 = arith.muli %arg1, %mul3A_13 : i32
    "tpu.region"() ({
      %run_scoped3A = tpu.sem_alloc : memref<!tpu.dma_semaphore, #tpu.memory_space<semaphore_mem>>
      %dma_start3A = arith.constant 0 : i32
      %dma_start3A_15 = tpu.memref_slice %arg6[%arg0, %mul3A_14, %dma_start3A] : memref<2x10240x64xf32, #tpu.memory_space<hbm>> -> memref<1x640x64xf32, #tpu.memory_space<hbm>>
      %dma_start3A_16 = tpu.memref_squeeze %dma_start3A_15 : memref<1x640x64xf32, #tpu.memory_space<hbm>> -> memref<640x64xf32, #tpu.memory_space<hbm>>
      %dma_start3A_17 = arith.constant 0 : i32
      %dma_start3A_18 = tpu.memref_slice %arg24[%mul3A_12, %dma_start3A_17] : memref<10240x64xf32, #tpu.memory_space<vmem_shared>> -> memref<640x64xf32, #tpu.memory_space<vmem_shared>>
      tpu.enqueue_dma source(%dma_start3A_18 : memref<640x64xf32, #tpu.memory_space<vmem_shared>>) target(%dma_start3A_16 : memref<640x64xf32, #tpu.memory_space<hbm>>) target_semaphore(%run_scoped3A : memref<!tpu.dma_semaphore, #tpu.memory_space<semaphore_mem>>)
      %dma_wait3A = arith.constant 0 : i32
      %dma_wait3A_19 = tpu.memref_slice %arg6[%arg0, %mul3A_14, %dma_wait3A] : memref<2x10240x64xf32, #tpu.memory_space<hbm>> -> memref<1x640x64xf32, #tpu.memory_space<hbm>>
      %dma_wait3A_20 = tpu.memref_squeeze %dma_wait3A_19 : memref<1x640x64xf32, #tpu.memory_space<hbm>> -> memref<640x64xf32, #tpu.memory_space<hbm>>
      %dma_wait3A_21 = arith.constant 0 : i32
      %dma_wait3A_22 = tpu.memref_slice %arg24[%mul3A_12, %dma_wait3A_21] : memref<10240x64xf32, #tpu.memory_space<vmem_shared>> -> memref<640x64xf32, #tpu.memory_space<vmem_shared>>
      tpu.wait_dma2 semaphore(%run_scoped3A : memref<!tpu.dma_semaphore, #tpu.memory_space<semaphore_mem>>) src(%dma_wait3A_22 : memref<640x64xf32, #tpu.memory_space<vmem_shared>>) dst(%dma_wait3A_20 : memref<640x64xf32, #tpu.memory_space<hbm>>)
      tpu.yield
    }) : () -> ()
    return
  }
}

#map = affine_map<(d0, d1) -> (0, 0)>
#map1 = affine_map<(d0, d1) -> (0, 0, 0)>
module attributes {stable_mosaic.version = 14 : i64} {
  func.func @_agg_body(%arg0: i32, %arg1: i32, %arg2: memref<20000x64xf32, #tpu.memory_space<hbm>>, %arg3: memref<2x2560x128xi32, #tpu.memory_space<hbm>>, %arg4: memref<2560x128xi32, #tpu.memory_space<hbm>>, %arg5: memref<640x64xf32, #tpu.memory_space<hbm>>, %arg6: memref<2x10240x64xf32, #tpu.memory_space<hbm>>, %arg7: memref<160x128xi32, #tpu.memory_space<vmem>>, %arg8: memref<160x128xi32, #tpu.memory_space<vmem>>, %arg9: memref<128x64xf32, #tpu.memory_space<vmem>>, %arg10: memref<128x64xf32, #tpu.memory_space<vmem>>, %arg11: memref<128x64xf32, #tpu.memory_space<vmem>>, %arg12: memref<128x64xf32, #tpu.memory_space<vmem>>, %arg13: memref<128x64xf32, #tpu.memory_space<vmem>>, %arg14: memref<!tpu.dma_semaphore, #tpu.memory_space<semaphore_mem>>, %arg15: memref<!tpu.dma_semaphore, #tpu.memory_space<semaphore_mem>>, %arg16: memref<!tpu.dma_semaphore, #tpu.memory_space<semaphore_mem>>, %arg17: memref<!tpu.dma_semaphore, #tpu.memory_space<semaphore_mem>>, %arg18: memref<!tpu.dma_semaphore, #tpu.memory_space<semaphore_mem>>, %arg19: memref<!tpu.dma_semaphore, #tpu.memory_space<semaphore_mem>>, %arg20: memref<!tpu.dma_semaphore, #tpu.memory_space<semaphore_mem>>, %arg21: memref<!tpu.dma_semaphore, #tpu.memory_space<semaphore_mem>>, %arg22: memref<!tpu.dma_semaphore, #tpu.memory_space<semaphore_mem>>, %arg23: memref<!tpu.dma_semaphore, #tpu.memory_space<semaphore_mem>>, %arg24: memref<10240x64xf32, #tpu.memory_space<vmem_shared>>) attributes {dimension_semantics = [#tpu.dimension_semantics<core_parallel>, #tpu.dimension_semantics<subcore_parallel>], iteration_bounds = array<i64: 2, 16>, scalar_prefetch = 0 : i64, scratch_operands = 18 : i64, tpu.core_type = #tpu.core_type<sc_vector_subcore>, window_params = [{transform_indices = #map}, {transform_indices = #map1}, {transform_indices = #map}, {transform_indices = #map}, {transform_indices = #map1}]} {
    %mul3A = arith.constant 640 : i32
    %mul3A_0 = arith.muli %arg1, %mul3A : i32
    "tpu.region"() ({
      %run_scoped3A = tpu.sem_alloc : memref<!tpu.dma_semaphore, #tpu.memory_space<semaphore_mem>>
      %dma_start3A = arith.constant 0 : i32
      %dma_start3A_15 = tpu.memref_slice %arg24[%mul3A_0, %dma_start3A] : memref<10240x64xf32, #tpu.memory_space<vmem_shared>> -> memref<640x64xf32, #tpu.memory_space<vmem_shared>>
      %dma_start3A_16 = arith.constant 0 : i32
      %dma_start3A_17 = arith.constant 0 : i32
      %dma_start3A_18 = tpu.memref_slice %arg5[%dma_start3A_16, %dma_start3A_17] : memref<640x64xf32, #tpu.memory_space<hbm>> -> memref<640x64xf32, #tpu.memory_space<hbm>>
      tpu.enqueue_dma source(%dma_start3A_18 : memref<640x64xf32, #tpu.memory_space<hbm>>) target(%dma_start3A_15 : memref<640x64xf32, #tpu.memory_space<vmem_shared>>) target_semaphore(%run_scoped3A : memref<!tpu.dma_semaphore, #tpu.memory_space<semaphore_mem>>)
      %dma_wait3A = arith.constant 0 : i32
      %dma_wait3A_19 = tpu.memref_slice %arg24[%mul3A_0, %dma_wait3A] : memref<10240x64xf32, #tpu.memory_space<vmem_shared>> -> memref<640x64xf32, #tpu.memory_space<vmem_shared>>
      %dma_wait3A_20 = arith.constant 0 : i32
      %dma_wait3A_21 = arith.constant 0 : i32
      %dma_wait3A_22 = tpu.memref_slice %arg5[%dma_wait3A_20, %dma_wait3A_21] : memref<640x64xf32, #tpu.memory_space<hbm>> -> memref<640x64xf32, #tpu.memory_space<hbm>>
      tpu.wait_dma2 semaphore(%run_scoped3A : memref<!tpu.dma_semaphore, #tpu.memory_space<semaphore_mem>>) src(%dma_wait3A_22 : memref<640x64xf32, #tpu.memory_space<hbm>>) dst(%dma_wait3A_19 : memref<640x64xf32, #tpu.memory_space<vmem_shared>>)
      tpu.yield
    }) : () -> ()
    %mul3A_1 = arith.constant 160 : i32
    %mul3A_2 = arith.muli %arg1, %mul3A_1 : i32
    "tpu.region"() ({
      %run_scoped3A = tpu.sem_alloc : memref<!tpu.dma_semaphore, #tpu.memory_space<semaphore_mem>>
      %dma_start3A = arith.constant 0 : i32
      %dma_start3A_15 = tpu.memref_slice %arg3[%arg0, %mul3A_2, %dma_start3A] : memref<2x2560x128xi32, #tpu.memory_space<hbm>> -> memref<1x160x128xi32, #tpu.memory_space<hbm>>
      %dma_start3A_16 = tpu.memref_squeeze %dma_start3A_15 : memref<1x160x128xi32, #tpu.memory_space<hbm>> -> memref<160x128xi32, #tpu.memory_space<hbm>>
      %dma_start3A_17 = arith.constant 0 : i32
      %dma_start3A_18 = tpu.memref_slice %arg3[%arg0, %mul3A_2, %dma_start3A_17] : memref<2x2560x128xi32, #tpu.memory_space<hbm>> -> memref<1x160x128xi32, #tpu.memory_space<hbm>>
      %dma_start3A_19 = tpu.memref_squeeze %dma_start3A_18 : memref<1x160x128xi32, #tpu.memory_space<hbm>> -> memref<160x128xi32, #tpu.memory_space<hbm>>
      tpu.enqueue_dma source(%dma_start3A_19 : memref<160x128xi32, #tpu.memory_space<hbm>>) target(%arg7 : memref<160x128xi32, #tpu.memory_space<vmem>>) target_semaphore(%run_scoped3A : memref<!tpu.dma_semaphore, #tpu.memory_space<semaphore_mem>>)
      %dma_wait3A = arith.constant 0 : i32
      %dma_wait3A_20 = tpu.memref_slice %arg3[%arg0, %mul3A_2, %dma_wait3A] : memref<2x2560x128xi32, #tpu.memory_space<hbm>> -> memref<1x160x128xi32, #tpu.memory_space<hbm>>
      %dma_wait3A_21 = tpu.memref_squeeze %dma_wait3A_20 : memref<1x160x128xi32, #tpu.memory_space<hbm>> -> memref<160x128xi32, #tpu.memory_space<hbm>>
      %dma_wait3A_22 = arith.constant 0 : i32
      %dma_wait3A_23 = tpu.memref_slice %arg3[%arg0, %mul3A_2, %dma_wait3A_22] : memref<2x2560x128xi32, #tpu.memory_space<hbm>> -> memref<1x160x128xi32, #tpu.memory_space<hbm>>
      %dma_wait3A_24 = tpu.memref_squeeze %dma_wait3A_23 : memref<1x160x128xi32, #tpu.memory_space<hbm>> -> memref<160x128xi32, #tpu.memory_space<hbm>>
      tpu.wait_dma2 semaphore(%run_scoped3A : memref<!tpu.dma_semaphore, #tpu.memory_space<semaphore_mem>>) src(%dma_wait3A_24 : memref<160x128xi32, #tpu.memory_space<hbm>>) dst(%arg7 : memref<160x128xi32, #tpu.memory_space<vmem>>)
      tpu.yield
    }) : () -> ()
    %mul3A_3 = arith.constant 160 : i32
    %mul3A_4 = arith.muli %arg1, %mul3A_3 : i32
    "tpu.region"() ({
      %run_scoped3A = tpu.sem_alloc : memref<!tpu.dma_semaphore, #tpu.memory_space<semaphore_mem>>
      %dma_start3A = arith.constant 0 : i32
      %dma_start3A_15 = tpu.memref_slice %arg4[%mul3A_4, %dma_start3A] : memref<2560x128xi32, #tpu.memory_space<hbm>> -> memref<160x128xi32, #tpu.memory_space<hbm>>
      %dma_start3A_16 = arith.constant 0 : i32
      %dma_start3A_17 = tpu.memref_slice %arg4[%mul3A_4, %dma_start3A_16] : memref<2560x128xi32, #tpu.memory_space<hbm>> -> memref<160x128xi32, #tpu.memory_space<hbm>>
      tpu.enqueue_dma source(%dma_start3A_17 : memref<160x128xi32, #tpu.memory_space<hbm>>) target(%arg8 : memref<160x128xi32, #tpu.memory_space<vmem>>) target_semaphore(%run_scoped3A : memref<!tpu.dma_semaphore, #tpu.memory_space<semaphore_mem>>)
      %dma_wait3A = arith.constant 0 : i32
      %dma_wait3A_18 = tpu.memref_slice %arg4[%mul3A_4, %dma_wait3A] : memref<2560x128xi32, #tpu.memory_space<hbm>> -> memref<160x128xi32, #tpu.memory_space<hbm>>
      %dma_wait3A_19 = arith.constant 0 : i32
      %dma_wait3A_20 = tpu.memref_slice %arg4[%mul3A_4, %dma_wait3A_19] : memref<2560x128xi32, #tpu.memory_space<hbm>> -> memref<160x128xi32, #tpu.memory_space<hbm>>
      tpu.wait_dma2 semaphore(%run_scoped3A : memref<!tpu.dma_semaphore, #tpu.memory_space<semaphore_mem>>) src(%dma_wait3A_20 : memref<160x128xi32, #tpu.memory_space<hbm>>) dst(%arg8 : memref<160x128xi32, #tpu.memory_space<vmem>>)
      tpu.yield
    }) : () -> ()
    %barrier3A = arith.constant 0 : index
    tpu.barrier barrier_id(%barrier3A)
    %scan3A = arith.constant 0 : i32
    %scan3A_5 = arith.constant 0 : i32
    %scan3A_6 = arith.constant 32 : i32
    %scan3A_7 = arith.addi %scan3A_5, %scan3A_6 : i32
    %scan3A_8 = arith.constant 1 : i32
    scf.for %scan3A_15 = %scan3A_5 to %scan3A_7 step %scan3A_8  : i32 {
      %mul3A_16 = arith.constant 5 : i32
      %mul3A_17 = arith.muli %scan3A_15, %mul3A_16 : i32
      %add3A = arith.constant 0 : i32
      %add3A_18 = arith.addi %mul3A_17, %add3A : i32
      %dma_start3A = arith.constant 0 : i32
      %dma_start3A_19 = tpu.memref_slice %arg7[%add3A_18, %dma_start3A] : memref<160x128xi32, #tpu.memory_space<vmem>> -> memref<1x128xi32, #tpu.memory_space<vmem>>
      %dma_start3A_20 = tpu.memref_squeeze %dma_start3A_19 : memref<1x128xi32, #tpu.memory_space<vmem>> -> memref<128xi32, #tpu.memory_space<vmem>>
      %dma_start3A_21 = arith.constant 0 : i32
      %dma_start3A_22 = arith.constant 0 : i32
      %dma_start3A_23 = tpu.memref_slice %arg2[%dma_start3A_21, %dma_start3A_22] : memref<20000x64xf32, #tpu.memory_space<hbm>> -> memref<20000x64xf32, #tpu.memory_space<hbm>>
      tpu.enqueue_indirect_dma source(%dma_start3A_23 : memref<20000x64xf32, #tpu.memory_space<hbm>>) target(%arg9 : memref<128x64xf32, #tpu.memory_space<vmem>>) offsets(%dma_start3A_20 : memref<128xi32, #tpu.memory_space<vmem>>) semaphore(%arg14 : memref<!tpu.dma_semaphore, #tpu.memory_space<semaphore_mem>>)
      %add3A_24 = arith.constant 1 : i32
      %add3A_25 = arith.addi %mul3A_17, %add3A_24 : i32
      %dma_start3A_26 = arith.constant 0 : i32
      %dma_start3A_27 = tpu.memref_slice %arg7[%add3A_25, %dma_start3A_26] : memref<160x128xi32, #tpu.memory_space<vmem>> -> memref<1x128xi32, #tpu.memory_space<vmem>>
      %dma_start3A_28 = tpu.memref_squeeze %dma_start3A_27 : memref<1x128xi32, #tpu.memory_space<vmem>> -> memref<128xi32, #tpu.memory_space<vmem>>
      %dma_start3A_29 = arith.constant 0 : i32
      %dma_start3A_30 = arith.constant 0 : i32
      %dma_start3A_31 = tpu.memref_slice %arg2[%dma_start3A_29, %dma_start3A_30] : memref<20000x64xf32, #tpu.memory_space<hbm>> -> memref<20000x64xf32, #tpu.memory_space<hbm>>
      tpu.enqueue_indirect_dma source(%dma_start3A_31 : memref<20000x64xf32, #tpu.memory_space<hbm>>) target(%arg10 : memref<128x64xf32, #tpu.memory_space<vmem>>) offsets(%dma_start3A_28 : memref<128xi32, #tpu.memory_space<vmem>>) semaphore(%arg15 : memref<!tpu.dma_semaphore, #tpu.memory_space<semaphore_mem>>)
      %add3A_32 = arith.constant 2 : i32
      %add3A_33 = arith.addi %mul3A_17, %add3A_32 : i32
      %dma_start3A_34 = arith.constant 0 : i32
      %dma_start3A_35 = tpu.memref_slice %arg7[%add3A_33, %dma_start3A_34] : memref<160x128xi32, #tpu.memory_space<vmem>> -> memref<1x128xi32, #tpu.memory_space<vmem>>
      %dma_start3A_36 = tpu.memref_squeeze %dma_start3A_35 : memref<1x128xi32, #tpu.memory_space<vmem>> -> memref<128xi32, #tpu.memory_space<vmem>>
      %dma_start3A_37 = arith.constant 0 : i32
      %dma_start3A_38 = arith.constant 0 : i32
      %dma_start3A_39 = tpu.memref_slice %arg2[%dma_start3A_37, %dma_start3A_38] : memref<20000x64xf32, #tpu.memory_space<hbm>> -> memref<20000x64xf32, #tpu.memory_space<hbm>>
      tpu.enqueue_indirect_dma source(%dma_start3A_39 : memref<20000x64xf32, #tpu.memory_space<hbm>>) target(%arg11 : memref<128x64xf32, #tpu.memory_space<vmem>>) offsets(%dma_start3A_36 : memref<128xi32, #tpu.memory_space<vmem>>) semaphore(%arg16 : memref<!tpu.dma_semaphore, #tpu.memory_space<semaphore_mem>>)
      %add3A_40 = arith.constant 3 : i32
      %add3A_41 = arith.addi %mul3A_17, %add3A_40 : i32
      %dma_start3A_42 = arith.constant 0 : i32
      %dma_start3A_43 = tpu.memref_slice %arg7[%add3A_41, %dma_start3A_42] : memref<160x128xi32, #tpu.memory_space<vmem>> -> memref<1x128xi32, #tpu.memory_space<vmem>>
      %dma_start3A_44 = tpu.memref_squeeze %dma_start3A_43 : memref<1x128xi32, #tpu.memory_space<vmem>> -> memref<128xi32, #tpu.memory_space<vmem>>
      %dma_start3A_45 = arith.constant 0 : i32
      %dma_start3A_46 = arith.constant 0 : i32
      %dma_start3A_47 = tpu.memref_slice %arg2[%dma_start3A_45, %dma_start3A_46] : memref<20000x64xf32, #tpu.memory_space<hbm>> -> memref<20000x64xf32, #tpu.memory_space<hbm>>
      tpu.enqueue_indirect_dma source(%dma_start3A_47 : memref<20000x64xf32, #tpu.memory_space<hbm>>) target(%arg12 : memref<128x64xf32, #tpu.memory_space<vmem>>) offsets(%dma_start3A_44 : memref<128xi32, #tpu.memory_space<vmem>>) semaphore(%arg17 : memref<!tpu.dma_semaphore, #tpu.memory_space<semaphore_mem>>)
      %add3A_48 = arith.constant 4 : i32
      %add3A_49 = arith.addi %mul3A_17, %add3A_48 : i32
      %dma_start3A_50 = arith.constant 0 : i32
      %dma_start3A_51 = tpu.memref_slice %arg7[%add3A_49, %dma_start3A_50] : memref<160x128xi32, #tpu.memory_space<vmem>> -> memref<1x128xi32, #tpu.memory_space<vmem>>
      %dma_start3A_52 = tpu.memref_squeeze %dma_start3A_51 : memref<1x128xi32, #tpu.memory_space<vmem>> -> memref<128xi32, #tpu.memory_space<vmem>>
      %dma_start3A_53 = arith.constant 0 : i32
      %dma_start3A_54 = arith.constant 0 : i32
      %dma_start3A_55 = tpu.memref_slice %arg2[%dma_start3A_53, %dma_start3A_54] : memref<20000x64xf32, #tpu.memory_space<hbm>> -> memref<20000x64xf32, #tpu.memory_space<hbm>>
      tpu.enqueue_indirect_dma source(%dma_start3A_55 : memref<20000x64xf32, #tpu.memory_space<hbm>>) target(%arg13 : memref<128x64xf32, #tpu.memory_space<vmem>>) offsets(%dma_start3A_52 : memref<128xi32, #tpu.memory_space<vmem>>) semaphore(%arg18 : memref<!tpu.dma_semaphore, #tpu.memory_space<semaphore_mem>>)
      %dma_wait3A = arith.constant 0 : i32
      %dma_wait3A_56 = tpu.memref_slice %arg7[%add3A_18, %dma_wait3A] : memref<160x128xi32, #tpu.memory_space<vmem>> -> memref<1x128xi32, #tpu.memory_space<vmem>>
      %dma_wait3A_57 = tpu.memref_squeeze %dma_wait3A_56 : memref<1x128xi32, #tpu.memory_space<vmem>> -> memref<128xi32, #tpu.memory_space<vmem>>
      %dma_wait3A_58 = arith.constant 0 : i32
      %dma_wait3A_59 = arith.constant 0 : i32
      %dma_wait3A_60 = tpu.memref_slice %arg2[%dma_wait3A_58, %dma_wait3A_59] : memref<20000x64xf32, #tpu.memory_space<hbm>> -> memref<20000x64xf32, #tpu.memory_space<hbm>>
      tpu.wait_indirect_dma semaphore(%arg14 : memref<!tpu.dma_semaphore, #tpu.memory_space<semaphore_mem>>) src(%dma_wait3A_60 : memref<20000x64xf32, #tpu.memory_space<hbm>>) dst(%arg9 : memref<128x64xf32, #tpu.memory_space<vmem>>)
      %add3A_61 = arith.constant 0 : i32
      %add3A_62 = arith.addi %mul3A_17, %add3A_61 : i32
      %dma_start3A_63 = arith.constant 0 : i32
      %dma_start3A_64 = tpu.memref_slice %arg8[%add3A_62, %dma_start3A_63] : memref<160x128xi32, #tpu.memory_space<vmem>> -> memref<1x128xi32, #tpu.memory_space<vmem>>
      %dma_start3A_65 = tpu.memref_squeeze %dma_start3A_64 : memref<1x128xi32, #tpu.memory_space<vmem>> -> memref<128xi32, #tpu.memory_space<vmem>>
      %dma_start3A_66 = arith.constant 0 : i32
      %dma_start3A_67 = arith.constant 0 : i32
      %dma_start3A_68 = tpu.memref_slice %arg24[%dma_start3A_66, %dma_start3A_67] : memref<10240x64xf32, #tpu.memory_space<vmem_shared>> -> memref<10240x64xf32, #tpu.memory_space<vmem_shared>>
      tpu.enqueue_indirect_dma source(%arg9 : memref<128x64xf32, #tpu.memory_space<vmem>>) target(%dma_start3A_68 : memref<10240x64xf32, #tpu.memory_space<vmem_shared>>) offsets(%dma_start3A_65 : memref<128xi32, #tpu.memory_space<vmem>>) semaphore(%arg19 : memref<!tpu.dma_semaphore, #tpu.memory_space<semaphore_mem>>) {add = true}
      %dma_wait3A_69 = arith.constant 0 : i32
      %dma_wait3A_70 = tpu.memref_slice %arg7[%add3A_25, %dma_wait3A_69] : memref<160x128xi32, #tpu.memory_space<vmem>> -> memref<1x128xi32, #tpu.memory_space<vmem>>
      %dma_wait3A_71 = tpu.memref_squeeze %dma_wait3A_70 : memref<1x128xi32, #tpu.memory_space<vmem>> -> memref<128xi32, #tpu.memory_space<vmem>>
      %dma_wait3A_72 = arith.constant 0 : i32
      %dma_wait3A_73 = arith.constant 0 : i32
      %dma_wait3A_74 = tpu.memref_slice %arg2[%dma_wait3A_72, %dma_wait3A_73] : memref<20000x64xf32, #tpu.memory_space<hbm>> -> memref<20000x64xf32, #tpu.memory_space<hbm>>
      tpu.wait_indirect_dma semaphore(%arg15 : memref<!tpu.dma_semaphore, #tpu.memory_space<semaphore_mem>>) src(%dma_wait3A_74 : memref<20000x64xf32, #tpu.memory_space<hbm>>) dst(%arg10 : memref<128x64xf32, #tpu.memory_space<vmem>>)
      %add3A_75 = arith.constant 1 : i32
      %add3A_76 = arith.addi %mul3A_17, %add3A_75 : i32
      %dma_start3A_77 = arith.constant 0 : i32
      %dma_start3A_78 = tpu.memref_slice %arg8[%add3A_76, %dma_start3A_77] : memref<160x128xi32, #tpu.memory_space<vmem>> -> memref<1x128xi32, #tpu.memory_space<vmem>>
      %dma_start3A_79 = tpu.memref_squeeze %dma_start3A_78 : memref<1x128xi32, #tpu.memory_space<vmem>> -> memref<128xi32, #tpu.memory_space<vmem>>
      %dma_start3A_80 = arith.constant 0 : i32
      %dma_start3A_81 = arith.constant 0 : i32
      %dma_start3A_82 = tpu.memref_slice %arg24[%dma_start3A_80, %dma_start3A_81] : memref<10240x64xf32, #tpu.memory_space<vmem_shared>> -> memref<10240x64xf32, #tpu.memory_space<vmem_shared>>
      tpu.enqueue_indirect_dma source(%arg10 : memref<128x64xf32, #tpu.memory_space<vmem>>) target(%dma_start3A_82 : memref<10240x64xf32, #tpu.memory_space<vmem_shared>>) offsets(%dma_start3A_79 : memref<128xi32, #tpu.memory_space<vmem>>) semaphore(%arg20 : memref<!tpu.dma_semaphore, #tpu.memory_space<semaphore_mem>>) {add = true}
      %dma_wait3A_83 = arith.constant 0 : i32
      %dma_wait3A_84 = tpu.memref_slice %arg7[%add3A_33, %dma_wait3A_83] : memref<160x128xi32, #tpu.memory_space<vmem>> -> memref<1x128xi32, #tpu.memory_space<vmem>>
      %dma_wait3A_85 = tpu.memref_squeeze %dma_wait3A_84 : memref<1x128xi32, #tpu.memory_space<vmem>> -> memref<128xi32, #tpu.memory_space<vmem>>
      %dma_wait3A_86 = arith.constant 0 : i32
      %dma_wait3A_87 = arith.constant 0 : i32
      %dma_wait3A_88 = tpu.memref_slice %arg2[%dma_wait3A_86, %dma_wait3A_87] : memref<20000x64xf32, #tpu.memory_space<hbm>> -> memref<20000x64xf32, #tpu.memory_space<hbm>>
      tpu.wait_indirect_dma semaphore(%arg16 : memref<!tpu.dma_semaphore, #tpu.memory_space<semaphore_mem>>) src(%dma_wait3A_88 : memref<20000x64xf32, #tpu.memory_space<hbm>>) dst(%arg11 : memref<128x64xf32, #tpu.memory_space<vmem>>)
      %add3A_89 = arith.constant 2 : i32
      %add3A_90 = arith.addi %mul3A_17, %add3A_89 : i32
      %dma_start3A_91 = arith.constant 0 : i32
      %dma_start3A_92 = tpu.memref_slice %arg8[%add3A_90, %dma_start3A_91] : memref<160x128xi32, #tpu.memory_space<vmem>> -> memref<1x128xi32, #tpu.memory_space<vmem>>
      %dma_start3A_93 = tpu.memref_squeeze %dma_start3A_92 : memref<1x128xi32, #tpu.memory_space<vmem>> -> memref<128xi32, #tpu.memory_space<vmem>>
      %dma_start3A_94 = arith.constant 0 : i32
      %dma_start3A_95 = arith.constant 0 : i32
      %dma_start3A_96 = tpu.memref_slice %arg24[%dma_start3A_94, %dma_start3A_95] : memref<10240x64xf32, #tpu.memory_space<vmem_shared>> -> memref<10240x64xf32, #tpu.memory_space<vmem_shared>>
      tpu.enqueue_indirect_dma source(%arg11 : memref<128x64xf32, #tpu.memory_space<vmem>>) target(%dma_start3A_96 : memref<10240x64xf32, #tpu.memory_space<vmem_shared>>) offsets(%dma_start3A_93 : memref<128xi32, #tpu.memory_space<vmem>>) semaphore(%arg21 : memref<!tpu.dma_semaphore, #tpu.memory_space<semaphore_mem>>) {add = true}
      %dma_wait3A_97 = arith.constant 0 : i32
      %dma_wait3A_98 = tpu.memref_slice %arg7[%add3A_41, %dma_wait3A_97] : memref<160x128xi32, #tpu.memory_space<vmem>> -> memref<1x128xi32, #tpu.memory_space<vmem>>
      %dma_wait3A_99 = tpu.memref_squeeze %dma_wait3A_98 : memref<1x128xi32, #tpu.memory_space<vmem>> -> memref<128xi32, #tpu.memory_space<vmem>>
      %dma_wait3A_100 = arith.constant 0 : i32
      %dma_wait3A_101 = arith.constant 0 : i32
      %dma_wait3A_102 = tpu.memref_slice %arg2[%dma_wait3A_100, %dma_wait3A_101] : memref<20000x64xf32, #tpu.memory_space<hbm>> -> memref<20000x64xf32, #tpu.memory_space<hbm>>
      tpu.wait_indirect_dma semaphore(%arg17 : memref<!tpu.dma_semaphore, #tpu.memory_space<semaphore_mem>>) src(%dma_wait3A_102 : memref<20000x64xf32, #tpu.memory_space<hbm>>) dst(%arg12 : memref<128x64xf32, #tpu.memory_space<vmem>>)
      %add3A_103 = arith.constant 3 : i32
      %add3A_104 = arith.addi %mul3A_17, %add3A_103 : i32
      %dma_start3A_105 = arith.constant 0 : i32
      %dma_start3A_106 = tpu.memref_slice %arg8[%add3A_104, %dma_start3A_105] : memref<160x128xi32, #tpu.memory_space<vmem>> -> memref<1x128xi32, #tpu.memory_space<vmem>>
      %dma_start3A_107 = tpu.memref_squeeze %dma_start3A_106 : memref<1x128xi32, #tpu.memory_space<vmem>> -> memref<128xi32, #tpu.memory_space<vmem>>
      %dma_start3A_108 = arith.constant 0 : i32
      %dma_start3A_109 = arith.constant 0 : i32
      %dma_start3A_110 = tpu.memref_slice %arg24[%dma_start3A_108, %dma_start3A_109] : memref<10240x64xf32, #tpu.memory_space<vmem_shared>> -> memref<10240x64xf32, #tpu.memory_space<vmem_shared>>
      tpu.enqueue_indirect_dma source(%arg12 : memref<128x64xf32, #tpu.memory_space<vmem>>) target(%dma_start3A_110 : memref<10240x64xf32, #tpu.memory_space<vmem_shared>>) offsets(%dma_start3A_107 : memref<128xi32, #tpu.memory_space<vmem>>) semaphore(%arg22 : memref<!tpu.dma_semaphore, #tpu.memory_space<semaphore_mem>>) {add = true}
      %dma_wait3A_111 = arith.constant 0 : i32
      %dma_wait3A_112 = tpu.memref_slice %arg7[%add3A_49, %dma_wait3A_111] : memref<160x128xi32, #tpu.memory_space<vmem>> -> memref<1x128xi32, #tpu.memory_space<vmem>>
      %dma_wait3A_113 = tpu.memref_squeeze %dma_wait3A_112 : memref<1x128xi32, #tpu.memory_space<vmem>> -> memref<128xi32, #tpu.memory_space<vmem>>
      %dma_wait3A_114 = arith.constant 0 : i32
      %dma_wait3A_115 = arith.constant 0 : i32
      %dma_wait3A_116 = tpu.memref_slice %arg2[%dma_wait3A_114, %dma_wait3A_115] : memref<20000x64xf32, #tpu.memory_space<hbm>> -> memref<20000x64xf32, #tpu.memory_space<hbm>>
      tpu.wait_indirect_dma semaphore(%arg18 : memref<!tpu.dma_semaphore, #tpu.memory_space<semaphore_mem>>) src(%dma_wait3A_116 : memref<20000x64xf32, #tpu.memory_space<hbm>>) dst(%arg13 : memref<128x64xf32, #tpu.memory_space<vmem>>)
      %add3A_117 = arith.constant 4 : i32
      %add3A_118 = arith.addi %mul3A_17, %add3A_117 : i32
      %dma_start3A_119 = arith.constant 0 : i32
      %dma_start3A_120 = tpu.memref_slice %arg8[%add3A_118, %dma_start3A_119] : memref<160x128xi32, #tpu.memory_space<vmem>> -> memref<1x128xi32, #tpu.memory_space<vmem>>
      %dma_start3A_121 = tpu.memref_squeeze %dma_start3A_120 : memref<1x128xi32, #tpu.memory_space<vmem>> -> memref<128xi32, #tpu.memory_space<vmem>>
      %dma_start3A_122 = arith.constant 0 : i32
      %dma_start3A_123 = arith.constant 0 : i32
      %dma_start3A_124 = tpu.memref_slice %arg24[%dma_start3A_122, %dma_start3A_123] : memref<10240x64xf32, #tpu.memory_space<vmem_shared>> -> memref<10240x64xf32, #tpu.memory_space<vmem_shared>>
      tpu.enqueue_indirect_dma source(%arg13 : memref<128x64xf32, #tpu.memory_space<vmem>>) target(%dma_start3A_124 : memref<10240x64xf32, #tpu.memory_space<vmem_shared>>) offsets(%dma_start3A_121 : memref<128xi32, #tpu.memory_space<vmem>>) semaphore(%arg23 : memref<!tpu.dma_semaphore, #tpu.memory_space<semaphore_mem>>) {add = true}
      %dma_wait3A_125 = arith.constant 0 : i32
      %dma_wait3A_126 = tpu.memref_slice %arg8[%add3A_62, %dma_wait3A_125] : memref<160x128xi32, #tpu.memory_space<vmem>> -> memref<1x128xi32, #tpu.memory_space<vmem>>
      %dma_wait3A_127 = tpu.memref_squeeze %dma_wait3A_126 : memref<1x128xi32, #tpu.memory_space<vmem>> -> memref<128xi32, #tpu.memory_space<vmem>>
      %dma_wait3A_128 = arith.constant 0 : i32
      %dma_wait3A_129 = arith.constant 0 : i32
      %dma_wait3A_130 = tpu.memref_slice %arg24[%dma_wait3A_128, %dma_wait3A_129] : memref<10240x64xf32, #tpu.memory_space<vmem_shared>> -> memref<10240x64xf32, #tpu.memory_space<vmem_shared>>
      tpu.wait_indirect_dma semaphore(%arg19 : memref<!tpu.dma_semaphore, #tpu.memory_space<semaphore_mem>>) src(%arg9 : memref<128x64xf32, #tpu.memory_space<vmem>>) dst(%dma_wait3A_130 : memref<10240x64xf32, #tpu.memory_space<vmem_shared>>)
      %dma_wait3A_131 = arith.constant 0 : i32
      %dma_wait3A_132 = tpu.memref_slice %arg8[%add3A_76, %dma_wait3A_131] : memref<160x128xi32, #tpu.memory_space<vmem>> -> memref<1x128xi32, #tpu.memory_space<vmem>>
      %dma_wait3A_133 = tpu.memref_squeeze %dma_wait3A_132 : memref<1x128xi32, #tpu.memory_space<vmem>> -> memref<128xi32, #tpu.memory_space<vmem>>
      %dma_wait3A_134 = arith.constant 0 : i32
      %dma_wait3A_135 = arith.constant 0 : i32
      %dma_wait3A_136 = tpu.memref_slice %arg24[%dma_wait3A_134, %dma_wait3A_135] : memref<10240x64xf32, #tpu.memory_space<vmem_shared>> -> memref<10240x64xf32, #tpu.memory_space<vmem_shared>>
      tpu.wait_indirect_dma semaphore(%arg20 : memref<!tpu.dma_semaphore, #tpu.memory_space<semaphore_mem>>) src(%arg10 : memref<128x64xf32, #tpu.memory_space<vmem>>) dst(%dma_wait3A_136 : memref<10240x64xf32, #tpu.memory_space<vmem_shared>>)
      %dma_wait3A_137 = arith.constant 0 : i32
      %dma_wait3A_138 = tpu.memref_slice %arg8[%add3A_90, %dma_wait3A_137] : memref<160x128xi32, #tpu.memory_space<vmem>> -> memref<1x128xi32, #tpu.memory_space<vmem>>
      %dma_wait3A_139 = tpu.memref_squeeze %dma_wait3A_138 : memref<1x128xi32, #tpu.memory_space<vmem>> -> memref<128xi32, #tpu.memory_space<vmem>>
      %dma_wait3A_140 = arith.constant 0 : i32
      %dma_wait3A_141 = arith.constant 0 : i32
      %dma_wait3A_142 = tpu.memref_slice %arg24[%dma_wait3A_140, %dma_wait3A_141] : memref<10240x64xf32, #tpu.memory_space<vmem_shared>> -> memref<10240x64xf32, #tpu.memory_space<vmem_shared>>
      tpu.wait_indirect_dma semaphore(%arg21 : memref<!tpu.dma_semaphore, #tpu.memory_space<semaphore_mem>>) src(%arg11 : memref<128x64xf32, #tpu.memory_space<vmem>>) dst(%dma_wait3A_142 : memref<10240x64xf32, #tpu.memory_space<vmem_shared>>)
      %dma_wait3A_143 = arith.constant 0 : i32
      %dma_wait3A_144 = tpu.memref_slice %arg8[%add3A_104, %dma_wait3A_143] : memref<160x128xi32, #tpu.memory_space<vmem>> -> memref<1x128xi32, #tpu.memory_space<vmem>>
      %dma_wait3A_145 = tpu.memref_squeeze %dma_wait3A_144 : memref<1x128xi32, #tpu.memory_space<vmem>> -> memref<128xi32, #tpu.memory_space<vmem>>
      %dma_wait3A_146 = arith.constant 0 : i32
      %dma_wait3A_147 = arith.constant 0 : i32
      %dma_wait3A_148 = tpu.memref_slice %arg24[%dma_wait3A_146, %dma_wait3A_147] : memref<10240x64xf32, #tpu.memory_space<vmem_shared>> -> memref<10240x64xf32, #tpu.memory_space<vmem_shared>>
      tpu.wait_indirect_dma semaphore(%arg22 : memref<!tpu.dma_semaphore, #tpu.memory_space<semaphore_mem>>) src(%arg12 : memref<128x64xf32, #tpu.memory_space<vmem>>) dst(%dma_wait3A_148 : memref<10240x64xf32, #tpu.memory_space<vmem_shared>>)
      %dma_wait3A_149 = arith.constant 0 : i32
      %dma_wait3A_150 = tpu.memref_slice %arg8[%add3A_118, %dma_wait3A_149] : memref<160x128xi32, #tpu.memory_space<vmem>> -> memref<1x128xi32, #tpu.memory_space<vmem>>
      %dma_wait3A_151 = tpu.memref_squeeze %dma_wait3A_150 : memref<1x128xi32, #tpu.memory_space<vmem>> -> memref<128xi32, #tpu.memory_space<vmem>>
      %dma_wait3A_152 = arith.constant 0 : i32
      %dma_wait3A_153 = arith.constant 0 : i32
      %dma_wait3A_154 = tpu.memref_slice %arg24[%dma_wait3A_152, %dma_wait3A_153] : memref<10240x64xf32, #tpu.memory_space<vmem_shared>> -> memref<10240x64xf32, #tpu.memory_space<vmem_shared>>
      tpu.wait_indirect_dma semaphore(%arg23 : memref<!tpu.dma_semaphore, #tpu.memory_space<semaphore_mem>>) src(%arg13 : memref<128x64xf32, #tpu.memory_space<vmem>>) dst(%dma_wait3A_154 : memref<10240x64xf32, #tpu.memory_space<vmem_shared>>)
    }
    %scan3A_9 = arith.constant 32 : i32
    %barrier3A_10 = arith.constant 0 : index
    tpu.barrier barrier_id(%barrier3A_10)
    %mul3A_11 = arith.constant 640 : i32
    %mul3A_12 = arith.muli %arg1, %mul3A_11 : i32
    %mul3A_13 = arith.constant 640 : i32
    %mul3A_14 = arith.muli %arg1, %mul3A_13 : i32
    "tpu.region"() ({
      %run_scoped3A = tpu.sem_alloc : memref<!tpu.dma_semaphore, #tpu.memory_space<semaphore_mem>>
      %dma_start3A = arith.constant 0 : i32
      %dma_start3A_15 = tpu.memref_slice %arg6[%arg0, %mul3A_14, %dma_start3A] : memref<2x10240x64xf32, #tpu.memory_space<hbm>> -> memref<1x640x64xf32, #tpu.memory_space<hbm>>
      %dma_start3A_16 = tpu.memref_squeeze %dma_start3A_15 : memref<1x640x64xf32, #tpu.memory_space<hbm>> -> memref<640x64xf32, #tpu.memory_space<hbm>>
      %dma_start3A_17 = arith.constant 0 : i32
      %dma_start3A_18 = tpu.memref_slice %arg24[%mul3A_12, %dma_start3A_17] : memref<10240x64xf32, #tpu.memory_space<vmem_shared>> -> memref<640x64xf32, #tpu.memory_space<vmem_shared>>
      tpu.enqueue_dma source(%dma_start3A_18 : memref<640x64xf32, #tpu.memory_space<vmem_shared>>) target(%dma_start3A_16 : memref<640x64xf32, #tpu.memory_space<hbm>>) target_semaphore(%run_scoped3A : memref<!tpu.dma_semaphore, #tpu.memory_space<semaphore_mem>>)
      %dma_wait3A = arith.constant 0 : i32
      %dma_wait3A_19 = tpu.memref_slice %arg6[%arg0, %mul3A_14, %dma_wait3A] : memref<2x10240x64xf32, #tpu.memory_space<hbm>> -> memref<1x640x64xf32, #tpu.memory_space<hbm>>
      %dma_wait3A_20 = tpu.memref_squeeze %dma_wait3A_19 : memref<1x640x64xf32, #tpu.memory_space<hbm>> -> memref<640x64xf32, #tpu.memory_space<hbm>>
      %dma_wait3A_21 = arith.constant 0 : i32
      %dma_wait3A_22 = tpu.memref_slice %arg24[%mul3A_12, %dma_wait3A_21] : memref<10240x64xf32, #tpu.memory_space<vmem_shared>> -> memref<640x64xf32, #tpu.memory_space<vmem_shared>>
      tpu.wait_dma2 semaphore(%run_scoped3A : memref<!tpu.dma_semaphore, #tpu.memory_space<semaphore_mem>>) src(%dma_wait3A_22 : memref<640x64xf32, #tpu.memory_space<vmem_shared>>) dst(%dma_wait3A_20 : memref<640x64xf32, #tpu.memory_space<hbm>>)
      tpu.yield
    }) : () -> ()
    return
  }
}

module attributes {stable_mosaic.version = 14 : i64} {
  func.func @_lin_body(%arg0: i32, %arg1: memref<2x1000x64xf32, #tpu.memory_space<vmem>>, %arg2: memref<128x128xf32, #tpu.memory_space<vmem>>, %arg3: memref<1x128xf32, #tpu.memory_space<vmem>>, %arg4: memref<1000x128xf32, #tpu.memory_space<vmem>>) attributes {dimension_semantics = [#tpu.dimension_semantics<arbitrary>], iteration_bounds = array<i64: 10>, scalar_prefetch = 0 : i64, scratch_operands = 0 : i64, tpu.core_type = #tpu.core_type<tc>, window_params = [{transform_indices = @transform_0, window_bounds = array<i64: 2, 1000, 64>}, {pipeline_mode = #tpu.pipeline_mode<synchronous>, transform_indices = @transform_1, window_bounds = array<i64: 128, 128>}, {pipeline_mode = #tpu.pipeline_mode<synchronous>, transform_indices = @transform_2, window_bounds = array<i64: 1, 128>}, {transform_indices = @transform_3, window_bounds = array<i64: 1000, 128>}]} {
    %get3A = arith.constant 0 : index
    %get3A_0 = arith.constant 0 : index
    %get3A_1 = arith.constant 0 : index
    %get3A_2 = vector.load %arg1[%get3A, %get3A_0, %get3A_1] : memref<2x1000x64xf32, #tpu.memory_space<vmem>>, vector<1x1000x64xf32>
    %get3A_3 = vector.shape_cast %get3A_2 : vector<1x1000x64xf32> to vector<1000x64xf32>
    %get3A_4 = arith.constant 1 : index
    %get3A_5 = arith.constant 0 : index
    %get3A_6 = arith.constant 0 : index
    %get3A_7 = vector.load %arg1[%get3A_4, %get3A_5, %get3A_6] : memref<2x1000x64xf32, #tpu.memory_space<vmem>>, vector<1x1000x64xf32>
    %get3A_8 = vector.shape_cast %get3A_7 : vector<1x1000x64xf32> to vector<1000x64xf32>
    %concatenate3A = tpu.concatenate %get3A_3, %get3A_8 in 1 : vector<1000x64xf32>, vector<1000x64xf32> -> vector<1000x128xf32>
    %get3A_9 = arith.constant 0 : index
    %get3A_10 = arith.constant 0 : index
    %get3A_11 = vector.load %arg2[%get3A_9, %get3A_10] : memref<128x128xf32, #tpu.memory_space<vmem>>, vector<128x128xf32>
    %dot_general3A = arith.constant dense<0.000000e+00> : vector<1000x128xf32>
    %dot_general3A_12 = tpu.matmul %concatenate3A, %get3A_11, %dot_general3A {dimension_numbers = #tpu.dot_dimension_numbers<[1], [1], [0], [0], [0, 0, 1, 0], [], []>, precision = #tpu.contract_precision<fp32>, transpose_lhs_hint = false} : vector<1000x128xf32>, vector<128x128xf32>, vector<1000x128xf32> -> vector<1000x128xf32>
    %get3A_13 = arith.constant 0 : index
    %get3A_14 = arith.constant 0 : index
    %get3A_15 = vector.load %arg3[%get3A_13, %get3A_14] : memref<1x128xf32, #tpu.memory_space<vmem>>, vector<1x128xf32>
    %add3A = vector.broadcast %get3A_15 : vector<1x128xf32> to vector<1000x128xf32>
    %add3A_16 = arith.addf %dot_general3A_12, %add3A : vector<1000x128xf32>
    %swap3A = arith.constant 0 : index
    %swap3A_17 = arith.constant 0 : index
    %swap3A_18 = vector.load %arg4[%swap3A, %swap3A_17] : memref<1000x128xf32, #tpu.memory_space<vmem>>, vector<1000x128xf32>
    tpu.vector_store %arg4[%swap3A, %swap3A_17], %add3A_16 {strides = array<i32>} : memref<1000x128xf32, #tpu.memory_space<vmem>>, vector<1000x128xf32>,
    return
  }
  func.func @transform_0(%arg0: i32) -> (i32, i32, i32) {
    %c0_i32 = arith.constant 0 : i32
    %c0_i32_0 = arith.constant 0 : i32
    %c0_i32_1 = arith.constant 0 : i32
    return %c0_i32, %arg0, %c0_i32_0 : i32, i32, i32
  }
  func.func @transform_1(%arg0: i32) -> (i32, i32) {
    %c0_i32 = arith.constant 0 : i32
    %c0_i32_0 = arith.constant 0 : i32
    %c0_i32_1 = arith.constant 0 : i32
    return %c0_i32, %c0_i32_0 : i32, i32
  }
  func.func @transform_2(%arg0: i32) -> (i32, i32) {
    %c0_i32 = arith.constant 0 : i32
    %c0_i32_0 = arith.constant 0 : i32
    %c0_i32_1 = arith.constant 0 : i32
    return %c0_i32, %c0_i32_0 : i32, i32
  }
  func.func @transform_3(%arg0: i32) -> (i32, i32) {
    %c0_i32 = arith.constant 0 : i32
    %c0_i32_0 = arith.constant 0 : i32
    return %arg0, %c0_i32 : i32, i32
  }
}

module attributes {stable_mosaic.version = 14 : i64} {
  func.func @_comb1_body(%arg0: i32, %arg1: memref<2x1000x64xf32, #tpu.memory_space<vmem>>, %arg2: memref<2x1000x16xf32, #tpu.memory_space<vmem>>, %arg3: memref<1000x128xf32, #tpu.memory_space<vmem>>, %arg4: memref<128x128xf32, #tpu.memory_space<vmem>>, %arg5: memref<2x1000x64xf32, #tpu.memory_space<vmem>>, %arg6: memref<1000x1xf32, #tpu.memory_space<vmem>>) attributes {dimension_semantics = [#tpu.dimension_semantics<arbitrary>], iteration_bounds = array<i64: 10>, scalar_prefetch = 0 : i64, scratch_operands = 0 : i64, tpu.core_type = #tpu.core_type<tc>, window_params = [{transform_indices = @transform_0, window_bounds = array<i64: 2, 1000, 64>}, {transform_indices = @transform_1, window_bounds = array<i64: 2, 1000, 16>}, {transform_indices = @transform_2, window_bounds = array<i64: 1000, 128>}, {pipeline_mode = #tpu.pipeline_mode<synchronous>, transform_indices = @transform_3, window_bounds = array<i64: 128, 128>}, {transform_indices = @transform_4, window_bounds = array<i64: 2, 1000, 64>}, {transform_indices = @transform_5, window_bounds = array<i64: 1000, 1>}]} {
    %get3A = arith.constant 0 : index
    %get3A_0 = arith.constant 0 : index
    %get3A_1 = arith.constant 0 : index
    %get3A_2 = vector.load %arg2[%get3A, %get3A_0, %get3A_1] : memref<2x1000x16xf32, #tpu.memory_space<vmem>>, vector<1x1000x1xf32>
    %get3A_3 = vector.shape_cast %get3A_2 : vector<1x1000x1xf32> to vector<1000x1xf32>
    %get3A_4 = arith.constant 1 : index
    %get3A_5 = arith.constant 0 : index
    %get3A_6 = arith.constant 0 : index
    %get3A_7 = vector.load %arg2[%get3A_4, %get3A_5, %get3A_6] : memref<2x1000x16xf32, #tpu.memory_space<vmem>>, vector<1x1000x1xf32>
    %get3A_8 = vector.shape_cast %get3A_7 : vector<1x1000x1xf32> to vector<1000x1xf32>
    %add3A = arith.addf %get3A_3, %get3A_8 : vector<1000x1xf32>
    %max3A = arith.constant 1.000000e+00 : f32
    %max3A_9 = vector.broadcast %max3A : f32 to vector<1000x1xf32>
    %max3A_10 = arith.maximumf %add3A, %max3A_9 : vector<1000x1xf32>
    %div3A = arith.constant 1.000000e+00 : f32
    %div3A_11 = vector.broadcast %div3A : f32 to vector<1000x1xf32>
    %div3A_12 = arith.divf %div3A_11, %max3A_10 : vector<1000x1xf32>
    %swap3A = arith.constant 0 : index
    %swap3A_13 = arith.constant 0 : index
    %swap3A_14 = vector.load %arg6[%swap3A, %swap3A_13] : memref<1000x1xf32, #tpu.memory_space<vmem>>, vector<1000x1xf32>
    tpu.vector_store %arg6[%swap3A, %swap3A_13], %div3A_12 {strides = array<i32>} : memref<1000x1xf32, #tpu.memory_space<vmem>>, vector<1000x1xf32>,
    %get3A_15 = arith.constant 0 : index
    %get3A_16 = arith.constant 0 : index
    %get3A_17 = arith.constant 0 : index
    %get3A_18 = vector.load %arg1[%get3A_15, %get3A_16, %get3A_17] : memref<2x1000x64xf32, #tpu.memory_space<vmem>>, vector<1x1000x64xf32>
    %get3A_19 = vector.shape_cast %get3A_18 : vector<1x1000x64xf32> to vector<1000x64xf32>
    %get3A_20 = arith.constant 1 : index
    %get3A_21 = arith.constant 0 : index
    %get3A_22 = arith.constant 0 : index
    %get3A_23 = vector.load %arg1[%get3A_20, %get3A_21, %get3A_22] : memref<2x1000x64xf32, #tpu.memory_space<vmem>>, vector<1x1000x64xf32>
    %get3A_24 = vector.shape_cast %get3A_23 : vector<1x1000x64xf32> to vector<1000x64xf32>
    %concatenate3A = tpu.concatenate %get3A_19, %get3A_24 in 1 : vector<1000x64xf32>, vector<1000x64xf32> -> vector<1000x128xf32>
    %mul3A = vector.broadcast %div3A_12 : vector<1000x1xf32> to vector<1000x128xf32>
    %mul3A_25 = arith.mulf %concatenate3A, %mul3A : vector<1000x128xf32>
    %get3A_26 = arith.constant 0 : index
    %get3A_27 = arith.constant 0 : index
    %get3A_28 = vector.load %arg4[%get3A_26, %get3A_27] : memref<128x128xf32, #tpu.memory_space<vmem>>, vector<128x128xf32>
    %dot_general3A = arith.constant dense<0.000000e+00> : vector<1000x128xf32>
    %dot_general3A_29 = tpu.matmul %mul3A_25, %get3A_28, %dot_general3A {dimension_numbers = #tpu.dot_dimension_numbers<[1], [1], [0], [0], [0, 0, 1, 0], [], []>, precision = #tpu.contract_precision<fp32>, transpose_lhs_hint = false} : vector<1000x128xf32>, vector<128x128xf32>, vector<1000x128xf32> -> vector<1000x128xf32>
    %get3A_30 = arith.constant 0 : index
    %get3A_31 = arith.constant 0 : index
    %get3A_32 = vector.load %arg3[%get3A_30, %get3A_31] : memref<1000x128xf32, #tpu.memory_space<vmem>>, vector<1000x128xf32>
    %add3A_33 = arith.addf %dot_general3A_29, %get3A_32 : vector<1000x128xf32>
    %max3A_34 = arith.constant 0.000000e+00 : f32
    %max3A_35 = vector.broadcast %max3A_34 : f32 to vector<1000x128xf32>
    %max3A_36 = arith.maximumf %add3A_33, %max3A_35 : vector<1000x128xf32>
    %slice3A = vector.extract_strided_slice %max3A_36 {offsets = [0, 0], sizes = [1000, 64], strides = [1, 1]} : vector<1000x128xf32> to vector<1000x64xf32>
    %swap3A_37 = arith.constant 0 : index
    %swap3A_38 = arith.constant 0 : index
    %swap3A_39 = arith.constant 0 : index
    %swap3A_40 = vector.load %arg5[%swap3A_37, %swap3A_38, %swap3A_39] : memref<2x1000x64xf32, #tpu.memory_space<vmem>>, vector<1x1000x64xf32>
    %swap3A_41 = vector.shape_cast %swap3A_40 : vector<1x1000x64xf32> to vector<1000x64xf32>
    %swap3A_42 = vector.shape_cast %slice3A : vector<1000x64xf32> to vector<1x1000x64xf32>
    tpu.vector_store %arg5[%swap3A_37, %swap3A_38, %swap3A_39], %swap3A_42 {strides = array<i32>} : memref<2x1000x64xf32, #tpu.memory_space<vmem>>, vector<1x1000x64xf32>,
    %slice3A_43 = vector.extract_strided_slice %max3A_36 {offsets = [0, 64], sizes = [1000, 64], strides = [1, 1]} : vector<1000x128xf32> to vector<1000x64xf32>
    %swap3A_44 = arith.constant 1 : index
    %swap3A_45 = arith.constant 0 : index
    %swap3A_46 = arith.constant 0 : index
    %swap3A_47 = vector.load %arg5[%swap3A_44, %swap3A_45, %swap3A_46] : memref<2x1000x64xf32, #tpu.memory_space<vmem>>, vector<1x1000x64xf32>
    %swap3A_48 = vector.shape_cast %swap3A_47 : vector<1x1000x64xf32> to vector<1000x64xf32>
    %swap3A_49 = vector.shape_cast %slice3A_43 : vector<1000x64xf32> to vector<1x1000x64xf32>
    tpu.vector_store %arg5[%swap3A_44, %swap3A_45, %swap3A_46], %swap3A_49 {strides = array<i32>} : memref<2x1000x64xf32, #tpu.memory_space<vmem>>, vector<1x1000x64xf32>,
    return
  }
  func.func @transform_0(%arg0: i32) -> (i32, i32, i32) {
    %c0_i32 = arith.constant 0 : i32
    %c0_i32_0 = arith.constant 0 : i32
    %c0_i32_1 = arith.constant 0 : i32
    return %c0_i32, %arg0, %c0_i32_0 : i32, i32, i32
  }
  func.func @transform_1(%arg0: i32) -> (i32, i32, i32) {
    %c0_i32 = arith.constant 0 : i32
    %c0_i32_0 = arith.constant 0 : i32
    %c0_i32_1 = arith.constant 0 : i32
    return %c0_i32, %arg0, %c0_i32_0 : i32, i32, i32
  }
  func.func @transform_2(%arg0: i32) -> (i32, i32) {
    %c0_i32 = arith.constant 0 : i32
    %c0_i32_0 = arith.constant 0 : i32
    return %arg0, %c0_i32 : i32, i32
  }
  func.func @transform_3(%arg0: i32) -> (i32, i32) {
    %c0_i32 = arith.constant 0 : i32
    %c0_i32_0 = arith.constant 0 : i32
    %c0_i32_1 = arith.constant 0 : i32
    return %c0_i32, %c0_i32_0 : i32, i32
  }
  func.func @transform_4(%arg0: i32) -> (i32, i32, i32) {
    %c0_i32 = arith.constant 0 : i32
    %c0_i32_0 = arith.constant 0 : i32
    %c0_i32_1 = arith.constant 0 : i32
    return %c0_i32, %arg0, %c0_i32_0 : i32, i32, i32
  }
  func.func @transform_5(%arg0: i32) -> (i32, i32) {
    %c0_i32 = arith.constant 0 : i32
    %c0_i32_0 = arith.constant 0 : i32
    return %arg0, %c0_i32 : i32, i32
  }
}

module attributes {stable_mosaic.version = 14 : i64} {
  func.func @_comb_body(%arg0: i32, %arg1: memref<2x1000x64xf32, #tpu.memory_space<vmem>>, %arg2: memref<1000x128xf32, #tpu.memory_space<vmem>>, %arg3: memref<1000x1xf32, #tpu.memory_space<vmem>>, %arg4: memref<128x128xf32, #tpu.memory_space<vmem>>, %arg5: memref<2x1000x64xf32, #tpu.memory_space<vmem>>) attributes {dimension_semantics = [#tpu.dimension_semantics<arbitrary>], iteration_bounds = array<i64: 10>, scalar_prefetch = 0 : i64, scratch_operands = 0 : i64, tpu.core_type = #tpu.core_type<tc>, window_params = [{transform_indices = @transform_0, window_bounds = array<i64: 2, 1000, 64>}, {transform_indices = @transform_1, window_bounds = array<i64: 1000, 128>}, {transform_indices = @transform_2, window_bounds = array<i64: 1000, 1>}, {pipeline_mode = #tpu.pipeline_mode<synchronous>, transform_indices = @transform_3, window_bounds = array<i64: 128, 128>}, {transform_indices = @transform_4, window_bounds = array<i64: 2, 1000, 64>}]} {
    %get3A = arith.constant 0 : index
    %get3A_0 = arith.constant 0 : index
    %get3A_1 = arith.constant 0 : index
    %get3A_2 = vector.load %arg1[%get3A, %get3A_0, %get3A_1] : memref<2x1000x64xf32, #tpu.memory_space<vmem>>, vector<1x1000x64xf32>
    %get3A_3 = vector.shape_cast %get3A_2 : vector<1x1000x64xf32> to vector<1000x64xf32>
    %get3A_4 = arith.constant 1 : index
    %get3A_5 = arith.constant 0 : index
    %get3A_6 = arith.constant 0 : index
    %get3A_7 = vector.load %arg1[%get3A_4, %get3A_5, %get3A_6] : memref<2x1000x64xf32, #tpu.memory_space<vmem>>, vector<1x1000x64xf32>
    %get3A_8 = vector.shape_cast %get3A_7 : vector<1x1000x64xf32> to vector<1000x64xf32>
    %concatenate3A = tpu.concatenate %get3A_3, %get3A_8 in 1 : vector<1000x64xf32>, vector<1000x64xf32> -> vector<1000x128xf32>
    %get3A_9 = arith.constant 0 : index
    %get3A_10 = arith.constant 0 : index
    %get3A_11 = vector.load %arg3[%get3A_9, %get3A_10] : memref<1000x1xf32, #tpu.memory_space<vmem>>, vector<1000x1xf32>
    %mul3A = vector.broadcast %get3A_11 : vector<1000x1xf32> to vector<1000x128xf32>
    %mul3A_12 = arith.mulf %concatenate3A, %mul3A : vector<1000x128xf32>
    %get3A_13 = arith.constant 0 : index
    %get3A_14 = arith.constant 0 : index
    %get3A_15 = vector.load %arg4[%get3A_13, %get3A_14] : memref<128x128xf32, #tpu.memory_space<vmem>>, vector<128x128xf32>
    %dot_general3A = arith.constant dense<0.000000e+00> : vector<1000x128xf32>
    %dot_general3A_16 = tpu.matmul %mul3A_12, %get3A_15, %dot_general3A {dimension_numbers = #tpu.dot_dimension_numbers<[1], [1], [0], [0], [0, 0, 1, 0], [], []>, precision = #tpu.contract_precision<fp32>, transpose_lhs_hint = false} : vector<1000x128xf32>, vector<128x128xf32>, vector<1000x128xf32> -> vector<1000x128xf32>
    %get3A_17 = arith.constant 0 : index
    %get3A_18 = arith.constant 0 : index
    %get3A_19 = vector.load %arg2[%get3A_17, %get3A_18] : memref<1000x128xf32, #tpu.memory_space<vmem>>, vector<1000x128xf32>
    %add3A = arith.addf %dot_general3A_16, %get3A_19 : vector<1000x128xf32>
    %max3A = arith.constant 0.000000e+00 : f32
    %max3A_20 = vector.broadcast %max3A : f32 to vector<1000x128xf32>
    %max3A_21 = arith.maximumf %add3A, %max3A_20 : vector<1000x128xf32>
    %slice3A = vector.extract_strided_slice %max3A_21 {offsets = [0, 0], sizes = [1000, 64], strides = [1, 1]} : vector<1000x128xf32> to vector<1000x64xf32>
    %swap3A = arith.constant 0 : index
    %swap3A_22 = arith.constant 0 : index
    %swap3A_23 = arith.constant 0 : index
    %swap3A_24 = vector.load %arg5[%swap3A, %swap3A_22, %swap3A_23] : memref<2x1000x64xf32, #tpu.memory_space<vmem>>, vector<1x1000x64xf32>
    %swap3A_25 = vector.shape_cast %swap3A_24 : vector<1x1000x64xf32> to vector<1000x64xf32>
    %swap3A_26 = vector.shape_cast %slice3A : vector<1000x64xf32> to vector<1x1000x64xf32>
    tpu.vector_store %arg5[%swap3A, %swap3A_22, %swap3A_23], %swap3A_26 {strides = array<i32>} : memref<2x1000x64xf32, #tpu.memory_space<vmem>>, vector<1x1000x64xf32>,
    %slice3A_27 = vector.extract_strided_slice %max3A_21 {offsets = [0, 64], sizes = [1000, 64], strides = [1, 1]} : vector<1000x128xf32> to vector<1000x64xf32>
    %swap3A_28 = arith.constant 1 : index
    %swap3A_29 = arith.constant 0 : index
    %swap3A_30 = arith.constant 0 : index
    %swap3A_31 = vector.load %arg5[%swap3A_28, %swap3A_29, %swap3A_30] : memref<2x1000x64xf32, #tpu.memory_space<vmem>>, vector<1x1000x64xf32>
    %swap3A_32 = vector.shape_cast %swap3A_31 : vector<1x1000x64xf32> to vector<1000x64xf32>
    %swap3A_33 = vector.shape_cast %slice3A_27 : vector<1000x64xf32> to vector<1x1000x64xf32>
    tpu.vector_store %arg5[%swap3A_28, %swap3A_29, %swap3A_30], %swap3A_33 {strides = array<i32>} : memref<2x1000x64xf32, #tpu.memory_space<vmem>>, vector<1x1000x64xf32>,
    return
  }
  func.func @transform_0(%arg0: i32) -> (i32, i32, i32) {
    %c0_i32 = arith.constant 0 : i32
    %c0_i32_0 = arith.constant 0 : i32
    %c0_i32_1 = arith.constant 0 : i32
    return %c0_i32, %arg0, %c0_i32_0 : i32, i32, i32
  }
  func.func @transform_1(%arg0: i32) -> (i32, i32) {
    %c0_i32 = arith.constant 0 : i32
    %c0_i32_0 = arith.constant 0 : i32
    return %arg0, %c0_i32 : i32, i32
  }
  func.func @transform_2(%arg0: i32) -> (i32, i32) {
    %c0_i32 = arith.constant 0 : i32
    %c0_i32_0 = arith.constant 0 : i32
    return %arg0, %c0_i32 : i32, i32
  }
  func.func @transform_3(%arg0: i32) -> (i32, i32) {
    %c0_i32 = arith.constant 0 : i32
    %c0_i32_0 = arith.constant 0 : i32
    %c0_i32_1 = arith.constant 0 : i32
    return %c0_i32, %c0_i32_0 : i32, i32
  }
  func.func @transform_4(%arg0: i32) -> (i32, i32, i32) {
    %c0_i32 = arith.constant 0 : i32
    %c0_i32_0 = arith.constant 0 : i32
    %c0_i32_1 = arith.constant 0 : i32
    return %c0_i32, %arg0, %c0_i32_0 : i32, i32, i32
  }
}

module attributes {stable_mosaic.version = 14 : i64} {
  func.func @_final_body(%arg0: i32, %arg1: memref<2x1000x64xf32, #tpu.memory_space<vmem>>, %arg2: memref<1000x128xf32, #tpu.memory_space<vmem>>, %arg3: memref<1000x1xf32, #tpu.memory_space<vmem>>, %arg4: memref<128x128xf32, #tpu.memory_space<vmem>>, %arg5: memref<47x128xf32, #tpu.memory_space<vmem>>, %arg6: memref<1x47xf32, #tpu.memory_space<vmem>>, %arg7: memref<1000x47xf32, #tpu.memory_space<vmem>>) attributes {dimension_semantics = [#tpu.dimension_semantics<arbitrary>], iteration_bounds = array<i64: 10>, scalar_prefetch = 0 : i64, scratch_operands = 0 : i64, tpu.core_type = #tpu.core_type<tc>, window_params = [{transform_indices = @transform_0, window_bounds = array<i64: 2, 1000, 64>}, {transform_indices = @transform_1, window_bounds = array<i64: 1000, 128>}, {transform_indices = @transform_2, window_bounds = array<i64: 1000, 1>}, {pipeline_mode = #tpu.pipeline_mode<synchronous>, transform_indices = @transform_3, window_bounds = array<i64: 128, 128>}, {pipeline_mode = #tpu.pipeline_mode<synchronous>, transform_indices = @transform_4, window_bounds = array<i64: 47, 128>}, {pipeline_mode = #tpu.pipeline_mode<synchronous>, transform_indices = @transform_5, window_bounds = array<i64: 1, 47>}, {transform_indices = @transform_6, window_bounds = array<i64: 1000, 47>}]} {
    %get3A = arith.constant 0 : index
    %get3A_0 = arith.constant 0 : index
    %get3A_1 = arith.constant 0 : index
    %get3A_2 = vector.load %arg1[%get3A, %get3A_0, %get3A_1] : memref<2x1000x64xf32, #tpu.memory_space<vmem>>, vector<1x1000x64xf32>
    %get3A_3 = vector.shape_cast %get3A_2 : vector<1x1000x64xf32> to vector<1000x64xf32>
    %get3A_4 = arith.constant 1 : index
    %get3A_5 = arith.constant 0 : index
    %get3A_6 = arith.constant 0 : index
    %get3A_7 = vector.load %arg1[%get3A_4, %get3A_5, %get3A_6] : memref<2x1000x64xf32, #tpu.memory_space<vmem>>, vector<1x1000x64xf32>
    %get3A_8 = vector.shape_cast %get3A_7 : vector<1x1000x64xf32> to vector<1000x64xf32>
    %concatenate3A = tpu.concatenate %get3A_3, %get3A_8 in 1 : vector<1000x64xf32>, vector<1000x64xf32> -> vector<1000x128xf32>
    %get3A_9 = arith.constant 0 : index
    %get3A_10 = arith.constant 0 : index
    %get3A_11 = vector.load %arg3[%get3A_9, %get3A_10] : memref<1000x1xf32, #tpu.memory_space<vmem>>, vector<1000x1xf32>
    %mul3A = vector.broadcast %get3A_11 : vector<1000x1xf32> to vector<1000x128xf32>
    %mul3A_12 = arith.mulf %concatenate3A, %mul3A : vector<1000x128xf32>
    %get3A_13 = arith.constant 0 : index
    %get3A_14 = arith.constant 0 : index
    %get3A_15 = vector.load %arg4[%get3A_13, %get3A_14] : memref<128x128xf32, #tpu.memory_space<vmem>>, vector<128x128xf32>
    %dot_general3A = arith.constant dense<0.000000e+00> : vector<1000x128xf32>
    %dot_general3A_16 = tpu.matmul %mul3A_12, %get3A_15, %dot_general3A {dimension_numbers = #tpu.dot_dimension_numbers<[1], [1], [0], [0], [0, 0, 1, 0], [], []>, precision = #tpu.contract_precision<fp32>, transpose_lhs_hint = false} : vector<1000x128xf32>, vector<128x128xf32>, vector<1000x128xf32> -> vector<1000x128xf32>
    %get3A_17 = arith.constant 0 : index
    %get3A_18 = arith.constant 0 : index
    %get3A_19 = vector.load %arg2[%get3A_17, %get3A_18] : memref<1000x128xf32, #tpu.memory_space<vmem>>, vector<1000x128xf32>
    %add3A = arith.addf %dot_general3A_16, %get3A_19 : vector<1000x128xf32>
    %max3A = arith.constant 0.000000e+00 : f32
    %max3A_20 = vector.broadcast %max3A : f32 to vector<1000x128xf32>
    %max3A_21 = arith.maximumf %add3A, %max3A_20 : vector<1000x128xf32>
    %get3A_22 = arith.constant 0 : index
    %get3A_23 = arith.constant 0 : index
    %get3A_24 = vector.load %arg5[%get3A_22, %get3A_23] : memref<47x128xf32, #tpu.memory_space<vmem>>, vector<47x128xf32>
    %dot_general3A_25 = arith.constant dense<0.000000e+00> : vector<1000x47xf32>
    %dot_general3A_26 = tpu.matmul %max3A_21, %get3A_24, %dot_general3A_25 {dimension_numbers = #tpu.dot_dimension_numbers<[1], [1], [0], [0], [0, 0, 1, 0], [], []>, precision = #tpu.contract_precision<fp32>, transpose_lhs_hint = false} : vector<1000x128xf32>, vector<47x128xf32>, vector<1000x47xf32> -> vector<1000x47xf32>
    %get3A_27 = arith.constant 0 : index
    %get3A_28 = arith.constant 0 : index
    %get3A_29 = vector.load %arg6[%get3A_27, %get3A_28] : memref<1x47xf32, #tpu.memory_space<vmem>>, vector<1x47xf32>
    %add3A_30 = vector.broadcast %get3A_29 : vector<1x47xf32> to vector<1000x47xf32>
    %add3A_31 = arith.addf %dot_general3A_26, %add3A_30 : vector<1000x47xf32>
    %swap3A = arith.constant 0 : index
    %swap3A_32 = arith.constant 0 : index
    %swap3A_33 = vector.load %arg7[%swap3A, %swap3A_32] : memref<1000x47xf32, #tpu.memory_space<vmem>>, vector<1000x47xf32>
    tpu.vector_store %arg7[%swap3A, %swap3A_32], %add3A_31 {strides = array<i32>} : memref<1000x47xf32, #tpu.memory_space<vmem>>, vector<1000x47xf32>,
    return
  }
  func.func @transform_0(%arg0: i32) -> (i32, i32, i32) {
    %c0_i32 = arith.constant 0 : i32
    %c0_i32_0 = arith.constant 0 : i32
    %c0_i32_1 = arith.constant 0 : i32
    return %c0_i32, %arg0, %c0_i32_0 : i32, i32, i32
  }
  func.func @transform_1(%arg0: i32) -> (i32, i32) {
    %c0_i32 = arith.constant 0 : i32
    %c0_i32_0 = arith.constant 0 : i32
    return %arg0, %c0_i32 : i32, i32
  }
  func.func @transform_2(%arg0: i32) -> (i32, i32) {
    %c0_i32 = arith.constant 0 : i32
    %c0_i32_0 = arith.constant 0 : i32
    return %arg0, %c0_i32 : i32, i32
  }
  func.func @transform_3(%arg0: i32) -> (i32, i32) {
    %c0_i32 = arith.constant 0 : i32
    %c0_i32_0 = arith.constant 0 : i32
    %c0_i32_1 = arith.constant 0 : i32
    return %c0_i32, %c0_i32_0 : i32, i32
  }
  func.func @transform_4(%arg0: i32) -> (i32, i32) {
    %c0_i32 = arith.constant 0 : i32
    %c0_i32_0 = arith.constant 0 : i32
    %c0_i32_1 = arith.constant 0 : i32
    return %c0_i32, %c0_i32_0 : i32, i32
  }
  func.func @transform_5(%arg0: i32) -> (i32, i32) {
    %c0_i32 = arith.constant 0 : i32
    %c0_i32_0 = arith.constant 0 : i32
    %c0_i32_1 = arith.constant 0 : i32
    return %c0_i32, %c0_i32_0 : i32, i32
  }
  func.func @transform_6(%arg0: i32) -> (i32, i32) {
    %c0_i32 = arith.constant 0 : i32
    %c0_i32_0 = arith.constant 0 : i32
    return %arg0, %c0_i32 : i32, i32
  }
}

</mosaic_0001>

<sc_bundles>
// kernel: kernel.15.cloned.1.call-start
scs
__scs_entry_jumppad:
0x0: {  	(pc) =	sbr.rel $0x88, $3  }
0x1: {  	(tag) =	ssettag $0x0;
	lr =	simm.s32 $0x1  }
0x2: {  	[smem:$0x3F91] =	sst lr;
	_ =	strace $0xD0000000  }
0x3: {  	_ = 	snop  }
0x4: {  	_ = 	snop  }
0x5: {  	_ = 	snop  }
0x6: {  	_ = 	snop  }
0x7: {  	_ = 	snop  }
__scs_overlays_trampoline_lowered:
0x8: {  	[smem:$0x3FA0] =	sst s0  }
0x9: {  	[smem:$0x3FA1] =	sst s1  }
0xa: {  	[smem:$0x3FA2] =	sst s2  }
0xb: {  	[smem:$0x3FA3] =	sst s3  }
0xc: {  	[smem:$0x3FA4] =	sst s4  }
0xd: {  	[smem:$0x3FA5] =	sst s5  }
0xe: {  	[smem:$0x3FA6] =	sst s6  }
0xf: {  	[smem:$0x3FA7] =	sst s7  }
0x10: {  	[smem:$0x3FA8] =	sst s8  }
0x11: {  	[smem:$0x3FA9] =	sst s9;
	s0 =	simm.s32 @!p0 $0x0  }
0x12: {  	s1 =	sld [smem:$0x3F8F];
	s0 =	simm.s32 @p0 $0x1  }
0x13: {  	[smem:$0x3FAA] =	sst s0;
	s0 =	simm.s32 @!p1 $0x0  }
0x14: {  	s2 =	sld [smem:$0x3F8E];
	s0 =	simm.s32 @p1 $0x1  }
0x15: {  	[smem:$0x3FAB] =	sst s0;
	s0 =	simm.s32 @!p2 $0x0  }
0x16: {  	s3 =	sld [smem:$0x3FDB];
	s0 =	simm.s32 @p2 $0x1  }
0x17: {  	s4 =	simm.s32 $0x1BF5;
	[smem:$0x3FAD] =	sst s0  }
0x18: {  	s0 =	sld [smem:$0x3F90];
	_ =	swait.ge [sflag:s4], $0x0  }
0x19: {  	s7 =	sld [smem:$0x3F91]  }
0x1a: {  	s8 =	sadd.s32 $0xFFFFE003, lr  }
0x1b: {  	s9 =	sadd.s32 $0xFFFFFEF7, lr;
	s5 =	simm.s32 $0xFFFFFFFF;
	p2 =	slt.u32 s8, $0xFFFFF086  }
0x1c: {  	p1 =	slt.u32 s9, $0xF7A;
	s5 =	simm.s32 @!p2 $0x0  }
0x1d: {  	s5 =	simm.s32 @p1 $0x1;
	p0 =	seq.s32 s7, s2  }
0x1e: {  	s7 =	smul.u32 @!p0 $0xF7A, s2;
	p2 =	seq.s32 @!p0 s5, $0x0  }
0x1f: {  	s9 =	smul.u32 $0xF7A, s1;
	s8 =	simm.s32 @!p0 $0x1BF5;
	p2 =	por !p2, p0  }
0x20: {  	[sflag:s8] =	ssyncset.s32 @!p0 $0xFFFFF086;
	s6 =	sadd.s32 @!p0 s3, s7;
	s7 =	simm.s32 @!p0 $0x108  }
0x21: {  	s3 =	sadd.s32 s3, s9;
	s6 =	sadd.s32 @!p0 $0x88, s6;
	s7 =	simm.s32 @p2 $0x1082  }
0x22: {  	[simem:s7], [sflag:s8] =	dma.local @!p0 [hbm:s6], $0xF7A  }
0x23: {  	s9 =	sor.u32 $0xD0000000, s2;
	s6 =	simm.s32 $0x108;
	_ =	swait.ge @!p0 [sflag:s8], $0x0  }
0x24: {  	s3 =	sadd.s32 $0x88, s3;
	s6 =	simm.s32 @!p1 $0x1082;
	[sflag:s4] =	ssyncset.s32 $0xFFFFF086  }
0x25: {  	[simem:s6], [sflag:s4] =	dma.local [hbm:s3], $0xF7A  }
0x26: {  	[smem:$0x3F91] =	sst s1;
	(tag) =	ssettag s2;
	_ =	strace s9  }
0x27: {  	s1 =	sld [smem:$0x3FA1]  }
0x28: {  	s2 =	sld [smem:$0x3FA2]  }
0x29: {  	s4 =	sld [smem:$0x3FA4]  }
0x2a: {  	p0 =	seq.s32 s5, $0x0;
	s5 =	sld [smem:$0x3FA5]  }
0x2b: {  	s6 =	sld [smem:$0x3FA6]  }
0x2c: {  	s7 =	sld [smem:$0x3FA7]  }
0x2d: {  	s3 =	simm.s32 $0x108;
	s8 =	sld [smem:$0x3FA8]  }
0x2e: {  	s3 =	simm.s32 @!p0 $0x1082;
	s9 =	sld [smem:$0x3FA9]  }
0x2f: {  	lr =	sadd.s32 s0, s3;
	s0 =	sld [smem:$0x3FA0]  }
0x30: {  	s3 =	sld [smem:$0x3FA3]  }
0x31: {  	[smem:$0x3FAC] =	sst s10  }
0x32: {  	s10 =	sld [smem:$0x3FAA];
	_ =	sdelay $0x3  }
0x33: {  	p0 =	seq.s32 s10, $0x1;
	s10 =	sld [smem:$0x3FAC];
	_ =	sdelay $0x3  }
0x34: {  	[smem:$0x3FAC] =	sst s10  }
0x35: {  	s10 =	sld [smem:$0x3FAB];
	_ =	sdelay $0x3  }
0x36: {  	p1 =	seq.s32 s10, $0x1;
	s10 =	sld [smem:$0x3FAC];
	_ =	sdelay $0x3  }
0x37: {  	[smem:$0x3FAC] =	sst s10  }
0x38: {  	s10 =	sld [smem:$0x3FAD]  }
0x39: {  	_ = 	snop;
	(pc) =	sbr.ind lr, $3  }
0x3a: {  	_ = 	snop  }
0x3b: {  	_ = 	snop  }
0x3c: {  	p2 =	seq.s32 s10, $0x1;
	s10 =	sld [smem:$0x3FAC]  }
0x3d: {  	_ =	shalt  }
0x3e: {  	_ =	shalt  }
0x3f: {  	_ =	shalt  }
0x40: {  	_ =	shalt  }
0x41: {  	_ =	shalt  }
0x42: {  	_ =	shalt  }
0x43: {  	_ =	shalt  }
0x44: {  	_ =	shalt  }
0x45: {  	_ =	shalt  }
0x46: {  	_ =	shalt  }
0x47: {  	_ =	shalt  }
0x48: {  	_ =	shalt  }
0x49: {  	_ =	shalt  }
0x4a: {  	_ =	shalt  }
0x4b: {  	_ =	shalt  }
0x4c: {  	_ =	shalt  }
0x4d: {  	_ =	shalt  }
0x4e: {  	_ =	shalt  }
0x4f: {  	_ =	shalt  }
0x50: {  	_ =	shalt  }
0x51: {  	_ =	shalt  }
0x52: {  	_ =	shalt  }
0x53: {  	_ =	shalt  }
0x54: {  	_ =	shalt  }
0x55: {  	_ =	shalt  }
0x56: {  	_ =	shalt  }
0x57: {  	_ =	shalt  }
0x58: {  	_ =	shalt  }
0x59: {  	_ =	shalt  }
0x5a: {  	_ =	shalt  }
0x5b: {  	_ =	shalt  }
0x5c: {  	_ =	shalt  }
0x5d: {  	_ =	shalt  }
0x5e: {  	_ =	shalt  }
0x5f: {  	_ =	shalt  }
0x60: {  	_ =	shalt  }
0x61: {  	_ =	shalt  }
0x62: {  	_ =	shalt  }
0x63: {  	_ =	shalt  }
0x64: {  	_ =	shalt  }
0x65: {  	_ =	shalt  }
0x66: {  	_ =	shalt  }
0x67: {  	_ =	shalt  }
0x68: {  	_ =	shalt  }
0x69: {  	_ =	shalt  }
0x6a: {  	_ =	shalt  }
0x6b: {  	_ =	shalt  }
0x6c: {  	_ =	shalt  }
0x6d: {  	_ =	shalt  }
0x6e: {  	_ =	shalt  }
0x6f: {  	_ =	shalt  }
0x70: {  	_ =	shalt  }
0x71: {  	_ =	shalt  }
0x72: {  	_ =	shalt  }
0x73: {  	_ =	shalt  }
0x74: {  	_ =	shalt  }
0x75: {  	_ =	shalt  }
0x76: {  	_ =	shalt  }
0x77: {  	_ =	shalt  }
0x78: {  	_ =	shalt  }
0x79: {  	_ =	shalt  }
0x7a: {  	_ =	shalt  }
0x7b: {  	_ =	shalt  }
0x7c: {  	_ =	shalt  }
0x7d: {  	_ =	shalt  }
0x7e: {  	_ =	shalt  }
0x7f: {  	_ =	shalt  }
0x80: {  	_ =	shalt  }
0x81: {  	_ =	shalt  }
0x82: {  	_ =	shalt  }
0x83: {  	_ =	shalt  }
0x84: {  	_ =	shalt  }
0x85: {  	_ =	shalt  }
0x86: {  	_ =	shalt  }
0x87: {  	_ =	shalt  }
.Lfunc_end0:
.L_simem_size_0:
called_computation_lowered:
.L_overlay_start_0:
0x88: {  	s2 =	sld [smem:$0x3FD9]  }
0x89: {  	s3 =	sld [smem:$0x3FFE];
	_ =	sdelay $0x1  }
0x8a: {  	s1 =	srdreg.scid  }
0x8b: {  	s0 =	sand.u32 $0x1, s1  }
0x8c: {  	s17 =	sshll.u32 s0, $0xA;
	s2 =	sadd.s32 s3, s2  }
0x8d: {  	s2 =	sadd.s32 s2, s17  }
0x8e: {  	[smem:$0x3FB8] =	sst s2  }
0x8f: {  	_ = 	snop  }
0x90: {  	s2 =	sld [smem:$0x3FD0];
	(tm) =	ssettm $0x1  }
0x91: {  	s18 =	sld [smem:$0x3FFB];
	_ =	sdelay $0x3  }
0x92: {  	_ =	strace s18  }
0x93: {  	s3 =	sld [smem:$0x3FFC];
	_ =	sdelay $0x3  }
0x94: {  	_ =	strace s3  }
0x95: {  	s3 =	sld [smem:$0x3FFD];
	_ =	sdelay $0x3  }
0x96: {  	_ =	strace s3  }
0x97: {  	_ =	strace $0x8FFFFFFF  }
0x98: {  	s19 =	sld [smem:$0x3FDB];
	_ =	sdelay $0x1  }
0x99: {  	s4 =	simm.s32 $_scs_section_size  }
0x9a: {  	s5 =	simm.s32 $_size__tile_overlayer_lowered;
	s6 =	simm.s32 $_tile_overlayer_lowered  }
0x9b: {  	s22 =	simm.s32 $0x1BFF;
	s21 =	sshll.u32 s6, $0x1;
	s3 =	sadd.s32 s4, s19  }
0x9c: {  	s7 =	simm.s32 $0x0;
	s20 =	sshll.u32 s5, $0x1;
	s5 =	sadd.s32 s21, s3  }
0x9d: {  	[timem:s7], [sflag:s22] =	dma.local [hbm:s5], s20  }
0x9e: {  	_ =	swait.ge [sflag:s22], s20  }
0x9f: {  	s4 =	ssub.s32 $0x0, s20;
	[sflag:s22] =	ssyncset.done $0x0  }
0xa0: {  	[sflag:s22] =	ssyncadd.s32 s4;
	_ =	sdelay $0x1  }
0xa1: {  	s23 =	simm.s32 $0x1B8B  }
0xa2: {  	_ =	swait.ge [sflag:s23], $0x1  }
0xa3: {  	[sflag:s23] =	ssyncset.done $0x0  }
0xa4: {  	s25 =	simm.s32 $0x1B8E;
	s24 =	sld [smem:$0x3FFE];
	[sflag:s23] =	ssyncadd.s32 $0xFFFFFFFF  }
0xa5: {  	s26 =	simm.s32 $execute0_lowered;
	[smem:$0x3FD2] =	sst s25  }
0xa6: {  	s5 =	sshll.u32 s26, $0x1;
	_ =	strace $0x80000046;
	[dreg:$0x1] =	wrdreg $0xFFFFFFFF  }
0xa7: {  	s28 =	simm.s32 $_size_execute0_lowered;
	s3 =	sadd.s32 s3, s5;
	[dreg:$0x0] =	wrdreg $0x0  }
0xa8: {  	s5 =	sshll.u32 s28, $0x1;
	[dreg:$0x2] =	wrdreg s3  }
0xa9: {  	[dreg:$0x3] =	wrdreg s5  }
0xaa: {  	[dreg:$0x4] =	wrdreg $0xC0  }
0xab: {  	_ =	task [dreg:s7], $0x5FFFF  }
0xac: {  	[dreg:$0x1] =	wrdreg $0xFFFFFFFF  }
0xad: {  	[dreg:$0x0] =	wrdreg $0x60  }
0xae: {  	[dreg:$0x2] =	wrdreg s2  }
0xaf: {  	[dreg:$0x3] =	wrdreg s24  }
0xb0: {  	[dreg:$0x4] =	wrdreg $0x30000  }
0xb1: {  	[dreg:$0x5] =	wrdreg $0x9  }
0xb2: {  	_ =	task.clear_ibuf [dreg:s7], $0x6FFFF;
	_ =	strace $0x90000046  }
0xb3: {  	s29 =	simm.s32 $0x9;
	_ =	strace $0x80000048  }
0xb4: {  	_ =	swait.ge [sflag:s29], $0x1  }
0xb5: {  	[sflag:s29] =	ssyncadd.s32 $0xFFFFFFFF  }
0xb6: {  	_ =	strace $0x90000048  }
0xb7: {  	_ =	sfence  }
0xb8: {  	s30 =	sld [smem:$0x0];
	_ =	sdelay $0x2  }
0xb9: {  	s31 =	sshll.u32 s1, $0xD;
	s1 =	sshrl.u32 s1, $0x2  }
0xba: {  	s3 =	sand.u32 $0x4000, s31;
	s1 =	sadd.s32 s1, s30  }
0xbb: {  	s0 =	sor.u32 s3, s0;
	s1 =	sshll.u32 s1, $0x11  }
0xbc: {  	s0 =	sor.u32 s1, s0  }
0xbd: {  	s0 =	sadd.s32 $0x8F2B, s0  }
0xbe: {  	[sflag:s0] =	ssyncadd.remote.s32 $0x1  }
0xbf: {  	_ =	sfence.sel $0xFFFF  }
0xc0: {  	[dreg:$0x0] =	wrdreg $0xFFFFFFFF;
	(pc) =	sbr.abs _section_cstart, $3  }
0xc1: {  	[dreg:$0x1] =	wrdreg $0xFFFFFFFF  }
0xc2: {  	_ =	task.clear_ibuf [dreg:s7], $0x2FFFF;
	_ =	strace $0x9FFFFFFF  }
0xc3: {  	(tm) =	ssettm $0x7FFFFFFF  }
tec
execute0_lowered:
.L_overlay_start_1:
0x0: {  	(tag) =	ssettag $0x1  }
0x1: {  	s7 =	rddreg [dreg:$0x0]  }
0x2: {  	s6 =	rddreg [dreg:$0x1]  }
0x3: {  	s2 =	rddreg [dreg:$0x2]  }
0x4: {  	s0 =	rddreg [dreg:$0x3]  }
0x5: {  	s4 =	srdreg.scid;
	s1 =	stileid.u32;
	s3 =	simm.s32 $0x0  }
0x6: {  	s14 =	simm.s32 $0x0;
	s8 =	sand.u32 $0x1, s4;
	s9 =	smul.u32 $0x2800, s1  }
0x7: {  	[smem:$0x7FF] =	sst s3;
	s4 =	sadd.s32 $0x3400, s6;
	s5 =	sadd.s32 $0x3600, s6  }
0x8: {  	s31 =	sshll.u32 s1, $0x6;
	s10 =	smul.u32 $0x28000, s8;
	s11 =	sshll.u32 s8, $0x4  }
0x9: {  	_ =	strace $0x80000047;
	s8 =	ssub.s32 $0x2, s8;
	s11 =	sor.u32 s1, s11  }
0xa: {  	s30 =	sshrl.u32 s8, $0x1;
	s13 =	sadd.s32 s9, s2;
	s10 =	sadd.s32 s9, s10  }
0xb: {  	s11 =	smul.u32 $0x500, s11;
	s12 =	ssub.s32 s8, s30;
	s10 =	sshrl.u32 s10, $0x3  }
0xc: {  	s9 =	smax.u32 s12, $0x1;
	s12 =	simm.s32 $0x2800;
	s10 =	sadd.s32 s10, s6  }
0xd: {  	s6 =	sor.u32 $0x1C01, s31;
	s7 =	sadd.s32 s7, s11;
	s11 =	simm.s32 $0x1  }
0xe: {  	s8 =	sadd.s32 $0x3C00, s10;
	s10 =	sshrl.u32 s13, $0x3;
	s13 =	simm.s32 $0x80  }
.LBB2_1:
0xf: {  	[spmem:s10], [sflag:s6] =	dma.local [hbm:s5], $0x500  }
0x10: {  	_ =	swait.ge [sflag:s11], $0x500  }
0x11: {  	[sflag:s11] =	ssyncset.done $0x0  }
0x12: {  	[sflag:s11] =	ssyncadd.s32 $0xFFFFFB00  }
0x13: {  	[tilespmem:s3], [sflag:$0x1] =	stream.linear.gather [hbm4b:s7+s3], $0x2800, $0x38;
	[tilespmem:$0x5800] =	vst v63  }
0x14: {  	_ =	swait.ge [sflag:s11], $0x2800  }
0x15: {  	[sflag:s11] =	ssyncset.done $0x0  }
0x16: {  	[sflag:s11] =	ssyncadd.s32 $0xFFFFD800  }
0x17: {  	[tilespmem:s12], [sflag:$0x1] =	stream.linear.gather [hbm4b:s4+s3], $0x800, $0x38;
	[tilespmem:$0x5800] =	vst v63  }
0x18: {  	_ =	swait.ge [sflag:s11], $0x800  }
0x19: {  	[sflag:s11] =	ssyncset.done $0x0  }
0x1a: {  	[sflag:s11] =	ssyncadd.s32 $0xFFFFF800  }
0x1b: {  	s15 =	simm.s32 $0x0;
	[bflag:$0x0] =	sbarrier.arrive $0xFFFF  }
0x1c: {  	[spmem:s2] =	stream.indirect.scatter.add.f32 [tilespmem:s12], [sflag:$0x1], $0x10, s15, s13, $0xb8;
	[tilespmem:$0x5800] =	vst v63  }
0x1d: {  	_ =	swait.ge [sflag:s11], $0x800  }
0x1e: {  	[sflag:s11] =	ssyncset.done $0x0  }
0x1f: {  	s29 =	simm.s32 $0x80;
	[sflag:s11] =	ssyncadd.s32 $0xFFFFF800  }
0x20: {  	[spmem:s2] =	stream.indirect.scatter.add.f32 [tilespmem:s12], [sflag:$0x1], $0x10, s29, s13, $0xb8;
	[tilespmem:$0x5800] =	vst v63  }
0x21: {  	_ =	swait.ge [sflag:s11], $0x800  }
0x22: {  	[sflag:s11] =	ssyncset.done $0x0  }
0x23: {  	s30 =	simm.s32 $0x100;
	[sflag:s11] =	ssyncadd.s32 $0xFFFFF800  }
0x24: {  	[spmem:s2] =	stream.indirect.scatter.add.f32 [tilespmem:s12], [sflag:$0x1], $0x10, s30, s13, $0xb8;
	[tilespmem:$0x5800] =	vst v63  }
0x25: {  	_ =	swait.ge [sflag:s11], $0x800  }
0x26: {  	[sflag:s11] =	ssyncset.done $0x0  }
0x27: {  	s31 =	simm.s32 $0x180;
	[sflag:s11] =	ssyncadd.s32 $0xFFFFF800  }
0x28: {  	[spmem:s2] =	stream.indirect.scatter.add.f32 [tilespmem:s12], [sflag:$0x1], $0x10, s31, s13, $0xb8;
	[tilespmem:$0x5800] =	vst v63  }
0x29: {  	_ =	swait.ge [sflag:s11], $0x800  }
0x2a: {  	s16 =	simm.s32 $0x1000;
	s15 =	simm.s32 $0x800;
	[sflag:s11] =	ssyncset.done $0x0  }
.LBB2_2:
0x2b: {  	s17 =	sshra.s32 s15, $0x2  }
0x2c: {  	[sflag:s11] =	ssyncadd.s32 $0xFFFFF800;
	s15 =	smov.u32 s16;
	s18 =	sadd.s32 $0x800, s16  }
0x2d: {  	[spmem:s2] =	stream.indirect.scatter.add.f32 [tilespmem:s12], [sflag:$0x1], $0x10, s17, s13, $0xb8;
	[tilespmem:$0x5800] =	vst v63  }
0x2e: {  	p0 =	sne.s32 s16, $0x9800;
	_ =	swait.ge [sflag:s11], $0x800  }
0x2f: {  	[sflag:s11] =	ssyncset.done $0x0  }
0x30: {  	s16 =	sadd.s32 $0x80, s17;
	[sflag:s11] =	ssyncadd.s32 $0xFFFFF800  }
0x31: {  	[spmem:s2] =	stream.indirect.scatter.add.f32 [tilespmem:s12], [sflag:$0x1], $0x10, s16, s13, $0xb8;
	[tilespmem:$0x5800] =	vst v63  }
0x32: {  	_ =	swait.ge [sflag:s11], $0x800  }
0x33: {  	[sflag:s11] =	ssyncset.done $0x0  }
0x34: {  	s16 =	sadd.s32 $0x100, s17;
	[sflag:s11] =	ssyncadd.s32 $0xFFFFF800  }
0x35: {  	[spmem:s2] =	stream.indirect.scatter.add.f32 [tilespmem:s12], [sflag:$0x1], $0x10, s16, s13, $0xb8;
	[tilespmem:$0x5800] =	vst v63  }
0x36: {  	_ =	swait.ge [sflag:s11], $0x800  }
.Ltmp0:
0x37: {  	[sflag:s11] =	ssyncset.done $0x0;
	(pc) =	sbr.rel @p0 .LBB2_2-.Ltmp0, $4  }
0x38: {  	s16 =	sadd.s32 $0x180, s17;
	[sflag:s11] =	ssyncadd.s32 $0xFFFFF800  }
0x39: {  	[spmem:s2] =	stream.indirect.scatter.add.f32 [tilespmem:s12], [sflag:$0x1], $0x10, s16, s13, $0xb8;
	[tilespmem:$0x5800] =	vst v63  }
0x3a: {  	_ =	swait.ge [sflag:s11], $0x800  }
0x3b: {  	s16 =	smov.u32 s18;
	[sflag:s11] =	ssyncset.done $0x0  }
0x3c: {  	s15 =	sshra.s32 s15, $0x2;
	[sflag:s11] =	ssyncadd.s32 $0xFFFFF800  }
0x3d: {  	[spmem:s2] =	stream.indirect.scatter.add.f32 [tilespmem:s12], [sflag:$0x1], $0x10, s15, s13, $0xb8;
	[tilespmem:$0x5800] =	vst v63  }
0x3e: {  	_ =	swait.ge [sflag:s11], $0x800  }
0x3f: {  	[sflag:s11] =	ssyncset.done $0x0  }
0x40: {  	s16 =	sadd.s32 $0x80, s15;
	[sflag:s11] =	ssyncadd.s32 $0xFFFFF800  }
0x41: {  	[spmem:s2] =	stream.indirect.scatter.add.f32 [tilespmem:s12], [sflag:$0x1], $0x10, s16, s13, $0xb8;
	[tilespmem:$0x5800] =	vst v63  }
0x42: {  	_ =	swait.ge [sflag:s11], $0x800  }
0x43: {  	[sflag:s11] =	ssyncset.done $0x0  }
0x44: {  	s31 =	sadd.s32 $0x100, s15;
	[sflag:s11] =	ssyncadd.s32 $0xFFFFF800  }
0x45: {  	[spmem:s2] =	stream.indirect.scatter.add.f32 [tilespmem:s12], [sflag:$0x1], $0x10, s31, s13, $0xb8;
	[tilespmem:$0x5800] =	vst v63  }
0x46: {  	_ =	swait.ge [sflag:s11], $0x800  }
0x47: {  	[sflag:s11] =	ssyncset.done $0x0  }
0x48: {  	s15 =	sadd.s32 $0x180, s15;
	[sflag:s11] =	ssyncadd.s32 $0xFFFFF800  }
0x49: {  	[spmem:s2] =	stream.indirect.scatter.add.f32 [tilespmem:s12], [sflag:$0x1], $0x10, s15, s13, $0xb8;
	[tilespmem:$0x5800] =	vst v63  }
0x4a: {  	_ =	swait.ge [sflag:s11], $0x800  }
0x4b: {  	s14 =	sadd.s32 $0x1, s14;
	[sflag:s11] =	ssyncset.done $0x0  }
0x4c: {  	p0 =	sne.s32 s14, s9;
	[sflag:s11] =	ssyncadd.s32 $0xFFFFF800  }
.Ltmp1:
0x4d: {  	[bflag:$0x0] =	sbarrier.arrive $0xFFFF;
	(pc) =	sbr.rel @p0 .LBB2_1-.Ltmp1, $4  }
0x4e: {  	[hbm:s8], [sflag:s6] =	dma.local [spmem:s10], $0x500  }
0x4f: {  	_ =	swait.ge [sflag:s11], $0x500  }
0x50: {  	[sflag:s11] =	ssyncset.done $0x0  }
0x51: {  	[sflag:s11] =	ssyncadd.s32 $0xFFFFFB00  }
0x52: {  	_ =	sfence.sel $0x180000  }
0x53: {  	[bflag:$0x0] =	sbarrier.arrive $0xFFFF  }
0x54: {  	p0 =	sne.s32 s1, $0x0;
	_ =	strace $0x90000047  }
0x55: {  	s0 =	sadd.s32 @!p0 $0x100000, s0;
	[bflag:$0x2] =	sbarrier.arrive $0xFFFF  }
0x56: {  	[sflag:s0] =	ssyncadd.tile.s32 @!p0 $0x1;
	_ =	shalt  }
.Lfunc_end2:
_tile_overlayer_lowered:
.L_overlay_start_2:
0x57: {  	(tag) =	ssettag $0x2  }
0x58: {  	s0 =	rddreg [dreg:$0x0];
	s2 =	stileid.u32  }
0x59: {  	s1 =	rddreg [dreg:$0x1];
	p0 =	sne.s32 s2, $0x0  }
0x5a: {  	s3 =	rddreg [dreg:$0x2];
	[bflag:$0x3] =	sbarrier.arrive $0xFFFF;
	s2 =	simm.s32 @!p0 $0x1C01  }
0x5b: {  	[timem:s3], [sflag:s2] =	dma.local @!p0 [hbm:s0], s1  }
0x5c: {  	s0 =	simm.s32 @!p0 $0x1  }
0x5d: {  	_ =	swait.ge @!p0 [sflag:s0], s1  }
0x5e: {  	s1 =	ssub.s32 @!p0 $0x0, s1;
	[sflag:s0] =	ssyncset.done @!p0 $0x0  }
0x5f: {  	[sflag:s0] =	ssyncadd.s32 @!p0 s1  }
0x60: {  	[bflag:$0x3] =	sbarrier.arrive $0xFFFF  }
0x61: {  	_ =	shalt  }

// kernel: kernel.18.cloned.1.call-start
scs
__scs_entry_jumppad:
0x0: {  	(pc) =	sbr.rel $0x88, $3  }
0x1: {  	(tag) =	ssettag $0x0;
	lr =	simm.s32 $0x1  }
0x2: {  	[smem:$0x3F91] =	sst lr;
	_ =	strace $0xD0000000  }
0x3: {  	_ = 	snop  }
0x4: {  	_ = 	snop  }
0x5: {  	_ = 	snop  }
0x6: {  	_ = 	snop  }
0x7: {  	_ = 	snop  }
__scs_overlays_trampoline_lowered:
0x8: {  	[smem:$0x3FA0] =	sst s0  }
0x9: {  	[smem:$0x3FA1] =	sst s1  }
0xa: {  	[smem:$0x3FA2] =	sst s2  }
0xb: {  	[smem:$0x3FA3] =	sst s3  }
0xc: {  	[smem:$0x3FA4] =	sst s4  }
0xd: {  	[smem:$0x3FA5] =	sst s5  }
0xe: {  	[smem:$0x3FA6] =	sst s6  }
0xf: {  	[smem:$0x3FA7] =	sst s7  }
0x10: {  	[smem:$0x3FA8] =	sst s8  }
0x11: {  	[smem:$0x3FA9] =	sst s9;
	s0 =	simm.s32 @!p0 $0x0  }
0x12: {  	s1 =	sld [smem:$0x3F8F];
	s0 =	simm.s32 @p0 $0x1  }
0x13: {  	[smem:$0x3FAA] =	sst s0;
	s0 =	simm.s32 @!p1 $0x0  }
0x14: {  	s2 =	sld [smem:$0x3F8E];
	s0 =	simm.s32 @p1 $0x1  }
0x15: {  	[smem:$0x3FAB] =	sst s0;
	s0 =	simm.s32 @!p2 $0x0  }
0x16: {  	s3 =	sld [smem:$0x3FDB];
	s0 =	simm.s32 @p2 $0x1  }
0x17: {  	s4 =	simm.s32 $0x1BF5;
	[smem:$0x3FAD] =	sst s0  }
0x18: {  	s0 =	sld [smem:$0x3F90];
	_ =	swait.ge [sflag:s4], $0x0  }
0x19: {  	s7 =	sld [smem:$0x3F91]  }
0x1a: {  	s8 =	sadd.s32 $0xFFFFE003, lr  }
0x1b: {  	s9 =	sadd.s32 $0xFFFFFEF7, lr;
	s5 =	simm.s32 $0xFFFFFFFF;
	p2 =	slt.u32 s8, $0xFFFFF086  }
0x1c: {  	p1 =	slt.u32 s9, $0xF7A;
	s5 =	simm.s32 @!p2 $0x0  }
0x1d: {  	s5 =	simm.s32 @p1 $0x1;
	p0 =	seq.s32 s7, s2  }
0x1e: {  	s7 =	smul.u32 @!p0 $0xF7A, s2;
	p2 =	seq.s32 @!p0 s5, $0x0  }
0x1f: {  	s9 =	smul.u32 $0xF7A, s1;
	s8 =	simm.s32 @!p0 $0x1BF5;
	p2 =	por !p2, p0  }
0x20: {  	[sflag:s8] =	ssyncset.s32 @!p0 $0xFFFFF086;
	s6 =	sadd.s32 @!p0 s3, s7;
	s7 =	simm.s32 @!p0 $0x108  }
0x21: {  	s3 =	sadd.s32 s3, s9;
	s6 =	sadd.s32 @!p0 $0x88, s6;
	s7 =	simm.s32 @p2 $0x1082  }
0x22: {  	[simem:s7], [sflag:s8] =	dma.local @!p0 [hbm:s6], $0xF7A  }
0x23: {  	s9 =	sor.u32 $0xD0000000, s2;
	s6 =	simm.s32 $0x108;
	_ =	swait.ge @!p0 [sflag:s8], $0x0  }
0x24: {  	s3 =	sadd.s32 $0x88, s3;
	s6 =	simm.s32 @!p1 $0x1082;
	[sflag:s4] =	ssyncset.s32 $0xFFFFF086  }
0x25: {  	[simem:s6], [sflag:s4] =	dma.local [hbm:s3], $0xF7A  }
0x26: {  	[smem:$0x3F91] =	sst s1;
	(tag) =	ssettag s2;
	_ =	strace s9  }
0x27: {  	s1 =	sld [smem:$0x3FA1]  }
0x28: {  	s2 =	sld [smem:$0x3FA2]  }
0x29: {  	s4 =	sld [smem:$0x3FA4]  }
0x2a: {  	p0 =	seq.s32 s5, $0x0;
	s5 =	sld [smem:$0x3FA5]  }
0x2b: {  	s6 =	sld [smem:$0x3FA6]  }
0x2c: {  	s7 =	sld [smem:$0x3FA7]  }
0x2d: {  	s3 =	simm.s32 $0x108;
	s8 =	sld [smem:$0x3FA8]  }
0x2e: {  	s3 =	simm.s32 @!p0 $0x1082;
	s9 =	sld [smem:$0x3FA9]  }
0x2f: {  	lr =	sadd.s32 s0, s3;
	s0 =	sld [smem:$0x3FA0]  }
0x30: {  	s3 =	sld [smem:$0x3FA3]  }
0x31: {  	[smem:$0x3FAC] =	sst s10  }
0x32: {  	s10 =	sld [smem:$0x3FAA];
	_ =	sdelay $0x3  }
0x33: {  	p0 =	seq.s32 s10, $0x1;
	s10 =	sld [smem:$0x3FAC];
	_ =	sdelay $0x3  }
0x34: {  	[smem:$0x3FAC] =	sst s10  }
0x35: {  	s10 =	sld [smem:$0x3FAB];
	_ =	sdelay $0x3  }
0x36: {  	p1 =	seq.s32 s10, $0x1;
	s10 =	sld [smem:$0x3FAC];
	_ =	sdelay $0x3  }
0x37: {  	[smem:$0x3FAC] =	sst s10  }
0x38: {  	s10 =	sld [smem:$0x3FAD]  }
0x39: {  	_ = 	snop;
	(pc) =	sbr.ind lr, $3  }
0x3a: {  	_ = 	snop  }
0x3b: {  	_ = 	snop  }
0x3c: {  	p2 =	seq.s32 s10, $0x1;
	s10 =	sld [smem:$0x3FAC]  }
0x3d: {  	_ =	shalt  }
0x3e: {  	_ =	shalt  }
0x3f: {  	_ =	shalt  }
0x40: {  	_ =	shalt  }
0x41: {  	_ =	shalt  }
0x42: {  	_ =	shalt  }
0x43: {  	_ =	shalt  }
0x44: {  	_ =	shalt  }
0x45: {  	_ =	shalt  }
0x46: {  	_ =	shalt  }
0x47: {  	_ =	shalt  }
0x48: {  	_ =	shalt  }
0x49: {  	_ =	shalt  }
0x4a: {  	_ =	shalt  }
0x4b: {  	_ =	shalt  }
0x4c: {  	_ =	shalt  }
0x4d: {  	_ =	shalt  }
0x4e: {  	_ =	shalt  }
0x4f: {  	_ =	shalt  }
0x50: {  	_ =	shalt  }
0x51: {  	_ =	shalt  }
0x52: {  	_ =	shalt  }
0x53: {  	_ =	shalt  }
0x54: {  	_ =	shalt  }
0x55: {  	_ =	shalt  }
0x56: {  	_ =	shalt  }
0x57: {  	_ =	shalt  }
0x58: {  	_ =	shalt  }
0x59: {  	_ =	shalt  }
0x5a: {  	_ =	shalt  }
0x5b: {  	_ =	shalt  }
0x5c: {  	_ =	shalt  }
0x5d: {  	_ =	shalt  }
0x5e: {  	_ =	shalt  }
0x5f: {  	_ =	shalt  }
0x60: {  	_ =	shalt  }
0x61: {  	_ =	shalt  }
0x62: {  	_ =	shalt  }
0x63: {  	_ =	shalt  }
0x64: {  	_ =	shalt  }
0x65: {  	_ =	shalt  }
0x66: {  	_ =	shalt  }
0x67: {  	_ =	shalt  }
0x68: {  	_ =	shalt  }
0x69: {  	_ =	shalt  }
0x6a: {  	_ =	shalt  }
0x6b: {  	_ =	shalt  }
0x6c: {  	_ =	shalt  }
0x6d: {  	_ =	shalt  }
0x6e: {  	_ =	shalt  }
0x6f: {  	_ =	shalt  }
0x70: {  	_ =	shalt  }
0x71: {  	_ =	shalt  }
0x72: {  	_ =	shalt  }
0x73: {  	_ =	shalt  }
0x74: {  	_ =	shalt  }
0x75: {  	_ =	shalt  }
0x76: {  	_ =	shalt  }
0x77: {  	_ =	shalt  }
0x78: {  	_ =	shalt  }
0x79: {  	_ =	shalt  }
0x7a: {  	_ =	shalt  }
0x7b: {  	_ =	shalt  }
0x7c: {  	_ =	shalt  }
0x7d: {  	_ =	shalt  }
0x7e: {  	_ =	shalt  }
0x7f: {  	_ =	shalt  }
0x80: {  	_ =	shalt  }
0x81: {  	_ =	shalt  }
0x82: {  	_ =	shalt  }
0x83: {  	_ =	shalt  }
0x84: {  	_ =	shalt  }
0x85: {  	_ =	shalt  }
0x86: {  	_ =	shalt  }
0x87: {  	_ =	shalt  }
.Lfunc_end0:
.L_simem_size_0:
called_computation.1_lowered:
.L_overlay_start_0:
0x88: {  	s2 =	sld [smem:$0x3FD9]  }
0x89: {  	s3 =	sld [smem:$0x3FFE];
	_ =	sdelay $0x1  }
0x8a: {  	s1 =	srdreg.scid  }
0x8b: {  	s0 =	sand.u32 $0x1, s1  }
0x8c: {  	s17 =	sshll.u32 s0, $0xA;
	s2 =	sadd.s32 s3, s2  }
0x8d: {  	s2 =	sadd.s32 s2, s17  }
0x8e: {  	[smem:$0x3FB8] =	sst s2  }
0x8f: {  	_ = 	snop  }
0x90: {  	s18 =	sld [smem:$0x3FD0];
	(tm) =	ssettm $0x1  }
0x91: {  	s19 =	sld [smem:$0x3FFB];
	_ =	sdelay $0x3  }
0x92: {  	_ =	strace s19  }
0x93: {  	s2 =	sld [smem:$0x3FFC];
	_ =	sdelay $0x3  }
0x94: {  	_ =	strace s2  }
0x95: {  	s2 =	sld [smem:$0x3FFD];
	_ =	sdelay $0x3  }
0x96: {  	_ =	strace s2  }
0x97: {  	_ =	strace $0x8FFFFFFF  }
0x98: {  	s20 =	sld [smem:$0x3FDB];
	_ =	sdelay $0x1  }
0x99: {  	s4 =	simm.s32 $_scs_section_size  }
0x9a: {  	s5 =	simm.s32 $_size__tile_overlayer_lowered;
	s6 =	simm.s32 $_tile_overlayer_lowered  }
0x9b: {  	s7 =	simm.s32 $0x1BFF;
	s21 =	sshll.u32 s6, $0x1;
	s4 =	sadd.s32 s4, s20  }
0x9c: {  	s22 =	simm.s32 $0x0;
	s5 =	sshll.u32 s5, $0x1;
	s6 =	sadd.s32 s21, s4  }
0x9d: {  	[timem:s22], [sflag:s7] =	dma.local [hbm:s6], s5  }
0x9e: {  	_ =	swait.ge [sflag:s7], s5  }
0x9f: {  	s5 =	ssub.s32 $0x0, s5;
	[sflag:s7] =	ssyncset.done $0x0  }
0xa0: {  	[sflag:s7] =	ssyncadd.s32 s5;
	_ =	sdelay $0x1  }
0xa1: {  	s23 =	simm.s32 $0x1B8B  }
0xa2: {  	_ =	swait.ge [sflag:s23], $0x1  }
0xa3: {  	[sflag:s23] =	ssyncset.done $0x0  }
0xa4: {  	[sflag:s23] =	ssyncadd.s32 $0xFFFFFFFF  }
0xa5: {  	s5 =	sld [smem:$0x0]  }
0xa6: {  	s6 =	sand.u32 $0xFFFFFFFE, s1  }
0xa7: {  	p0 =	sne.s32 s1, s6  }
0xa8: {  	s6 =	sshll.u32 @p0 s6, $0xE  }
0xa9: {  	s6 =	sadd.s32 @p0 $0x11B8D, s6;
	s7 =	sshll.u32 @p0 s5, $0x11  }
0xaa: {  	s6 =	sor.u32 @p0 s7, s6  }
0xab: {  	[sflag:s6] =	ssyncadd.remote.s32 @p0 $0x1;
	_ =	sdelay $0x1  }
0xac: {  	s6 =	simm.s32 @p0 $0x1B8D  }
0xad: {  	_ =	swait.eq @p0 [sflag:s6], $0x1  }
0xae: {  	[sflag:s6] =	ssyncadd.s32 @p0 $0xFFFFFFFF  }
0xaf: {  	s7 =	sshll.u32 @!p0 s1, $0xE  }
0xb0: {  	s7 =	sor.u32 @!p0 $0x4000, s7;
	s6 =	simm.s32 @!p0 $0x1B8D  }
0xb1: {  	s5 =	sshll.u32 @!p0 s5, $0x11;
	s7 =	sadd.s32 @!p0 $0x11B8D, s7;
	_ =	swait.eq @!p0 [sflag:s6], $0x1  }
0xb2: {  	s5 =	sor.u32 @!p0 s5, s7;
	[sflag:s6] =	ssyncadd.s32 @!p0 $0xFFFFFFFF  }
0xb3: {  	s25 =	simm.s32 $0x1B8E;
	s24 =	sld [smem:$0x3FFE];
	[sflag:s5] =	ssyncadd.remote.s32 @!p0 $0x1  }
0xb4: {  	s26 =	simm.s32 $execute0_lowered;
	[smem:$0x3FD2] =	sst s25  }
0xb5: {  	s6 =	sshll.u32 s26, $0x1;
	_ =	strace $0x80000049;
	[dreg:$0x1] =	wrdreg $0xFFFFFFFF  }
0xb6: {  	s28 =	simm.s32 $_size_execute0_lowered;
	s4 =	sadd.s32 s4, s6;
	[dreg:$0x0] =	wrdreg $0x0  }
0xb7: {  	s6 =	sshll.u32 s28, $0x1;
	[dreg:$0x2] =	wrdreg s4  }
0xb8: {  	[dreg:$0x3] =	wrdreg s6  }
0xb9: {  	[dreg:$0x4] =	wrdreg $0xC0  }
0xba: {  	_ =	task [dreg:s22], $0x5FFFF  }
0xbb: {  	[dreg:$0x1] =	wrdreg $0xFFFFFFFF  }
0xbc: {  	[dreg:$0x0] =	wrdreg $0x60  }
0xbd: {  	[dreg:$0x2] =	wrdreg s24  }
0xbe: {  	[dreg:$0x3] =	wrdreg s18  }
0xbf: {  	[dreg:$0x4] =	wrdreg $0x140000  }
0xc0: {  	[dreg:$0x5] =	wrdreg $0xA  }
0xc1: {  	_ =	task.clear_ibuf [dreg:s22], $0x6FFFF;
	_ =	strace $0x90000049  }
0xc2: {  	s29 =	simm.s32 $0xA;
	_ =	strace $0x8000004B  }
0xc3: {  	_ =	swait.ge [sflag:s29], $0x1  }
0xc4: {  	[sflag:s29] =	ssyncadd.s32 $0xFFFFFFFF  }
0xc5: {  	_ =	strace $0x9000004B  }
0xc6: {  	_ =	sfence  }
0xc7: {  	s30 =	sld [smem:$0x0];
	_ =	sdelay $0x2  }
0xc8: {  	s31 =	sshll.u32 s1, $0xD;
	s1 =	sshrl.u32 s1, $0x2  }
0xc9: {  	s4 =	sand.u32 $0x4000, s31;
	s1 =	sadd.s32 s1, s30  }
0xca: {  	s0 =	sor.u32 s4, s0;
	s1 =	sshll.u32 s1, $0x11  }
0xcb: {  	s0 =	sor.u32 s1, s0  }
0xcc: {  	s0 =	sadd.s32 $0x8F2B, s0  }
0xcd: {  	[sflag:s0] =	ssyncadd.remote.s32 $0x1  }
0xce: {  	_ =	sfence.sel $0xFFFF  }
0xcf: {  	[dreg:$0x0] =	wrdreg $0xFFFFFFFF;
	(pc) =	sbr.abs _section_cstart, $3  }
0xd0: {  	[dreg:$0x1] =	wrdreg $0xFFFFFFFF  }
0xd1: {  	_ =	task.clear_ibuf [dreg:s22], $0x2FFFF;
	_ =	strace $0x9FFFFFFF  }
0xd2: {  	(tm) =	ssettm $0x7FFFFFFF  }
0xd3: {  	_ =	shalt  }
tec
execute0_lowered:
.L_overlay_start_1:
0x0: {  	(tag) =	ssettag $0x1  }
0x1: {  	s0 =	rddreg [dreg:$0x0]  }
0x2: {  	s1 =	srdreg.scid;
	s3 =	rddreg [dreg:$0x1]  }
0x3: {  	s11 =	stileid.u32;
	s2 =	rddreg [dreg:$0x2];
	s5 =	simm.s32 $0x0  }
0x4: {  	s12 =	simm.s32 $0xB;
	s14 =	simm.s32 $0x80;
	s15 =	simm.s32 $0xA000  }
0x5: {  	s16 =	simm.s32 $0xC000;
	s17 =	simm.s32 $0xE000;
	s18 =	simm.s32 $0x10000  }
0x6: {  	s19 =	simm.s32 $0x12000;
	s20 =	simm.s32 $0x1;
	s21 =	simm.s32 $0x2  }
0x7: {  	s22 =	simm.s32 $0x3;
	s28 =	simm.s32 $0x8;
	s7 =	smul.u32 $0x5000, s11  }
0x8: {  	s29 =	simm.s32 $0x9;
	s1 =	sand.u32 $0x1, s1;
	s6 =	smul.u32 $0xA000, s11  }
0x9: {  	s30 =	simm.s32 $0xA;
	s31 =	simm.s32 $0x0;
	s4 =	smul.u32 $0x50000, s1  }
0xa: {  	[smem:$0x7FF] =	sst s5;
	s8 =	smul.u32 $0xA0000, s1;
	s1 =	ssub.s32 $0x2, s1  }
0xb: {  	s24 =	sshll.u32 s11, $0x6;
	_ =	strace $0x8000004A;
	s10 =	sshrl.u32 s1, $0x1  }
0xc: {  	s25 =	sadd.s32 s6, s2;
	s26 =	sshrl.u32 s7, $0x3;
	s23 =	sadd.s32 s7, s4  }
0xd: {  	s4 =	sadd.s32 $0xDC00, s0;
	s8 =	sadd.s32 s6, s8;
	s1 =	ssub.s32 s1, s10  }
0xe: {  	s6 =	sor.u32 $0x1C0B, s24;
	s11 =	sshrl.u32 s25, $0x3;
	s24 =	simm.s32 $0x5  }
0xf: {  	s25 =	simm.s32 $0x6;
	s5 =	sshrl.u32 s23, $0x3;
	s8 =	sshrl.u32 s8, $0x3  }
0x10: {  	s10 =	smax.u32 s1, $0x1;
	s23 =	simm.s32 $0x4;
	s9 =	sadd.s32 s5, s0  }
0x11: {  	s5 =	sadd.s32 $0x48E00, s0;
	s0 =	sadd.s32 s8, s0;
	s8 =	sadd.s32 s3, s26  }
0x12: {  	s26 =	simm.s32 $0x7;
	s7 =	sadd.s32 $0x34E00, s9;
	s9 =	sadd.s32 $0x4A200, s0  }
.LBB2_1:
0x13: {  	[spmem:s11], [sflag:s6] =	dma.local [hbm:s5], $0x1400  }
0x14: {  	_ =	swait.ge [sflag:s12], $0x1400  }
0x15: {  	[sflag:s12] =	ssyncset.done $0x0  }
0x16: {  	s0 =	simm.s32 $0x0;
	[sflag:s12] =	ssyncadd.s32 $0xFFFFEC00  }
0x17: {  	[tilespmem:s0], [sflag:$0xB] =	stream.linear.gather [hbm4b:s7+s0], $0x5000, $0x38;
	[tilespmem:$0x1E000] =	vst v63  }
0x18: {  	_ =	swait.ge [sflag:s12], $0x5000  }
0x19: {  	[sflag:s12] =	ssyncset.done $0x0  }
0x1a: {  	s1 =	simm.s32 $0x5000;
	[sflag:s12] =	ssyncadd.s32 $0xFFFFB000  }
0x1b: {  	[tilespmem:s1], [sflag:$0xB] =	stream.linear.gather [hbm4b:s8+s0], $0x5000, $0x38;
	[tilespmem:$0x1E000] =	vst v63  }
0x1c: {  	_ =	swait.ge [sflag:s12], $0x5000  }
0x1d: {  	[sflag:s12] =	ssyncset.done $0x0  }
0x1e: {  	[sflag:s12] =	ssyncadd.s32 $0xFFFFB000  }
0x1f: {  	s13 =	simm.s32 $0x0;
	[bflag:$0x0] =	sbarrier.arrive $0xFFFF  }
0x20: {  	[tilespmem:s15], [sflag:$0x1] =	stream.indirect.gather [hbm4b:s4+s14], $0x40, s13, s14, $0xb8;
	[tilespmem:$0x1E000] =	vst v63  }
0x21: {  	s1 =	simm.s32 $0x80  }
0x22: {  	[tilespmem:s16], [sflag:$0x2] =	stream.indirect.gather [hbm4b:s4+s14], $0x40, s1, s14, $0xb8;
	[tilespmem:$0x1E000] =	vst v63  }
0x23: {  	s3 =	simm.s32 $0x100  }
0x24: {  	[tilespmem:s17], [sflag:$0x3] =	stream.indirect.gather [hbm4b:s4+s14], $0x40, s3, s14, $0xb8;
	[tilespmem:$0x1E000] =	vst v63  }
0x25: {  	s13 =	simm.s32 $0x180  }
0x26: {  	[tilespmem:s18], [sflag:$0x4] =	stream.indirect.gather [hbm4b:s4+s14], $0x40, s13, s14, $0xb8;
	[tilespmem:$0x1E000] =	vst v63  }
0x27: {  	s1 =	simm.s32 $0x200  }
0x28: {  	[tilespmem:s19], [sflag:$0x5] =	stream.indirect.gather [hbm4b:s4+s14], $0x40, s1, s14, $0xb8;
	[tilespmem:$0x1E000] =	vst v63  }
0x29: {  	_ =	swait.ge [sflag:s20], $0x2000  }
0x2a: {  	[sflag:s20] =	ssyncset.done $0x0  }
0x2b: {  	s3 =	simm.s32 $0x5000;
	[sflag:s20] =	ssyncadd.s32 $0xFFFFE000  }
0x2c: {  	[spmem:s2] =	stream.indirect.scatter.add.f32 [tilespmem:s15], [sflag:$0x6], $0x40, s3, s14, $0xb8;
	[tilespmem:$0x1E000] =	vst v63  }
0x2d: {  	_ =	swait.ge [sflag:s21], $0x2000  }
0x2e: {  	[sflag:s21] =	ssyncset.done $0x0  }
0x2f: {  	s13 =	simm.s32 $0x5080;
	[sflag:s21] =	ssyncadd.s32 $0xFFFFE000  }
0x30: {  	[spmem:s2] =	stream.indirect.scatter.add.f32 [tilespmem:s16], [sflag:$0x7], $0x40, s13, s14, $0xb8;
	[tilespmem:$0x1E000] =	vst v63  }
0x31: {  	_ =	swait.ge [sflag:s22], $0x2000  }
0x32: {  	[sflag:s22] =	ssyncset.done $0x0  }
0x33: {  	s1 =	simm.s32 $0x5100;
	[sflag:s22] =	ssyncadd.s32 $0xFFFFE000  }
0x34: {  	[spmem:s2] =	stream.indirect.scatter.add.f32 [tilespmem:s17], [sflag:$0x8], $0x40, s1, s14, $0xb8;
	[tilespmem:$0x1E000] =	vst v63  }
0x35: {  	_ =	swait.ge [sflag:s23], $0x2000  }
0x36: {  	[sflag:s23] =	ssyncset.done $0x0  }
0x37: {  	s3 =	simm.s32 $0x5180;
	[sflag:s23] =	ssyncadd.s32 $0xFFFFE000  }
0x38: {  	[spmem:s2] =	stream.indirect.scatter.add.f32 [tilespmem:s18], [sflag:$0x9], $0x40, s3, s14, $0xb8;
	[tilespmem:$0x1E000] =	vst v63  }
0x39: {  	_ =	swait.ge [sflag:s24], $0x2000  }
0x3a: {  	[sflag:s24] =	ssyncset.done $0x0  }
0x3b: {  	s13 =	simm.s32 $0x5200;
	[sflag:s24] =	ssyncadd.s32 $0xFFFFE000  }
0x3c: {  	[spmem:s2] =	stream.indirect.scatter.add.f32 [tilespmem:s19], [sflag:$0xA], $0x40, s13, s14, $0xb8;
	[tilespmem:$0x1E000] =	vst v63  }
0x3d: {  	_ =	swait.ge [sflag:s25], $0x2000  }
0x3e: {  	[sflag:s25] =	ssyncset.done $0x0  }
0x3f: {  	[sflag:s25] =	ssyncadd.s32 $0xFFFFE000  }
0x40: {  	_ =	swait.ge [sflag:s26], $0x2000  }
0x41: {  	[sflag:s26] =	ssyncset.done $0x0  }
0x42: {  	[sflag:s26] =	ssyncadd.s32 $0xFFFFE000  }
0x43: {  	_ =	swait.ge [sflag:s28], $0x2000  }
0x44: {  	[sflag:s28] =	ssyncset.done $0x0  }
0x45: {  	[sflag:s28] =	ssyncadd.s32 $0xFFFFE000  }
0x46: {  	_ =	swait.ge [sflag:s29], $0x2000  }
0x47: {  	[sflag:s29] =	ssyncset.done $0x0  }
0x48: {  	[sflag:s29] =	ssyncadd.s32 $0xFFFFE000  }
0x49: {  	_ =	swait.ge [sflag:s30], $0x2000  }
0x4a: {  	s0 =	simm.s32 $0x1400;
	s1 =	simm.s32 $0xA00;
	[sflag:s30] =	ssyncset.done $0x0  }
.LBB2_2:
0x4b: {  	s13 =	sshra.s32 s1, $0x2  }
0x4c: {  	[sflag:s30] =	ssyncadd.s32 $0xFFFFE000;
	s1 =	smov.u32 s0;
	s3 =	sadd.s32 $0xA00, s0  }
0x4d: {  	[tilespmem:s15], [sflag:$0x1] =	stream.indirect.gather [hbm4b:s4+s14], $0x40, s13, s14, $0xb8;
	[tilespmem:$0x1E000] =	vst v63  }
0x4e: {  	p0 =	sne.s32 s0, $0x13600;
	s0 =	sadd.s32 $0x80, s13  }
0x4f: {  	[tilespmem:s16], [sflag:$0x2] =	stream.indirect.gather [hbm4b:s4+s14], $0x40, s0, s14, $0xb8;
	[tilespmem:$0x1E000] =	vst v63  }
0x50: {  	s0 =	sadd.s32 $0x100, s13  }
0x51: {  	[tilespmem:s17], [sflag:$0x3] =	stream.indirect.gather [hbm4b:s4+s14], $0x40, s0, s14, $0xb8;
	[tilespmem:$0x1E000] =	vst v63  }
0x52: {  	s0 =	sadd.s32 $0x180, s13  }
0x53: {  	[tilespmem:s18], [sflag:$0x4] =	stream.indirect.gather [hbm4b:s4+s14], $0x40, s0, s14, $0xb8;
	[tilespmem:$0x1E000] =	vst v63  }
0x54: {  	s0 =	sadd.s32 $0x200, s13  }
0x55: {  	[tilespmem:s19], [sflag:$0x5] =	stream.indirect.gather [hbm4b:s4+s14], $0x40, s0, s14, $0xb8;
	[tilespmem:$0x1E000] =	vst v63  }
0x56: {  	_ =	swait.ge [sflag:s20], $0x2000  }
0x57: {  	[sflag:s20] =	ssyncset.done $0x0  }
0x58: {  	s0 =	sadd.s32 $0x5000, s13;
	[sflag:s20] =	ssyncadd.s32 $0xFFFFE000  }
0x59: {  	[spmem:s2] =	stream.indirect.scatter.add.f32 [tilespmem:s15], [sflag:$0x6], $0x40, s0, s14, $0xb8;
	[tilespmem:$0x1E000] =	vst v63  }
0x5a: {  	_ =	swait.ge [sflag:s21], $0x2000  }
0x5b: {  	[sflag:s21] =	ssyncset.done $0x0  }
0x5c: {  	s0 =	sadd.s32 $0x5080, s13;
	[sflag:s21] =	ssyncadd.s32 $0xFFFFE000  }
0x5d: {  	[spmem:s2] =	stream.indirect.scatter.add.f32 [tilespmem:s16], [sflag:$0x7], $0x40, s0, s14, $0xb8;
	[tilespmem:$0x1E000] =	vst v63  }
0x5e: {  	_ =	swait.ge [sflag:s22], $0x2000  }
0x5f: {  	[sflag:s22] =	ssyncset.done $0x0  }
0x60: {  	s0 =	sadd.s32 $0x5100, s13;
	[sflag:s22] =	ssyncadd.s32 $0xFFFFE000  }
0x61: {  	[spmem:s2] =	stream.indirect.scatter.add.f32 [tilespmem:s17], [sflag:$0x8], $0x40, s0, s14, $0xb8;
	[tilespmem:$0x1E000] =	vst v63  }
0x62: {  	_ =	swait.ge [sflag:s23], $0x2000  }
0x63: {  	[sflag:s23] =	ssyncset.done $0x0  }
0x64: {  	s0 =	sadd.s32 $0x5180, s13;
	[sflag:s23] =	ssyncadd.s32 $0xFFFFE000  }
0x65: {  	[spmem:s2] =	stream.indirect.scatter.add.f32 [tilespmem:s18], [sflag:$0x9], $0x40, s0, s14, $0xb8;
	[tilespmem:$0x1E000] =	vst v63  }
0x66: {  	_ =	swait.ge [sflag:s24], $0x2000  }
0x67: {  	[sflag:s24] =	ssyncset.done $0x0  }
0x68: {  	s0 =	sadd.s32 $0x5200, s13;
	[sflag:s24] =	ssyncadd.s32 $0xFFFFE000  }
0x69: {  	[spmem:s2] =	stream.indirect.scatter.add.f32 [tilespmem:s19], [sflag:$0xA], $0x40, s0, s14, $0xb8;
	[tilespmem:$0x1E000] =	vst v63  }
0x6a: {  	_ =	swait.ge [sflag:s25], $0x2000  }
0x6b: {  	[sflag:s25] =	ssyncset.done $0x0  }
0x6c: {  	[sflag:s25] =	ssyncadd.s32 $0xFFFFE000  }
0x6d: {  	_ =	swait.ge [sflag:s26], $0x2000  }
0x6e: {  	[sflag:s26] =	ssyncset.done $0x0  }
0x6f: {  	[sflag:s26] =	ssyncadd.s32 $0xFFFFE000  }
0x70: {  	_ =	swait.ge [sflag:s28], $0x2000  }
0x71: {  	[sflag:s28] =	ssyncset.done $0x0  }
0x72: {  	[sflag:s28] =	ssyncadd.s32 $0xFFFFE000  }
.Ltmp0:
0x73: {  	_ =	swait.ge [sflag:s29], $0x2000;
	(pc) =	sbr.rel @p0 .LBB2_2-.Ltmp0, $4  }
0x74: {  	[sflag:s29] =	ssyncset.done $0x0  }
0x75: {  	[sflag:s29] =	ssyncadd.s32 $0xFFFFE000  }
0x76: {  	_ =	swait.ge [sflag:s30], $0x2000  }
0x77: {  	s0 =	smov.u32 s3;
	[sflag:s30] =	ssyncset.done $0x0  }
0x78: {  	s0 =	sshra.s32 s1, $0x2;
	[sflag:s30] =	ssyncadd.s32 $0xFFFFE000  }
0x79: {  	[tilespmem:s15], [sflag:$0x1] =	stream.indirect.gather [hbm4b:s4+s14], $0x40, s0, s14, $0xb8;
	[tilespmem:$0x1E000] =	vst v63  }
0x7a: {  	s1 =	sadd.s32 $0x80, s0  }
0x7b: {  	[tilespmem:s16], [sflag:$0x2] =	stream.indirect.gather [hbm4b:s4+s14], $0x40, s1, s14, $0xb8;
	[tilespmem:$0x1E000] =	vst v63  }
0x7c: {  	s13 =	sadd.s32 $0x100, s0  }
0x7d: {  	[tilespmem:s17], [sflag:$0x3] =	stream.indirect.gather [hbm4b:s4+s14], $0x40, s13, s14, $0xb8;
	[tilespmem:$0x1E000] =	vst v63  }
0x7e: {  	s3 =	sadd.s32 $0x180, s0  }
0x7f: {  	[tilespmem:s18], [sflag:$0x4] =	stream.indirect.gather [hbm4b:s4+s14], $0x40, s3, s14, $0xb8;
	[tilespmem:$0x1E000] =	vst v63  }
0x80: {  	s13 =	sadd.s32 $0x200, s0  }
0x81: {  	[tilespmem:s19], [sflag:$0x5] =	stream.indirect.gather [hbm4b:s4+s14], $0x40, s13, s14, $0xb8;
	[tilespmem:$0x1E000] =	vst v63  }
0x82: {  	_ =	swait.ge [sflag:s20], $0x2000  }
0x83: {  	[sflag:s20] =	ssyncset.done $0x0  }
0x84: {  	s3 =	sadd.s32 $0x5000, s0;
	[sflag:s20] =	ssyncadd.s32 $0xFFFFE000  }
0x85: {  	[spmem:s2] =	stream.indirect.scatter.add.f32 [tilespmem:s15], [sflag:$0x6], $0x40, s3, s14, $0xb8;
	[tilespmem:$0x1E000] =	vst v63  }
0x86: {  	_ =	swait.ge [sflag:s21], $0x2000  }
0x87: {  	[sflag:s21] =	ssyncset.done $0x0  }
0x88: {  	s13 =	sadd.s32 $0x5080, s0;
	[sflag:s21] =	ssyncadd.s32 $0xFFFFE000  }
0x89: {  	[spmem:s2] =	stream.indirect.scatter.add.f32 [tilespmem:s16], [sflag:$0x7], $0x40, s13, s14, $0xb8;
	[tilespmem:$0x1E000] =	vst v63  }
0x8a: {  	_ =	swait.ge [sflag:s22], $0x2000  }
0x8b: {  	[sflag:s22] =	ssyncset.done $0x0  }
0x8c: {  	s3 =	sadd.s32 $0x5100, s0;
	[sflag:s22] =	ssyncadd.s32 $0xFFFFE000  }
0x8d: {  	[spmem:s2] =	stream.indirect.scatter.add.f32 [tilespmem:s17], [sflag:$0x8], $0x40, s3, s14, $0xb8;
	[tilespmem:$0x1E000] =	vst v63  }
0x8e: {  	_ =	swait.ge [sflag:s23], $0x2000  }
0x8f: {  	[sflag:s23] =	ssyncset.done $0x0  }
0x90: {  	s13 =	sadd.s32 $0x5180, s0;
	[sflag:s23] =	ssyncadd.s32 $0xFFFFE000  }
0x91: {  	[spmem:s2] =	stream.indirect.scatter.add.f32 [tilespmem:s18], [sflag:$0x9], $0x40, s13, s14, $0xb8;
	[tilespmem:$0x1E000] =	vst v63  }
0x92: {  	_ =	swait.ge [sflag:s24], $0x2000  }
0x93: {  	[sflag:s24] =	ssyncset.done $0x0  }
0x94: {  	s0 =	sadd.s32 $0x5200, s0;
	[sflag:s24] =	ssyncadd.s32 $0xFFFFE000  }
0x95: {  	[spmem:s2] =	stream.indirect.scatter.add.f32 [tilespmem:s19], [sflag:$0xA], $0x40, s0, s14, $0xb8;
	[tilespmem:$0x1E000] =	vst v63  }
0x96: {  	_ =	swait.ge [sflag:s25], $0x2000  }
0x97: {  	[sflag:s25] =	ssyncset.done $0x0  }
0x98: {  	[sflag:s25] =	ssyncadd.s32 $0xFFFFE000  }
0x99: {  	_ =	swait.ge [sflag:s26], $0x2000  }
0x9a: {  	[sflag:s26] =	ssyncset.done $0x0  }
0x9b: {  	[sflag:s26] =	ssyncadd.s32 $0xFFFFE000  }
0x9c: {  	_ =	swait.ge [sflag:s28], $0x2000  }
0x9d: {  	[sflag:s28] =	ssyncset.done $0x0  }
0x9e: {  	[sflag:s28] =	ssyncadd.s32 $0xFFFFE000  }
0x9f: {  	_ =	swait.ge [sflag:s29], $0x2000  }
0xa0: {  	[sflag:s29] =	ssyncset.done $0x0  }
0xa1: {  	[sflag:s29] =	ssyncadd.s32 $0xFFFFE000  }
0xa2: {  	_ =	swait.ge [sflag:s30], $0x2000  }
0xa3: {  	s31 =	sadd.s32 $0x1, s31;
	[sflag:s30] =	ssyncset.done $0x0  }
0xa4: {  	p0 =	sne.s32 s31, s10;
	[sflag:s30] =	ssyncadd.s32 $0xFFFFE000  }
.Ltmp1:
0xa5: {  	[bflag:$0x0] =	sbarrier.arrive $0xFFFF;
	(pc) =	sbr.rel @p0 .LBB2_1-.Ltmp1, $4  }
0xa6: {  	[hbm:s9], [sflag:s6] =	dma.local [spmem:s11], $0x1400  }
0xa7: {  	_ =	swait.ge [sflag:s12], $0x1400  }
0xa8: {  	[sflag:s12] =	ssyncset.done $0x0  }
0xa9: {  	[sflag:s12] =	ssyncadd.s32 $0xFFFFEC00  }
0xaa: {  	_ =	sfence.sel $0x180000  }
0xab: {  	[bflag:$0x0] =	sbarrier.arrive $0xFFFF  }
0xac: {  	_ =	strace $0x9000004A  }
0xad: {  	s0 =	stileid.u32;
	[bflag:$0x2] =	sbarrier.arrive $0xFFFF  }
0xae: {  	p0 =	sne.s32 s0, $0x0;
	s0 =	rddreg [dreg:$0x3]  }
0xaf: {  	s0 =	sadd.s32 @!p0 $0x100000, s0  }
0xb0: {  	[sflag:s0] =	ssyncadd.tile.s32 @!p0 $0x1;
	_ =	shalt  }
.Lfunc_end2:
_tile_overlayer_lowered:
.L_overlay_start_2:
0xb1: {  	(tag) =	ssettag $0x2  }
0xb2: {  	s0 =	rddreg [dreg:$0x0];
	s2 =	stileid.u32  }
0xb3: {  	s1 =	rddreg [dreg:$0x1];
	p0 =	sne.s32 s2, $0x0  }
0xb4: {  	s3 =	rddreg [dreg:$0x2];
	[bflag:$0x3] =	sbarrier.arrive $0xFFFF;
	s2 =	simm.s32 @!p0 $0x1C0B  }
0xb5: {  	[timem:s3], [sflag:s2] =	dma.local @!p0 [hbm:s0], s1  }
0xb6: {  	s0 =	simm.s32 @!p0 $0xB  }
0xb7: {  	_ =	swait.ge @!p0 [sflag:s0], s1  }
0xb8: {  	s1 =	ssub.s32 @!p0 $0x0, s1;
	[sflag:s0] =	ssyncset.done @!p0 $0x0  }
0xb9: {  	[sflag:s0] =	ssyncadd.s32 @!p0 s1  }
0xba: {  	[bflag:$0x3] =	sbarrier.arrive $0xFFFF  }
0xbb: {  	_ =	shalt  }

// kernel: kernel.21.cloned.1.call-start
scs
__scs_entry_jumppad:
0x0: {  	(pc) =	sbr.rel $0x88, $3  }
0x1: {  	(tag) =	ssettag $0x0;
	lr =	simm.s32 $0x1  }
0x2: {  	[smem:$0x3F91] =	sst lr;
	_ =	strace $0xD0000000  }
0x3: {  	_ = 	snop  }
0x4: {  	_ = 	snop  }
0x5: {  	_ = 	snop  }
0x6: {  	_ = 	snop  }
0x7: {  	_ = 	snop  }
__scs_overlays_trampoline_lowered:
0x8: {  	[smem:$0x3FA0] =	sst s0  }
0x9: {  	[smem:$0x3FA1] =	sst s1  }
0xa: {  	[smem:$0x3FA2] =	sst s2  }
0xb: {  	[smem:$0x3FA3] =	sst s3  }
0xc: {  	[smem:$0x3FA4] =	sst s4  }
0xd: {  	[smem:$0x3FA5] =	sst s5  }
0xe: {  	[smem:$0x3FA6] =	sst s6  }
0xf: {  	[smem:$0x3FA7] =	sst s7  }
0x10: {  	[smem:$0x3FA8] =	sst s8  }
0x11: {  	[smem:$0x3FA9] =	sst s9;
	s0 =	simm.s32 @!p0 $0x0  }
0x12: {  	s1 =	sld [smem:$0x3F8F];
	s0 =	simm.s32 @p0 $0x1  }
0x13: {  	[smem:$0x3FAA] =	sst s0;
	s0 =	simm.s32 @!p1 $0x0  }
0x14: {  	s2 =	sld [smem:$0x3F8E];
	s0 =	simm.s32 @p1 $0x1  }
0x15: {  	[smem:$0x3FAB] =	sst s0;
	s0 =	simm.s32 @!p2 $0x0  }
0x16: {  	s3 =	sld [smem:$0x3FDB];
	s0 =	simm.s32 @p2 $0x1  }
0x17: {  	s4 =	simm.s32 $0x1BF5;
	[smem:$0x3FAD] =	sst s0  }
0x18: {  	s0 =	sld [smem:$0x3F90];
	_ =	swait.ge [sflag:s4], $0x0  }
0x19: {  	s7 =	sld [smem:$0x3F91]  }
0x1a: {  	s8 =	sadd.s32 $0xFFFFE003, lr  }
0x1b: {  	s9 =	sadd.s32 $0xFFFFFEF7, lr;
	s5 =	simm.s32 $0xFFFFFFFF;
	p2 =	slt.u32 s8, $0xFFFFF086  }
0x1c: {  	p1 =	slt.u32 s9, $0xF7A;
	s5 =	simm.s32 @!p2 $0x0  }
0x1d: {  	s5 =	simm.s32 @p1 $0x1;
	p0 =	seq.s32 s7, s2  }
0x1e: {  	s7 =	smul.u32 @!p0 $0xF7A, s2;
	p2 =	seq.s32 @!p0 s5, $0x0  }
0x1f: {  	s9 =	smul.u32 $0xF7A, s1;
	s8 =	simm.s32 @!p0 $0x1BF5;
	p2 =	por !p2, p0  }
0x20: {  	[sflag:s8] =	ssyncset.s32 @!p0 $0xFFFFF086;
	s6 =	sadd.s32 @!p0 s3, s7;
	s7 =	simm.s32 @!p0 $0x108  }
0x21: {  	s3 =	sadd.s32 s3, s9;
	s6 =	sadd.s32 @!p0 $0x88, s6;
	s7 =	simm.s32 @p2 $0x1082  }
0x22: {  	[simem:s7], [sflag:s8] =	dma.local @!p0 [hbm:s6], $0xF7A  }
0x23: {  	s9 =	sor.u32 $0xD0000000, s2;
	s6 =	simm.s32 $0x108;
	_ =	swait.ge @!p0 [sflag:s8], $0x0  }
0x24: {  	s3 =	sadd.s32 $0x88, s3;
	s6 =	simm.s32 @!p1 $0x1082;
	[sflag:s4] =	ssyncset.s32 $0xFFFFF086  }
0x25: {  	[simem:s6], [sflag:s4] =	dma.local [hbm:s3], $0xF7A  }
0x26: {  	[smem:$0x3F91] =	sst s1;
	(tag) =	ssettag s2;
	_ =	strace s9  }
0x27: {  	s1 =	sld [smem:$0x3FA1]  }
0x28: {  	s2 =	sld [smem:$0x3FA2]  }
0x29: {  	s4 =	sld [smem:$0x3FA4]  }
0x2a: {  	p0 =	seq.s32 s5, $0x0;
	s5 =	sld [smem:$0x3FA5]  }
0x2b: {  	s6 =	sld [smem:$0x3FA6]  }
0x2c: {  	s7 =	sld [smem:$0x3FA7]  }
0x2d: {  	s3 =	simm.s32 $0x108;
	s8 =	sld [smem:$0x3FA8]  }
0x2e: {  	s3 =	simm.s32 @!p0 $0x1082;
	s9 =	sld [smem:$0x3FA9]  }
0x2f: {  	lr =	sadd.s32 s0, s3;
	s0 =	sld [smem:$0x3FA0]  }
0x30: {  	s3 =	sld [smem:$0x3FA3]  }
0x31: {  	[smem:$0x3FAC] =	sst s10  }
0x32: {  	s10 =	sld [smem:$0x3FAA];
	_ =	sdelay $0x3  }
0x33: {  	p0 =	seq.s32 s10, $0x1;
	s10 =	sld [smem:$0x3FAC];
	_ =	sdelay $0x3  }
0x34: {  	[smem:$0x3FAC] =	sst s10  }
0x35: {  	s10 =	sld [smem:$0x3FAB];
	_ =	sdelay $0x3  }
0x36: {  	p1 =	seq.s32 s10, $0x1;
	s10 =	sld [smem:$0x3FAC];
	_ =	sdelay $0x3  }
0x37: {  	[smem:$0x3FAC] =	sst s10  }
0x38: {  	s10 =	sld [smem:$0x3FAD]  }
0x39: {  	_ = 	snop;
	(pc) =	sbr.ind lr, $3  }
0x3a: {  	_ = 	snop  }
0x3b: {  	_ = 	snop  }
0x3c: {  	p2 =	seq.s32 s10, $0x1;
	s10 =	sld [smem:$0x3FAC]  }
0x3d: {  	_ =	shalt  }
0x3e: {  	_ =	shalt  }
0x3f: {  	_ =	shalt  }
0x40: {  	_ =	shalt  }
0x41: {  	_ =	shalt  }
0x42: {  	_ =	shalt  }
0x43: {  	_ =	shalt  }
0x44: {  	_ =	shalt  }
0x45: {  	_ =	shalt  }
0x46: {  	_ =	shalt  }
0x47: {  	_ =	shalt  }
0x48: {  	_ =	shalt  }
0x49: {  	_ =	shalt  }
0x4a: {  	_ =	shalt  }
0x4b: {  	_ =	shalt  }
0x4c: {  	_ =	shalt  }
0x4d: {  	_ =	shalt  }
0x4e: {  	_ =	shalt  }
0x4f: {  	_ =	shalt  }
0x50: {  	_ =	shalt  }
0x51: {  	_ =	shalt  }
0x52: {  	_ =	shalt  }
0x53: {  	_ =	shalt  }
0x54: {  	_ =	shalt  }
0x55: {  	_ =	shalt  }
0x56: {  	_ =	shalt  }
0x57: {  	_ =	shalt  }
0x58: {  	_ =	shalt  }
0x59: {  	_ =	shalt  }
0x5a: {  	_ =	shalt  }
0x5b: {  	_ =	shalt  }
0x5c: {  	_ =	shalt  }
0x5d: {  	_ =	shalt  }
0x5e: {  	_ =	shalt  }
0x5f: {  	_ =	shalt  }
0x60: {  	_ =	shalt  }
0x61: {  	_ =	shalt  }
0x62: {  	_ =	shalt  }
0x63: {  	_ =	shalt  }
0x64: {  	_ =	shalt  }
0x65: {  	_ =	shalt  }
0x66: {  	_ =	shalt  }
0x67: {  	_ =	shalt  }
0x68: {  	_ =	shalt  }
0x69: {  	_ =	shalt  }
0x6a: {  	_ =	shalt  }
0x6b: {  	_ =	shalt  }
0x6c: {  	_ =	shalt  }
0x6d: {  	_ =	shalt  }
0x6e: {  	_ =	shalt  }
0x6f: {  	_ =	shalt  }
0x70: {  	_ =	shalt  }
0x71: {  	_ =	shalt  }
0x72: {  	_ =	shalt  }
0x73: {  	_ =	shalt  }
0x74: {  	_ =	shalt  }
0x75: {  	_ =	shalt  }
0x76: {  	_ =	shalt  }
0x77: {  	_ =	shalt  }
0x78: {  	_ =	shalt  }
0x79: {  	_ =	shalt  }
0x7a: {  	_ =	shalt  }
0x7b: {  	_ =	shalt  }
0x7c: {  	_ =	shalt  }
0x7d: {  	_ =	shalt  }
0x7e: {  	_ =	shalt  }
0x7f: {  	_ =	shalt  }
0x80: {  	_ =	shalt  }
0x81: {  	_ =	shalt  }
0x82: {  	_ =	shalt  }
0x83: {  	_ =	shalt  }
0x84: {  	_ =	shalt  }
0x85: {  	_ =	shalt  }
0x86: {  	_ =	shalt  }
0x87: {  	_ =	shalt  }
.Lfunc_end0:
.L_simem_size_0:
called_computation.2_lowered:
.L_overlay_start_0:
0x88: {  	s2 =	sld [smem:$0x3FD9]  }
0x89: {  	s3 =	sld [smem:$0x3FFE];
	_ =	sdelay $0x1  }
0x8a: {  	s1 =	srdreg.scid  }
0x8b: {  	s0 =	sand.u32 $0x1, s1  }
0x8c: {  	s17 =	sshll.u32 s0, $0xA;
	s2 =	sadd.s32 s3, s2  }
0x8d: {  	s2 =	sadd.s32 s2, s17  }
0x8e: {  	[smem:$0x3FB8] =	sst s2  }
0x8f: {  	_ = 	snop  }
0x90: {  	s2 =	sld [smem:$0x3FD0];
	(tm) =	ssettm $0x1  }
0x91: {  	s18 =	sld [smem:$0x3FFB];
	_ =	sdelay $0x3  }
0x92: {  	_ =	strace s18  }
0x93: {  	s3 =	sld [smem:$0x3FFC];
	_ =	sdelay $0x3  }
0x94: {  	_ =	strace s3  }
0x95: {  	s3 =	sld [smem:$0x3FFD];
	_ =	sdelay $0x3  }
0x96: {  	_ =	strace s3  }
0x97: {  	_ =	strace $0x8FFFFFFF  }
0x98: {  	s19 =	sld [smem:$0x3FDB];
	_ =	sdelay $0x1  }
0x99: {  	s4 =	simm.s32 $_scs_section_size  }
0x9a: {  	s5 =	simm.s32 $_size__tile_overlayer_lowered;
	s6 =	simm.s32 $_tile_overlayer_lowered  }
0x9b: {  	s22 =	simm.s32 $0x1BFF;
	s21 =	sshll.u32 s6, $0x1;
	s3 =	sadd.s32 s4, s19  }
0x9c: {  	s7 =	simm.s32 $0x0;
	s20 =	sshll.u32 s5, $0x1;
	s5 =	sadd.s32 s21, s3  }
0x9d: {  	[timem:s7], [sflag:s22] =	dma.local [hbm:s5], s20  }
0x9e: {  	_ =	swait.ge [sflag:s22], s20  }
0x9f: {  	s4 =	ssub.s32 $0x0, s20;
	[sflag:s22] =	ssyncset.done $0x0  }
0xa0: {  	[sflag:s22] =	ssyncadd.s32 s4;
	_ =	sdelay $0x1  }
0xa1: {  	s23 =	simm.s32 $0x1B8B  }
0xa2: {  	_ =	swait.ge [sflag:s23], $0x1  }
0xa3: {  	[sflag:s23] =	ssyncset.done $0x0  }
0xa4: {  	s25 =	simm.s32 $0x1B8E;
	s24 =	sld [smem:$0x3FFE];
	[sflag:s23] =	ssyncadd.s32 $0xFFFFFFFF  }
0xa5: {  	s26 =	simm.s32 $execute0_lowered;
	[smem:$0x3FD2] =	sst s25  }
0xa6: {  	s5 =	sshll.u32 s26, $0x1;
	_ =	strace $0x8000004C;
	[dreg:$0x1] =	wrdreg $0xFFFFFFFF  }
0xa7: {  	s28 =	simm.s32 $_size_execute0_lowered;
	s3 =	sadd.s32 s3, s5;
	[dreg:$0x0] =	wrdreg $0x0  }
0xa8: {  	s5 =	sshll.u32 s28, $0x1;
	[dreg:$0x2] =	wrdreg s3  }
0xa9: {  	[dreg:$0x3] =	wrdreg s5  }
0xaa: {  	[dreg:$0x4] =	wrdreg $0xC0  }
0xab: {  	_ =	task [dreg:s7], $0x5FFFF  }
0xac: {  	[dreg:$0x1] =	wrdreg $0xFFFFFFFF  }
0xad: {  	[dreg:$0x0] =	wrdreg $0x60  }
0xae: {  	[dreg:$0x2] =	wrdreg s24  }
0xaf: {  	[dreg:$0x3] =	wrdreg s2  }
0xb0: {  	[dreg:$0x4] =	wrdreg $0x140000  }
0xb1: {  	[dreg:$0x5] =	wrdreg $0x9  }
0xb2: {  	_ =	task.clear_ibuf [dreg:s7], $0x6FFFF;
	_ =	strace $0x9000004C  }
0xb3: {  	s29 =	simm.s32 $0x9;
	_ =	strace $0x8000004E  }
0xb4: {  	_ =	swait.ge [sflag:s29], $0x1  }
0xb5: {  	[sflag:s29] =	ssyncadd.s32 $0xFFFFFFFF  }
0xb6: {  	_ =	strace $0x9000004E  }
0xb7: {  	_ =	sfence  }
0xb8: {  	s30 =	sld [smem:$0x0];
	_ =	sdelay $0x2  }
0xb9: {  	s31 =	sshll.u32 s1, $0xD;
	s1 =	sshrl.u32 s1, $0x2  }
0xba: {  	s3 =	sand.u32 $0x4000, s31;
	s1 =	sadd.s32 s1, s30  }
0xbb: {  	s0 =	sor.u32 s3, s0;
	s1 =	sshll.u32 s1, $0x11  }
0xbc: {  	s0 =	sor.u32 s1, s0  }
0xbd: {  	s0 =	sadd.s32 $0x8F2B, s0  }
0xbe: {  	[sflag:s0] =	ssyncadd.remote.s32 $0x1  }
0xbf: {  	_ =	sfence.sel $0xFFFF  }
0xc0: {  	[dreg:$0x0] =	wrdreg $0xFFFFFFFF;
	(pc) =	sbr.abs _section_cstart, $3  }
0xc1: {  	[dreg:$0x1] =	wrdreg $0xFFFFFFFF  }
0xc2: {  	_ =	task.clear_ibuf [dreg:s7], $0x2FFFF;
	_ =	strace $0x9FFFFFFF  }
0xc3: {  	(tm) =	ssettm $0x7FFFFFFF  }
tec
execute0_lowered:
.L_overlay_start_1:
0x0: {  	(tag) =	ssettag $0x1  }
0x1: {  	s0 =	rddreg [dreg:$0x0]  }
0x2: {  	s1 =	srdreg.scid;
	s3 =	rddreg [dreg:$0x1]  }
0x3: {  	s11 =	stileid.u32;
	s2 =	rddreg [dreg:$0x2];
	s5 =	simm.s32 $0x0  }
0x4: {  	s12 =	simm.s32 $0xB;
	s14 =	simm.s32 $0x80;
	s15 =	simm.s32 $0xA000  }
0x5: {  	s16 =	simm.s32 $0xC000;
	s17 =	simm.s32 $0xE000;
	s18 =	simm.s32 $0x10000  }
0x6: {  	s19 =	simm.s32 $0x12000;
	s20 =	simm.s32 $0x1;
	s21 =	simm.s32 $0x2  }
0x7: {  	s22 =	simm.s32 $0x3;
	s28 =	simm.s32 $0x8;
	s7 =	smul.u32 $0x5000, s11  }
0x8: {  	s29 =	simm.s32 $0x9;
	s1 =	sand.u32 $0x1, s1;
	s6 =	smul.u32 $0xA000, s11  }
0x9: {  	s30 =	simm.s32 $0xA;
	s31 =	simm.s32 $0x0;
	s4 =	smul.u32 $0x50000, s1  }
0xa: {  	[smem:$0x7FF] =	sst s5;
	s8 =	smul.u32 $0xA0000, s1;
	s1 =	ssub.s32 $0x2, s1  }
0xb: {  	s24 =	sshll.u32 s11, $0x6;
	_ =	strace $0x8000004D;
	s10 =	sshrl.u32 s1, $0x1  }
0xc: {  	s25 =	sadd.s32 s6, s2;
	s26 =	sshrl.u32 s7, $0x3;
	s23 =	sadd.s32 s7, s4  }
0xd: {  	s4 =	sadd.s32 $0x3400, s0;
	s8 =	sadd.s32 s6, s8;
	s1 =	ssub.s32 s1, s10  }
0xe: {  	s6 =	sor.u32 $0x1C0B, s24;
	s11 =	sshrl.u32 s25, $0x3;
	s24 =	simm.s32 $0x5  }
0xf: {  	s25 =	simm.s32 $0x6;
	s5 =	sshrl.u32 s23, $0x3;
	s8 =	sshrl.u32 s8, $0x3  }
0x10: {  	s10 =	smax.u32 s1, $0x1;
	s23 =	simm.s32 $0x4;
	s9 =	sadd.s32 s5, s0  }
0x11: {  	s5 =	sadd.s32 $0x48E00, s0;
	s0 =	sadd.s32 s8, s0;
	s8 =	sadd.s32 s3, s26  }
0x12: {  	s26 =	simm.s32 $0x7;
	s7 =	sadd.s32 $0x34E00, s9;
	s9 =	sadd.s32 $0x4A200, s0  }
.LBB2_1:
0x13: {  	[spmem:s11], [sflag:s6] =	dma.local [hbm:s5], $0x1400  }
0x14: {  	_ =	swait.ge [sflag:s12], $0x1400  }
0x15: {  	[sflag:s12] =	ssyncset.done $0x0  }
0x16: {  	s0 =	simm.s32 $0x0;
	[sflag:s12] =	ssyncadd.s32 $0xFFFFEC00  }
0x17: {  	[tilespmem:s0], [sflag:$0xB] =	stream.linear.gather [hbm4b:s7+s0], $0x5000, $0x38;
	[tilespmem:$0x1E000] =	vst v63  }
0x18: {  	_ =	swait.ge [sflag:s12], $0x5000  }
0x19: {  	[sflag:s12] =	ssyncset.done $0x0  }
0x1a: {  	s1 =	simm.s32 $0x5000;
	[sflag:s12] =	ssyncadd.s32 $0xFFFFB000  }
0x1b: {  	[tilespmem:s1], [sflag:$0xB] =	stream.linear.gather [hbm4b:s8+s0], $0x5000, $0x38;
	[tilespmem:$0x1E000] =	vst v63  }
0x1c: {  	_ =	swait.ge [sflag:s12], $0x5000  }
0x1d: {  	[sflag:s12] =	ssyncset.done $0x0  }
0x1e: {  	[sflag:s12] =	ssyncadd.s32 $0xFFFFB000  }
0x1f: {  	s13 =	simm.s32 $0x0;
	[bflag:$0x0] =	sbarrier.arrive $0xFFFF  }
0x20: {  	[tilespmem:s15], [sflag:$0x1] =	stream.indirect.gather [hbm4b:s4+s14], $0x40, s13, s14, $0xb8;
	[tilespmem:$0x1E000] =	vst v63  }
0x21: {  	s1 =	simm.s32 $0x80  }
0x22: {  	[tilespmem:s16], [sflag:$0x2] =	stream.indirect.gather [hbm4b:s4+s14], $0x40, s1, s14, $0xb8;
	[tilespmem:$0x1E000] =	vst v63  }
0x23: {  	s3 =	simm.s32 $0x100  }
0x24: {  	[tilespmem:s17], [sflag:$0x3] =	stream.indirect.gather [hbm4b:s4+s14], $0x40, s3, s14, $0xb8;
	[tilespmem:$0x1E000] =	vst v63  }
0x25: {  	s13 =	simm.s32 $0x180  }
0x26: {  	[tilespmem:s18], [sflag:$0x4] =	stream.indirect.gather [hbm4b:s4+s14], $0x40, s13, s14, $0xb8;
	[tilespmem:$0x1E000] =	vst v63  }
0x27: {  	s1 =	simm.s32 $0x200  }
0x28: {  	[tilespmem:s19], [sflag:$0x5] =	stream.indirect.gather [hbm4b:s4+s14], $0x40, s1, s14, $0xb8;
	[tilespmem:$0x1E000] =	vst v63  }
0x29: {  	_ =	swait.ge [sflag:s20], $0x2000  }
0x2a: {  	[sflag:s20] =	ssyncset.done $0x0  }
0x2b: {  	s3 =	simm.s32 $0x5000;
	[sflag:s20] =	ssyncadd.s32 $0xFFFFE000  }
0x2c: {  	[spmem:s2] =	stream.indirect.scatter.add.f32 [tilespmem:s15], [sflag:$0x6], $0x40, s3, s14, $0xb8;
	[tilespmem:$0x1E000] =	vst v63  }
0x2d: {  	_ =	swait.ge [sflag:s21], $0x2000  }
0x2e: {  	[sflag:s21] =	ssyncset.done $0x0  }
0x2f: {  	s13 =	simm.s32 $0x5080;
	[sflag:s21] =	ssyncadd.s32 $0xFFFFE000  }
0x30: {  	[spmem:s2] =	stream.indirect.scatter.add.f32 [tilespmem:s16], [sflag:$0x7], $0x40, s13, s14, $0xb8;
	[tilespmem:$0x1E000] =	vst v63  }
0x31: {  	_ =	swait.ge [sflag:s22], $0x2000  }
0x32: {  	[sflag:s22] =	ssyncset.done $0x0  }
0x33: {  	s1 =	simm.s32 $0x5100;
	[sflag:s22] =	ssyncadd.s32 $0xFFFFE000  }
0x34: {  	[spmem:s2] =	stream.indirect.scatter.add.f32 [tilespmem:s17], [sflag:$0x8], $0x40, s1, s14, $0xb8;
	[tilespmem:$0x1E000] =	vst v63  }
0x35: {  	_ =	swait.ge [sflag:s23], $0x2000  }
0x36: {  	[sflag:s23] =	ssyncset.done $0x0  }
0x37: {  	s3 =	simm.s32 $0x5180;
	[sflag:s23] =	ssyncadd.s32 $0xFFFFE000  }
0x38: {  	[spmem:s2] =	stream.indirect.scatter.add.f32 [tilespmem:s18], [sflag:$0x9], $0x40, s3, s14, $0xb8;
	[tilespmem:$0x1E000] =	vst v63  }
0x39: {  	_ =	swait.ge [sflag:s24], $0x2000  }
0x3a: {  	[sflag:s24] =	ssyncset.done $0x0  }
0x3b: {  	s13 =	simm.s32 $0x5200;
	[sflag:s24] =	ssyncadd.s32 $0xFFFFE000  }
0x3c: {  	[spmem:s2] =	stream.indirect.scatter.add.f32 [tilespmem:s19], [sflag:$0xA], $0x40, s13, s14, $0xb8;
	[tilespmem:$0x1E000] =	vst v63  }
0x3d: {  	_ =	swait.ge [sflag:s25], $0x2000  }
0x3e: {  	[sflag:s25] =	ssyncset.done $0x0  }
0x3f: {  	[sflag:s25] =	ssyncadd.s32 $0xFFFFE000  }
0x40: {  	_ =	swait.ge [sflag:s26], $0x2000  }
0x41: {  	[sflag:s26] =	ssyncset.done $0x0  }
0x42: {  	[sflag:s26] =	ssyncadd.s32 $0xFFFFE000  }
0x43: {  	_ =	swait.ge [sflag:s28], $0x2000  }
0x44: {  	[sflag:s28] =	ssyncset.done $0x0  }
0x45: {  	[sflag:s28] =	ssyncadd.s32 $0xFFFFE000  }
0x46: {  	_ =	swait.ge [sflag:s29], $0x2000  }
0x47: {  	[sflag:s29] =	ssyncset.done $0x0  }
0x48: {  	[sflag:s29] =	ssyncadd.s32 $0xFFFFE000  }
0x49: {  	_ =	swait.ge [sflag:s30], $0x2000  }
0x4a: {  	s0 =	simm.s32 $0x1400;
	s1 =	simm.s32 $0xA00;
	[sflag:s30] =	ssyncset.done $0x0  }
.LBB2_2:
0x4b: {  	s13 =	sshra.s32 s1, $0x2  }
0x4c: {  	[sflag:s30] =	ssyncadd.s32 $0xFFFFE000;
	s1 =	smov.u32 s0;
	s3 =	sadd.s32 $0xA00, s0  }
0x4d: {  	[tilespmem:s15], [sflag:$0x1] =	stream.indirect.gather [hbm4b:s4+s14], $0x40, s13, s14, $0xb8;
	[tilespmem:$0x1E000] =	vst v63  }
0x4e: {  	p0 =	sne.s32 s0, $0x13600;
	s0 =	sadd.s32 $0x80, s13  }
0x4f: {  	[tilespmem:s16], [sflag:$0x2] =	stream.indirect.gather [hbm4b:s4+s14], $0x40, s0, s14, $0xb8;
	[tilespmem:$0x1E000] =	vst v63  }
0x50: {  	s0 =	sadd.s32 $0x100, s13  }
0x51: {  	[tilespmem:s17], [sflag:$0x3] =	stream.indirect.gather [hbm4b:s4+s14], $0x40, s0, s14, $0xb8;
	[tilespmem:$0x1E000] =	vst v63  }
0x52: {  	s0 =	sadd.s32 $0x180, s13  }
0x53: {  	[tilespmem:s18], [sflag:$0x4] =	stream.indirect.gather [hbm4b:s4+s14], $0x40, s0, s14, $0xb8;
	[tilespmem:$0x1E000] =	vst v63  }
0x54: {  	s0 =	sadd.s32 $0x200, s13  }
0x55: {  	[tilespmem:s19], [sflag:$0x5] =	stream.indirect.gather [hbm4b:s4+s14], $0x40, s0, s14, $0xb8;
	[tilespmem:$0x1E000] =	vst v63  }
0x56: {  	_ =	swait.ge [sflag:s20], $0x2000  }
0x57: {  	[sflag:s20] =	ssyncset.done $0x0  }
0x58: {  	s0 =	sadd.s32 $0x5000, s13;
	[sflag:s20] =	ssyncadd.s32 $0xFFFFE000  }
0x59: {  	[spmem:s2] =	stream.indirect.scatter.add.f32 [tilespmem:s15], [sflag:$0x6], $0x40, s0, s14, $0xb8;
	[tilespmem:$0x1E000] =	vst v63  }
0x5a: {  	_ =	swait.ge [sflag:s21], $0x2000  }
0x5b: {  	[sflag:s21] =	ssyncset.done $0x0  }
0x5c: {  	s0 =	sadd.s32 $0x5080, s13;
	[sflag:s21] =	ssyncadd.s32 $0xFFFFE000  }
0x5d: {  	[spmem:s2] =	stream.indirect.scatter.add.f32 [tilespmem:s16], [sflag:$0x7], $0x40, s0, s14, $0xb8;
	[tilespmem:$0x1E000] =	vst v63  }
0x5e: {  	_ =	swait.ge [sflag:s22], $0x2000  }
0x5f: {  	[sflag:s22] =	ssyncset.done $0x0  }
0x60: {  	s0 =	sadd.s32 $0x5100, s13;
	[sflag:s22] =	ssyncadd.s32 $0xFFFFE000  }
0x61: {  	[spmem:s2] =	stream.indirect.scatter.add.f32 [tilespmem:s17], [sflag:$0x8], $0x40, s0, s14, $0xb8;
	[tilespmem:$0x1E000] =	vst v63  }
0x62: {  	_ =	swait.ge [sflag:s23], $0x2000  }
0x63: {  	[sflag:s23] =	ssyncset.done $0x0  }
0x64: {  	s0 =	sadd.s32 $0x5180, s13;
	[sflag:s23] =	ssyncadd.s32 $0xFFFFE000  }
0x65: {  	[spmem:s2] =	stream.indirect.scatter.add.f32 [tilespmem:s18], [sflag:$0x9], $0x40, s0, s14, $0xb8;
	[tilespmem:$0x1E000] =	vst v63  }
0x66: {  	_ =	swait.ge [sflag:s24], $0x2000  }
0x67: {  	[sflag:s24] =	ssyncset.done $0x0  }
0x68: {  	s0 =	sadd.s32 $0x5200, s13;
	[sflag:s24] =	ssyncadd.s32 $0xFFFFE000  }
0x69: {  	[spmem:s2] =	stream.indirect.scatter.add.f32 [tilespmem:s19], [sflag:$0xA], $0x40, s0, s14, $0xb8;
	[tilespmem:$0x1E000] =	vst v63  }
0x6a: {  	_ =	swait.ge [sflag:s25], $0x2000  }
0x6b: {  	[sflag:s25] =	ssyncset.done $0x0  }
0x6c: {  	[sflag:s25] =	ssyncadd.s32 $0xFFFFE000  }
0x6d: {  	_ =	swait.ge [sflag:s26], $0x2000  }
0x6e: {  	[sflag:s26] =	ssyncset.done $0x0  }
0x6f: {  	[sflag:s26] =	ssyncadd.s32 $0xFFFFE000  }
0x70: {  	_ =	swait.ge [sflag:s28], $0x2000  }
0x71: {  	[sflag:s28] =	ssyncset.done $0x0  }
0x72: {  	[sflag:s28] =	ssyncadd.s32 $0xFFFFE000  }
.Ltmp0:
0x73: {  	_ =	swait.ge [sflag:s29], $0x2000;
	(pc) =	sbr.rel @p0 .LBB2_2-.Ltmp0, $4  }
0x74: {  	[sflag:s29] =	ssyncset.done $0x0  }
0x75: {  	[sflag:s29] =	ssyncadd.s32 $0xFFFFE000  }
0x76: {  	_ =	swait.ge [sflag:s30], $0x2000  }
0x77: {  	s0 =	smov.u32 s3;
	[sflag:s30] =	ssyncset.done $0x0  }
0x78: {  	s0 =	sshra.s32 s1, $0x2;
	[sflag:s30] =	ssyncadd.s32 $0xFFFFE000  }
0x79: {  	[tilespmem:s15], [sflag:$0x1] =	stream.indirect.gather [hbm4b:s4+s14], $0x40, s0, s14, $0xb8;
	[tilespmem:$0x1E000] =	vst v63  }
0x7a: {  	s1 =	sadd.s32 $0x80, s0  }
0x7b: {  	[tilespmem:s16], [sflag:$0x2] =	stream.indirect.gather [hbm4b:s4+s14], $0x40, s1, s14, $0xb8;
	[tilespmem:$0x1E000] =	vst v63  }
0x7c: {  	s13 =	sadd.s32 $0x100, s0  }
0x7d: {  	[tilespmem:s17], [sflag:$0x3] =	stream.indirect.gather [hbm4b:s4+s14], $0x40, s13, s14, $0xb8;
	[tilespmem:$0x1E000] =	vst v63  }
0x7e: {  	s3 =	sadd.s32 $0x180, s0  }
0x7f: {  	[tilespmem:s18], [sflag:$0x4] =	stream.indirect.gather [hbm4b:s4+s14], $0x40, s3, s14, $0xb8;
	[tilespmem:$0x1E000] =	vst v63  }
0x80: {  	s13 =	sadd.s32 $0x200, s0  }
0x81: {  	[tilespmem:s19], [sflag:$0x5] =	stream.indirect.gather [hbm4b:s4+s14], $0x40, s13, s14, $0xb8;
	[tilespmem:$0x1E000] =	vst v63  }
0x82: {  	_ =	swait.ge [sflag:s20], $0x2000  }
0x83: {  	[sflag:s20] =	ssyncset.done $0x0  }
0x84: {  	s3 =	sadd.s32 $0x5000, s0;
	[sflag:s20] =	ssyncadd.s32 $0xFFFFE000  }
0x85: {  	[spmem:s2] =	stream.indirect.scatter.add.f32 [tilespmem:s15], [sflag:$0x6], $0x40, s3, s14, $0xb8;
	[tilespmem:$0x1E000] =	vst v63  }
0x86: {  	_ =	swait.ge [sflag:s21], $0x2000  }
0x87: {  	[sflag:s21] =	ssyncset.done $0x0  }
0x88: {  	s13 =	sadd.s32 $0x5080, s0;
	[sflag:s21] =	ssyncadd.s32 $0xFFFFE000  }
0x89: {  	[spmem:s2] =	stream.indirect.scatter.add.f32 [tilespmem:s16], [sflag:$0x7], $0x40, s13, s14, $0xb8;
	[tilespmem:$0x1E000] =	vst v63  }
0x8a: {  	_ =	swait.ge [sflag:s22], $0x2000  }
0x8b: {  	[sflag:s22] =	ssyncset.done $0x0  }
0x8c: {  	s3 =	sadd.s32 $0x5100, s0;
	[sflag:s22] =	ssyncadd.s32 $0xFFFFE000  }
0x8d: {  	[spmem:s2] =	stream.indirect.scatter.add.f32 [tilespmem:s17], [sflag:$0x8], $0x40, s3, s14, $0xb8;
	[tilespmem:$0x1E000] =	vst v63  }
0x8e: {  	_ =	swait.ge [sflag:s23], $0x2000  }
0x8f: {  	[sflag:s23] =	ssyncset.done $0x0  }
0x90: {  	s13 =	sadd.s32 $0x5180, s0;
	[sflag:s23] =	ssyncadd.s32 $0xFFFFE000  }
0x91: {  	[spmem:s2] =	stream.indirect.scatter.add.f32 [tilespmem:s18], [sflag:$0x9], $0x40, s13, s14, $0xb8;
	[tilespmem:$0x1E000] =	vst v63  }
0x92: {  	_ =	swait.ge [sflag:s24], $0x2000  }
0x93: {  	[sflag:s24] =	ssyncset.done $0x0  }
0x94: {  	s0 =	sadd.s32 $0x5200, s0;
	[sflag:s24] =	ssyncadd.s32 $0xFFFFE000  }
0x95: {  	[spmem:s2] =	stream.indirect.scatter.add.f32 [tilespmem:s19], [sflag:$0xA], $0x40, s0, s14, $0xb8;
	[tilespmem:$0x1E000] =	vst v63  }
0x96: {  	_ =	swait.ge [sflag:s25], $0x2000  }
0x97: {  	[sflag:s25] =	ssyncset.done $0x0  }
0x98: {  	[sflag:s25] =	ssyncadd.s32 $0xFFFFE000  }
0x99: {  	_ =	swait.ge [sflag:s26], $0x2000  }
0x9a: {  	[sflag:s26] =	ssyncset.done $0x0  }
0x9b: {  	[sflag:s26] =	ssyncadd.s32 $0xFFFFE000  }
0x9c: {  	_ =	swait.ge [sflag:s28], $0x2000  }
0x9d: {  	[sflag:s28] =	ssyncset.done $0x0  }
0x9e: {  	[sflag:s28] =	ssyncadd.s32 $0xFFFFE000  }
0x9f: {  	_ =	swait.ge [sflag:s29], $0x2000  }
0xa0: {  	[sflag:s29] =	ssyncset.done $0x0  }
0xa1: {  	[sflag:s29] =	ssyncadd.s32 $0xFFFFE000  }
0xa2: {  	_ =	swait.ge [sflag:s30], $0x2000  }
0xa3: {  	s31 =	sadd.s32 $0x1, s31;
	[sflag:s30] =	ssyncset.done $0x0  }
0xa4: {  	p0 =	sne.s32 s31, s10;
	[sflag:s30] =	ssyncadd.s32 $0xFFFFE000  }
.Ltmp1:
0xa5: {  	[bflag:$0x0] =	sbarrier.arrive $0xFFFF;
	(pc) =	sbr.rel @p0 .LBB2_1-.Ltmp1, $4  }
0xa6: {  	[hbm:s9], [sflag:s6] =	dma.local [spmem:s11], $0x1400  }
0xa7: {  	_ =	swait.ge [sflag:s12], $0x1400  }
0xa8: {  	[sflag:s12] =	ssyncset.done $0x0  }
0xa9: {  	[sflag:s12] =	ssyncadd.s32 $0xFFFFEC00  }
0xaa: {  	_ =	sfence.sel $0x180000  }
0xab: {  	[bflag:$0x0] =	sbarrier.arrive $0xFFFF  }
0xac: {  	_ =	strace $0x9000004D  }
0xad: {  	s0 =	stileid.u32;
	[bflag:$0x2] =	sbarrier.arrive $0xFFFF  }
0xae: {  	p0 =	sne.s32 s0, $0x0;
	s0 =	rddreg [dreg:$0x3]  }
0xaf: {  	s0 =	sadd.s32 @!p0 $0x100000, s0  }
0xb0: {  	[sflag:s0] =	ssyncadd.tile.s32 @!p0 $0x1;
	_ =	shalt  }
.Lfunc_end2:
_tile_overlayer_lowered:
.L_overlay_start_2:
0xb1: {  	(tag) =	ssettag $0x2  }
0xb2: {  	s0 =	rddreg [dreg:$0x0];
	s2 =	stileid.u32  }
0xb3: {  	s1 =	rddreg [dreg:$0x1];
	p0 =	sne.s32 s2, $0x0  }
0xb4: {  	s3 =	rddreg [dreg:$0x2];
	[bflag:$0x3] =	sbarrier.arrive $0xFFFF;
	s2 =	simm.s32 @!p0 $0x1C0B  }
0xb5: {  	[timem:s3], [sflag:s2] =	dma.local @!p0 [hbm:s0], s1  }
0xb6: {  	s0 =	simm.s32 @!p0 $0xB  }
0xb7: {  	_ =	swait.ge @!p0 [sflag:s0], s1  }
0xb8: {  	s1 =	ssub.s32 @!p0 $0x0, s1;
	[sflag:s0] =	ssyncset.done @!p0 $0x0  }
0xb9: {  	[sflag:s0] =	ssyncadd.s32 @!p0 s1  }
0xba: {  	[bflag:$0x3] =	sbarrier.arrive $0xFFFF  }
0xbb: {  	_ =	shalt  }

// kernel: kernel.24.cloned.1.call-start
scs
__scs_entry_jumppad:
0x0: {  	(pc) =	sbr.rel $0x88, $3  }
0x1: {  	(tag) =	ssettag $0x0;
	lr =	simm.s32 $0x1  }
0x2: {  	[smem:$0x3F91] =	sst lr;
	_ =	strace $0xD0000000  }
0x3: {  	_ = 	snop  }
0x4: {  	_ = 	snop  }
0x5: {  	_ = 	snop  }
0x6: {  	_ = 	snop  }
0x7: {  	_ = 	snop  }
__scs_overlays_trampoline_lowered:
0x8: {  	[smem:$0x3FA0] =	sst s0  }
0x9: {  	[smem:$0x3FA1] =	sst s1  }
0xa: {  	[smem:$0x3FA2] =	sst s2  }
0xb: {  	[smem:$0x3FA3] =	sst s3  }
0xc: {  	[smem:$0x3FA4] =	sst s4  }
0xd: {  	[smem:$0x3FA5] =	sst s5  }
0xe: {  	[smem:$0x3FA6] =	sst s6  }
0xf: {  	[smem:$0x3FA7] =	sst s7  }
0x10: {  	[smem:$0x3FA8] =	sst s8  }
0x11: {  	[smem:$0x3FA9] =	sst s9;
	s0 =	simm.s32 @!p0 $0x0  }
0x12: {  	s1 =	sld [smem:$0x3F8F];
	s0 =	simm.s32 @p0 $0x1  }
0x13: {  	[smem:$0x3FAA] =	sst s0;
	s0 =	simm.s32 @!p1 $0x0  }
0x14: {  	s2 =	sld [smem:$0x3F8E];
	s0 =	simm.s32 @p1 $0x1  }
0x15: {  	[smem:$0x3FAB] =	sst s0;
	s0 =	simm.s32 @!p2 $0x0  }
0x16: {  	s3 =	sld [smem:$0x3FDB];
	s0 =	simm.s32 @p2 $0x1  }
0x17: {  	s4 =	simm.s32 $0x1BF5;
	[smem:$0x3FAD] =	sst s0  }
0x18: {  	s0 =	sld [smem:$0x3F90];
	_ =	swait.ge [sflag:s4], $0x0  }
0x19: {  	s7 =	sld [smem:$0x3F91]  }
0x1a: {  	s8 =	sadd.s32 $0xFFFFE003, lr  }
0x1b: {  	s9 =	sadd.s32 $0xFFFFFEF7, lr;
	s5 =	simm.s32 $0xFFFFFFFF;
	p2 =	slt.u32 s8, $0xFFFFF086  }
0x1c: {  	p1 =	slt.u32 s9, $0xF7A;
	s5 =	simm.s32 @!p2 $0x0  }
0x1d: {  	s5 =	simm.s32 @p1 $0x1;
	p0 =	seq.s32 s7, s2  }
0x1e: {  	s7 =	smul.u32 @!p0 $0xF7A, s2;
	p2 =	seq.s32 @!p0 s5, $0x0  }
0x1f: {  	s9 =	smul.u32 $0xF7A, s1;
	s8 =	simm.s32 @!p0 $0x1BF5;
	p2 =	por !p2, p0  }
0x20: {  	[sflag:s8] =	ssyncset.s32 @!p0 $0xFFFFF086;
	s6 =	sadd.s32 @!p0 s3, s7;
	s7 =	simm.s32 @!p0 $0x108  }
0x21: {  	s3 =	sadd.s32 s3, s9;
	s6 =	sadd.s32 @!p0 $0x88, s6;
	s7 =	simm.s32 @p2 $0x1082  }
0x22: {  	[simem:s7], [sflag:s8] =	dma.local @!p0 [hbm:s6], $0xF7A  }
0x23: {  	s9 =	sor.u32 $0xD0000000, s2;
	s6 =	simm.s32 $0x108;
	_ =	swait.ge @!p0 [sflag:s8], $0x0  }
0x24: {  	s3 =	sadd.s32 $0x88, s3;
	s6 =	simm.s32 @!p1 $0x1082;
	[sflag:s4] =	ssyncset.s32 $0xFFFFF086  }
0x25: {  	[simem:s6], [sflag:s4] =	dma.local [hbm:s3], $0xF7A  }
0x26: {  	[smem:$0x3F91] =	sst s1;
	(tag) =	ssettag s2;
	_ =	strace s9  }
0x27: {  	s1 =	sld [smem:$0x3FA1]  }
0x28: {  	s2 =	sld [smem:$0x3FA2]  }
0x29: {  	s4 =	sld [smem:$0x3FA4]  }
0x2a: {  	p0 =	seq.s32 s5, $0x0;
	s5 =	sld [smem:$0x3FA5]  }
0x2b: {  	s6 =	sld [smem:$0x3FA6]  }
0x2c: {  	s7 =	sld [smem:$0x3FA7]  }
0x2d: {  	s3 =	simm.s32 $0x108;
	s8 =	sld [smem:$0x3FA8]  }
0x2e: {  	s3 =	simm.s32 @!p0 $0x1082;
	s9 =	sld [smem:$0x3FA9]  }
0x2f: {  	lr =	sadd.s32 s0, s3;
	s0 =	sld [smem:$0x3FA0]  }
0x30: {  	s3 =	sld [smem:$0x3FA3]  }
0x31: {  	[smem:$0x3FAC] =	sst s10  }
0x32: {  	s10 =	sld [smem:$0x3FAA];
	_ =	sdelay $0x3  }
0x33: {  	p0 =	seq.s32 s10, $0x1;
	s10 =	sld [smem:$0x3FAC];
	_ =	sdelay $0x3  }
0x34: {  	[smem:$0x3FAC] =	sst s10  }
0x35: {  	s10 =	sld [smem:$0x3FAB];
	_ =	sdelay $0x3  }
0x36: {  	p1 =	seq.s32 s10, $0x1;
	s10 =	sld [smem:$0x3FAC];
	_ =	sdelay $0x3  }
0x37: {  	[smem:$0x3FAC] =	sst s10  }
0x38: {  	s10 =	sld [smem:$0x3FAD]  }
0x39: {  	_ = 	snop;
	(pc) =	sbr.ind lr, $3  }
0x3a: {  	_ = 	snop  }
0x3b: {  	_ = 	snop  }
0x3c: {  	p2 =	seq.s32 s10, $0x1;
	s10 =	sld [smem:$0x3FAC]  }
0x3d: {  	_ =	shalt  }
0x3e: {  	_ =	shalt  }
0x3f: {  	_ =	shalt  }
0x40: {  	_ =	shalt  }
0x41: {  	_ =	shalt  }
0x42: {  	_ =	shalt  }
0x43: {  	_ =	shalt  }
0x44: {  	_ =	shalt  }
0x45: {  	_ =	shalt  }
0x46: {  	_ =	shalt  }
0x47: {  	_ =	shalt  }
0x48: {  	_ =	shalt  }
0x49: {  	_ =	shalt  }
0x4a: {  	_ =	shalt  }
0x4b: {  	_ =	shalt  }
0x4c: {  	_ =	shalt  }
0x4d: {  	_ =	shalt  }
0x4e: {  	_ =	shalt  }
0x4f: {  	_ =	shalt  }
0x50: {  	_ =	shalt  }
0x51: {  	_ =	shalt  }
0x52: {  	_ =	shalt  }
0x53: {  	_ =	shalt  }
0x54: {  	_ =	shalt  }
0x55: {  	_ =	shalt  }
0x56: {  	_ =	shalt  }
0x57: {  	_ =	shalt  }
0x58: {  	_ =	shalt  }
0x59: {  	_ =	shalt  }
0x5a: {  	_ =	shalt  }
0x5b: {  	_ =	shalt  }
0x5c: {  	_ =	shalt  }
0x5d: {  	_ =	shalt  }
0x5e: {  	_ =	shalt  }
0x5f: {  	_ =	shalt  }
0x60: {  	_ =	shalt  }
0x61: {  	_ =	shalt  }
0x62: {  	_ =	shalt  }
0x63: {  	_ =	shalt  }
0x64: {  	_ =	shalt  }
0x65: {  	_ =	shalt  }
0x66: {  	_ =	shalt  }
0x67: {  	_ =	shalt  }
0x68: {  	_ =	shalt  }
0x69: {  	_ =	shalt  }
0x6a: {  	_ =	shalt  }
0x6b: {  	_ =	shalt  }
0x6c: {  	_ =	shalt  }
0x6d: {  	_ =	shalt  }
0x6e: {  	_ =	shalt  }
0x6f: {  	_ =	shalt  }
0x70: {  	_ =	shalt  }
0x71: {  	_ =	shalt  }
0x72: {  	_ =	shalt  }
0x73: {  	_ =	shalt  }
0x74: {  	_ =	shalt  }
0x75: {  	_ =	shalt  }
0x76: {  	_ =	shalt  }
0x77: {  	_ =	shalt  }
0x78: {  	_ =	shalt  }
0x79: {  	_ =	shalt  }
0x7a: {  	_ =	shalt  }
0x7b: {  	_ =	shalt  }
0x7c: {  	_ =	shalt  }
0x7d: {  	_ =	shalt  }
0x7e: {  	_ =	shalt  }
0x7f: {  	_ =	shalt  }
0x80: {  	_ =	shalt  }
0x81: {  	_ =	shalt  }
0x82: {  	_ =	shalt  }
0x83: {  	_ =	shalt  }
0x84: {  	_ =	shalt  }
0x85: {  	_ =	shalt  }
0x86: {  	_ =	shalt  }
0x87: {  	_ =	shalt  }
.Lfunc_end0:
.L_simem_size_0:
called_computation.3_lowered:
.L_overlay_start_0:
0x88: {  	s2 =	sld [smem:$0x3FD9]  }
0x89: {  	s3 =	sld [smem:$0x3FFE];
	_ =	sdelay $0x1  }
0x8a: {  	s1 =	srdreg.scid  }
0x8b: {  	s0 =	sand.u32 $0x1, s1  }
0x8c: {  	s17 =	sshll.u32 s0, $0xA;
	s2 =	sadd.s32 s3, s2  }
0x8d: {  	s2 =	sadd.s32 s2, s17  }
0x8e: {  	[smem:$0x3FB8] =	sst s2  }
0x8f: {  	_ = 	snop  }
0x90: {  	s2 =	sld [smem:$0x3FD0];
	(tm) =	ssettm $0x1  }
0x91: {  	s18 =	sld [smem:$0x3FFB];
	_ =	sdelay $0x3  }
0x92: {  	_ =	strace s18  }
0x93: {  	s3 =	sld [smem:$0x3FFC];
	_ =	sdelay $0x3  }
0x94: {  	_ =	strace s3  }
0x95: {  	s3 =	sld [smem:$0x3FFD];
	_ =	sdelay $0x3  }
0x96: {  	_ =	strace s3  }
0x97: {  	_ =	strace $0x8FFFFFFF  }
0x98: {  	s19 =	sld [smem:$0x3FDB];
	_ =	sdelay $0x1  }
0x99: {  	s4 =	simm.s32 $_scs_section_size  }
0x9a: {  	s5 =	simm.s32 $_size__tile_overlayer_lowered;
	s6 =	simm.s32 $_tile_overlayer_lowered  }
0x9b: {  	s22 =	simm.s32 $0x1BFF;
	s21 =	sshll.u32 s6, $0x1;
	s3 =	sadd.s32 s4, s19  }
0x9c: {  	s7 =	simm.s32 $0x0;
	s20 =	sshll.u32 s5, $0x1;
	s5 =	sadd.s32 s21, s3  }
0x9d: {  	[timem:s7], [sflag:s22] =	dma.local [hbm:s5], s20  }
0x9e: {  	_ =	swait.ge [sflag:s22], s20  }
0x9f: {  	s4 =	ssub.s32 $0x0, s20;
	[sflag:s22] =	ssyncset.done $0x0  }
0xa0: {  	[sflag:s22] =	ssyncadd.s32 s4;
	_ =	sdelay $0x1  }
0xa1: {  	s23 =	simm.s32 $0x1B8B  }
0xa2: {  	_ =	swait.ge [sflag:s23], $0x1  }
0xa3: {  	[sflag:s23] =	ssyncset.done $0x0  }
0xa4: {  	s25 =	simm.s32 $0x1B8E;
	s24 =	sld [smem:$0x3FFE];
	[sflag:s23] =	ssyncadd.s32 $0xFFFFFFFF  }
0xa5: {  	s26 =	simm.s32 $execute0_lowered;
	[smem:$0x3FD2] =	sst s25  }
0xa6: {  	s5 =	sshll.u32 s26, $0x1;
	_ =	strace $0x8000004F;
	[dreg:$0x1] =	wrdreg $0xFFFFFFFF  }
0xa7: {  	s28 =	simm.s32 $_size_execute0_lowered;
	s3 =	sadd.s32 s3, s5;
	[dreg:$0x0] =	wrdreg $0x0  }
0xa8: {  	s5 =	sshll.u32 s28, $0x1;
	[dreg:$0x2] =	wrdreg s3  }
0xa9: {  	[dreg:$0x3] =	wrdreg s5  }
0xaa: {  	[dreg:$0x4] =	wrdreg $0xC0  }
0xab: {  	_ =	task [dreg:s7], $0x5FFFF  }
0xac: {  	[dreg:$0x1] =	wrdreg $0xFFFFFFFF  }
0xad: {  	[dreg:$0x0] =	wrdreg $0x60  }
0xae: {  	[dreg:$0x2] =	wrdreg s24  }
0xaf: {  	[dreg:$0x3] =	wrdreg s2  }
0xb0: {  	[dreg:$0x4] =	wrdreg $0x140000  }
0xb1: {  	[dreg:$0x5] =	wrdreg $0x9  }
0xb2: {  	_ =	task.clear_ibuf [dreg:s7], $0x6FFFF;
	_ =	strace $0x9000004F  }
0xb3: {  	s29 =	simm.s32 $0x9;
	_ =	strace $0x80000051  }
0xb4: {  	_ =	swait.ge [sflag:s29], $0x1  }
0xb5: {  	[sflag:s29] =	ssyncadd.s32 $0xFFFFFFFF  }
0xb6: {  	_ =	strace $0x90000051  }
0xb7: {  	_ =	sfence  }
0xb8: {  	s30 =	sld [smem:$0x0];
	_ =	sdelay $0x2  }
0xb9: {  	s31 =	sshll.u32 s1, $0xD;
	s1 =	sshrl.u32 s1, $0x2  }
0xba: {  	s3 =	sand.u32 $0x4000, s31;
	s1 =	sadd.s32 s1, s30  }
0xbb: {  	s0 =	sor.u32 s3, s0;
	s1 =	sshll.u32 s1, $0x11  }
0xbc: {  	s0 =	sor.u32 s1, s0  }
0xbd: {  	s0 =	sadd.s32 $0x8F2B, s0  }
0xbe: {  	[sflag:s0] =	ssyncadd.remote.s32 $0x1  }
0xbf: {  	_ =	sfence.sel $0xFFFF  }
0xc0: {  	[dreg:$0x0] =	wrdreg $0xFFFFFFFF;
	(pc) =	sbr.abs _section_cstart, $3  }
0xc1: {  	[dreg:$0x1] =	wrdreg $0xFFFFFFFF  }
0xc2: {  	_ =	task.clear_ibuf [dreg:s7], $0x2FFFF;
	_ =	strace $0x9FFFFFFF  }
0xc3: {  	(tm) =	ssettm $0x7FFFFFFF  }
tec
execute0_lowered:
.L_overlay_start_1:
0x0: {  	(tag) =	ssettag $0x1  }
0x1: {  	s0 =	rddreg [dreg:$0x0]  }
0x2: {  	s1 =	srdreg.scid;
	s3 =	rddreg [dreg:$0x1]  }
0x3: {  	s11 =	stileid.u32;
	s2 =	rddreg [dreg:$0x2];
	s5 =	simm.s32 $0x0  }
0x4: {  	s12 =	simm.s32 $0xB;
	s14 =	simm.s32 $0x80;
	s15 =	simm.s32 $0xA000  }
0x5: {  	s16 =	simm.s32 $0xC000;
	s17 =	simm.s32 $0xE000;
	s18 =	simm.s32 $0x10000  }
0x6: {  	s19 =	simm.s32 $0x12000;
	s20 =	simm.s32 $0x1;
	s21 =	simm.s32 $0x2  }
0x7: {  	s22 =	simm.s32 $0x3;
	s28 =	simm.s32 $0x8;
	s7 =	smul.u32 $0x5000, s11  }
0x8: {  	s29 =	simm.s32 $0x9;
	s1 =	sand.u32 $0x1, s1;
	s6 =	smul.u32 $0xA000, s11  }
0x9: {  	s30 =	simm.s32 $0xA;
	s31 =	simm.s32 $0x0;
	s4 =	smul.u32 $0x50000, s1  }
0xa: {  	[smem:$0x7FF] =	sst s5;
	s8 =	smul.u32 $0xA0000, s1;
	s1 =	ssub.s32 $0x2, s1  }
0xb: {  	s24 =	sshll.u32 s11, $0x6;
	_ =	strace $0x80000050;
	s10 =	sshrl.u32 s1, $0x1  }
0xc: {  	s25 =	sadd.s32 s6, s2;
	s26 =	sshrl.u32 s7, $0x3;
	s23 =	sadd.s32 s7, s4  }
0xd: {  	s4 =	sadd.s32 $0x3400, s0;
	s8 =	sadd.s32 s6, s8;
	s1 =	ssub.s32 s1, s10  }
0xe: {  	s6 =	sor.u32 $0x1C0B, s24;
	s11 =	sshrl.u32 s25, $0x3;
	s24 =	simm.s32 $0x5  }
0xf: {  	s25 =	simm.s32 $0x6;
	s5 =	sshrl.u32 s23, $0x3;
	s8 =	sshrl.u32 s8, $0x3  }
0x10: {  	s10 =	smax.u32 s1, $0x1;
	s23 =	simm.s32 $0x4;
	s9 =	sadd.s32 s5, s0  }
0x11: {  	s5 =	sadd.s32 $0x48E00, s0;
	s0 =	sadd.s32 s8, s0;
	s8 =	sadd.s32 s3, s26  }
0x12: {  	s26 =	simm.s32 $0x7;
	s7 =	sadd.s32 $0x34E00, s9;
	s9 =	sadd.s32 $0x4A200, s0  }
.LBB2_1:
0x13: {  	[spmem:s11], [sflag:s6] =	dma.local [hbm:s5], $0x1400  }
0x14: {  	_ =	swait.ge [sflag:s12], $0x1400  }
0x15: {  	[sflag:s12] =	ssyncset.done $0x0  }
0x16: {  	s0 =	simm.s32 $0x0;
	[sflag:s12] =	ssyncadd.s32 $0xFFFFEC00  }
0x17: {  	[tilespmem:s0], [sflag:$0xB] =	stream.linear.gather [hbm4b:s7+s0], $0x5000, $0x38;
	[tilespmem:$0x1E000] =	vst v63  }
0x18: {  	_ =	swait.ge [sflag:s12], $0x5000  }
0x19: {  	[sflag:s12] =	ssyncset.done $0x0  }
0x1a: {  	s1 =	simm.s32 $0x5000;
	[sflag:s12] =	ssyncadd.s32 $0xFFFFB000  }
0x1b: {  	[tilespmem:s1], [sflag:$0xB] =	stream.linear.gather [hbm4b:s8+s0], $0x5000, $0x38;
	[tilespmem:$0x1E000] =	vst v63  }
0x1c: {  	_ =	swait.ge [sflag:s12], $0x5000  }
0x1d: {  	[sflag:s12] =	ssyncset.done $0x0  }
0x1e: {  	[sflag:s12] =	ssyncadd.s32 $0xFFFFB000  }
0x1f: {  	s13 =	simm.s32 $0x0;
	[bflag:$0x0] =	sbarrier.arrive $0xFFFF  }
0x20: {  	[tilespmem:s15], [sflag:$0x1] =	stream.indirect.gather [hbm4b:s4+s14], $0x40, s13, s14, $0xb8;
	[tilespmem:$0x1E000] =	vst v63  }
0x21: {  	s1 =	simm.s32 $0x80  }
0x22: {  	[tilespmem:s16], [sflag:$0x2] =	stream.indirect.gather [hbm4b:s4+s14], $0x40, s1, s14, $0xb8;
	[tilespmem:$0x1E000] =	vst v63  }
0x23: {  	s3 =	simm.s32 $0x100  }
0x24: {  	[tilespmem:s17], [sflag:$0x3] =	stream.indirect.gather [hbm4b:s4+s14], $0x40, s3, s14, $0xb8;
	[tilespmem:$0x1E000] =	vst v63  }
0x25: {  	s13 =	simm.s32 $0x180  }
0x26: {  	[tilespmem:s18], [sflag:$0x4] =	stream.indirect.gather [hbm4b:s4+s14], $0x40, s13, s14, $0xb8;
	[tilespmem:$0x1E000] =	vst v63  }
0x27: {  	s1 =	simm.s32 $0x200  }
0x28: {  	[tilespmem:s19], [sflag:$0x5] =	stream.indirect.gather [hbm4b:s4+s14], $0x40, s1, s14, $0xb8;
	[tilespmem:$0x1E000] =	vst v63  }
0x29: {  	_ =	swait.ge [sflag:s20], $0x2000  }
0x2a: {  	[sflag:s20] =	ssyncset.done $0x0  }
0x2b: {  	s3 =	simm.s32 $0x5000;
	[sflag:s20] =	ssyncadd.s32 $0xFFFFE000  }
0x2c: {  	[spmem:s2] =	stream.indirect.scatter.add.f32 [tilespmem:s15], [sflag:$0x6], $0x40, s3, s14, $0xb8;
	[tilespmem:$0x1E000] =	vst v63  }
0x2d: {  	_ =	swait.ge [sflag:s21], $0x2000  }
0x2e: {  	[sflag:s21] =	ssyncset.done $0x0  }
0x2f: {  	s13 =	simm.s32 $0x5080;
	[sflag:s21] =	ssyncadd.s32 $0xFFFFE000  }
0x30: {  	[spmem:s2] =	stream.indirect.scatter.add.f32 [tilespmem:s16], [sflag:$0x7], $0x40, s13, s14, $0xb8;
	[tilespmem:$0x1E000] =	vst v63  }
0x31: {  	_ =	swait.ge [sflag:s22], $0x2000  }
0x32: {  	[sflag:s22] =	ssyncset.done $0x0  }
0x33: {  	s1 =	simm.s32 $0x5100;
	[sflag:s22] =	ssyncadd.s32 $0xFFFFE000  }
0x34: {  	[spmem:s2] =	stream.indirect.scatter.add.f32 [tilespmem:s17], [sflag:$0x8], $0x40, s1, s14, $0xb8;
	[tilespmem:$0x1E000] =	vst v63  }
0x35: {  	_ =	swait.ge [sflag:s23], $0x2000  }
0x36: {  	[sflag:s23] =	ssyncset.done $0x0  }
0x37: {  	s3 =	simm.s32 $0x5180;
	[sflag:s23] =	ssyncadd.s32 $0xFFFFE000  }
0x38: {  	[spmem:s2] =	stream.indirect.scatter.add.f32 [tilespmem:s18], [sflag:$0x9], $0x40, s3, s14, $0xb8;
	[tilespmem:$0x1E000] =	vst v63  }
0x39: {  	_ =	swait.ge [sflag:s24], $0x2000  }
0x3a: {  	[sflag:s24] =	ssyncset.done $0x0  }
0x3b: {  	s13 =	simm.s32 $0x5200;
	[sflag:s24] =	ssyncadd.s32 $0xFFFFE000  }
0x3c: {  	[spmem:s2] =	stream.indirect.scatter.add.f32 [tilespmem:s19], [sflag:$0xA], $0x40, s13, s14, $0xb8;
	[tilespmem:$0x1E000] =	vst v63  }
0x3d: {  	_ =	swait.ge [sflag:s25], $0x2000  }
0x3e: {  	[sflag:s25] =	ssyncset.done $0x0  }
0x3f: {  	[sflag:s25] =	ssyncadd.s32 $0xFFFFE000  }
0x40: {  	_ =	swait.ge [sflag:s26], $0x2000  }
0x41: {  	[sflag:s26] =	ssyncset.done $0x0  }
0x42: {  	[sflag:s26] =	ssyncadd.s32 $0xFFFFE000  }
0x43: {  	_ =	swait.ge [sflag:s28], $0x2000  }
0x44: {  	[sflag:s28] =	ssyncset.done $0x0  }
0x45: {  	[sflag:s28] =	ssyncadd.s32 $0xFFFFE000  }
0x46: {  	_ =	swait.ge [sflag:s29], $0x2000  }
0x47: {  	[sflag:s29] =	ssyncset.done $0x0  }
0x48: {  	[sflag:s29] =	ssyncadd.s32 $0xFFFFE000  }
0x49: {  	_ =	swait.ge [sflag:s30], $0x2000  }
0x4a: {  	s0 =	simm.s32 $0x1400;
	s1 =	simm.s32 $0xA00;
	[sflag:s30] =	ssyncset.done $0x0  }
.LBB2_2:
0x4b: {  	s13 =	sshra.s32 s1, $0x2  }
0x4c: {  	[sflag:s30] =	ssyncadd.s32 $0xFFFFE000;
	s1 =	smov.u32 s0;
	s3 =	sadd.s32 $0xA00, s0  }
0x4d: {  	[tilespmem:s15], [sflag:$0x1] =	stream.indirect.gather [hbm4b:s4+s14], $0x40, s13, s14, $0xb8;
	[tilespmem:$0x1E000] =	vst v63  }
0x4e: {  	p0 =	sne.s32 s0, $0x13600;
	s0 =	sadd.s32 $0x80, s13  }
0x4f: {  	[tilespmem:s16], [sflag:$0x2] =	stream.indirect.gather [hbm4b:s4+s14], $0x40, s0, s14, $0xb8;
	[tilespmem:$0x1E000] =	vst v63  }
0x50: {  	s0 =	sadd.s32 $0x100, s13  }
0x51: {  	[tilespmem:s17], [sflag:$0x3] =	stream.indirect.gather [hbm4b:s4+s14], $0x40, s0, s14, $0xb8;
	[tilespmem:$0x1E000] =	vst v63  }
0x52: {  	s0 =	sadd.s32 $0x180, s13  }
0x53: {  	[tilespmem:s18], [sflag:$0x4] =	stream.indirect.gather [hbm4b:s4+s14], $0x40, s0, s14, $0xb8;
	[tilespmem:$0x1E000] =	vst v63  }
0x54: {  	s0 =	sadd.s32 $0x200, s13  }
0x55: {  	[tilespmem:s19], [sflag:$0x5] =	stream.indirect.gather [hbm4b:s4+s14], $0x40, s0, s14, $0xb8;
	[tilespmem:$0x1E000] =	vst v63  }
0x56: {  	_ =	swait.ge [sflag:s20], $0x2000  }
0x57: {  	[sflag:s20] =	ssyncset.done $0x0  }
0x58: {  	s0 =	sadd.s32 $0x5000, s13;
	[sflag:s20] =	ssyncadd.s32 $0xFFFFE000  }
0x59: {  	[spmem:s2] =	stream.indirect.scatter.add.f32 [tilespmem:s15], [sflag:$0x6], $0x40, s0, s14, $0xb8;
	[tilespmem:$0x1E000] =	vst v63  }
0x5a: {  	_ =	swait.ge [sflag:s21], $0x2000  }
0x5b: {  	[sflag:s21] =	ssyncset.done $0x0  }
0x5c: {  	s0 =	sadd.s32 $0x5080, s13;
	[sflag:s21] =	ssyncadd.s32 $0xFFFFE000  }
0x5d: {  	[spmem:s2] =	stream.indirect.scatter.add.f32 [tilespmem:s16], [sflag:$0x7], $0x40, s0, s14, $0xb8;
	[tilespmem:$0x1E000] =	vst v63  }
0x5e: {  	_ =	swait.ge [sflag:s22], $0x2000  }
0x5f: {  	[sflag:s22] =	ssyncset.done $0x0  }
0x60: {  	s0 =	sadd.s32 $0x5100, s13;
	[sflag:s22] =	ssyncadd.s32 $0xFFFFE000  }
0x61: {  	[spmem:s2] =	stream.indirect.scatter.add.f32 [tilespmem:s17], [sflag:$0x8], $0x40, s0, s14, $0xb8;
	[tilespmem:$0x1E000] =	vst v63  }
0x62: {  	_ =	swait.ge [sflag:s23], $0x2000  }
0x63: {  	[sflag:s23] =	ssyncset.done $0x0  }
0x64: {  	s0 =	sadd.s32 $0x5180, s13;
	[sflag:s23] =	ssyncadd.s32 $0xFFFFE000  }
0x65: {  	[spmem:s2] =	stream.indirect.scatter.add.f32 [tilespmem:s18], [sflag:$0x9], $0x40, s0, s14, $0xb8;
	[tilespmem:$0x1E000] =	vst v63  }
0x66: {  	_ =	swait.ge [sflag:s24], $0x2000  }
0x67: {  	[sflag:s24] =	ssyncset.done $0x0  }
0x68: {  	s0 =	sadd.s32 $0x5200, s13;
	[sflag:s24] =	ssyncadd.s32 $0xFFFFE000  }
0x69: {  	[spmem:s2] =	stream.indirect.scatter.add.f32 [tilespmem:s19], [sflag:$0xA], $0x40, s0, s14, $0xb8;
	[tilespmem:$0x1E000] =	vst v63  }
0x6a: {  	_ =	swait.ge [sflag:s25], $0x2000  }
0x6b: {  	[sflag:s25] =	ssyncset.done $0x0  }
0x6c: {  	[sflag:s25] =	ssyncadd.s32 $0xFFFFE000  }
0x6d: {  	_ =	swait.ge [sflag:s26], $0x2000  }
0x6e: {  	[sflag:s26] =	ssyncset.done $0x0  }
0x6f: {  	[sflag:s26] =	ssyncadd.s32 $0xFFFFE000  }
0x70: {  	_ =	swait.ge [sflag:s28], $0x2000  }
0x71: {  	[sflag:s28] =	ssyncset.done $0x0  }
0x72: {  	[sflag:s28] =	ssyncadd.s32 $0xFFFFE000  }
.Ltmp0:
0x73: {  	_ =	swait.ge [sflag:s29], $0x2000;
	(pc) =	sbr.rel @p0 .LBB2_2-.Ltmp0, $4  }
0x74: {  	[sflag:s29] =	ssyncset.done $0x0  }
0x75: {  	[sflag:s29] =	ssyncadd.s32 $0xFFFFE000  }
0x76: {  	_ =	swait.ge [sflag:s30], $0x2000  }
0x77: {  	s0 =	smov.u32 s3;
	[sflag:s30] =	ssyncset.done $0x0  }
0x78: {  	s0 =	sshra.s32 s1, $0x2;
	[sflag:s30] =	ssyncadd.s32 $0xFFFFE000  }
0x79: {  	[tilespmem:s15], [sflag:$0x1] =	stream.indirect.gather [hbm4b:s4+s14], $0x40, s0, s14, $0xb8;
	[tilespmem:$0x1E000] =	vst v63  }
0x7a: {  	s1 =	sadd.s32 $0x80, s0  }
0x7b: {  	[tilespmem:s16], [sflag:$0x2] =	stream.indirect.gather [hbm4b:s4+s14], $0x40, s1, s14, $0xb8;
	[tilespmem:$0x1E000] =	vst v63  }
0x7c: {  	s13 =	sadd.s32 $0x100, s0  }
0x7d: {  	[tilespmem:s17], [sflag:$0x3] =	stream.indirect.gather [hbm4b:s4+s14], $0x40, s13, s14, $0xb8;
	[tilespmem:$0x1E000] =	vst v63  }
0x7e: {  	s3 =	sadd.s32 $0x180, s0  }
0x7f: {  	[tilespmem:s18], [sflag:$0x4] =	stream.indirect.gather [hbm4b:s4+s14], $0x40, s3, s14, $0xb8;
	[tilespmem:$0x1E000] =	vst v63  }
0x80: {  	s13 =	sadd.s32 $0x200, s0  }
0x81: {  	[tilespmem:s19], [sflag:$0x5] =	stream.indirect.gather [hbm4b:s4+s14], $0x40, s13, s14, $0xb8;
	[tilespmem:$0x1E000] =	vst v63  }
0x82: {  	_ =	swait.ge [sflag:s20], $0x2000  }
0x83: {  	[sflag:s20] =	ssyncset.done $0x0  }
0x84: {  	s3 =	sadd.s32 $0x5000, s0;
	[sflag:s20] =	ssyncadd.s32 $0xFFFFE000  }
0x85: {  	[spmem:s2] =	stream.indirect.scatter.add.f32 [tilespmem:s15], [sflag:$0x6], $0x40, s3, s14, $0xb8;
	[tilespmem:$0x1E000] =	vst v63  }
0x86: {  	_ =	swait.ge [sflag:s21], $0x2000  }
0x87: {  	[sflag:s21] =	ssyncset.done $0x0  }
0x88: {  	s13 =	sadd.s32 $0x5080, s0;
	[sflag:s21] =	ssyncadd.s32 $0xFFFFE000  }
0x89: {  	[spmem:s2] =	stream.indirect.scatter.add.f32 [tilespmem:s16], [sflag:$0x7], $0x40, s13, s14, $0xb8;
	[tilespmem:$0x1E000] =	vst v63  }
0x8a: {  	_ =	swait.ge [sflag:s22], $0x2000  }
0x8b: {  	[sflag:s22] =	ssyncset.done $0x0  }
0x8c: {  	s3 =	sadd.s32 $0x5100, s0;
	[sflag:s22] =	ssyncadd.s32 $0xFFFFE000  }
0x8d: {  	[spmem:s2] =	stream.indirect.scatter.add.f32 [tilespmem:s17], [sflag:$0x8], $0x40, s3, s14, $0xb8;
	[tilespmem:$0x1E000] =	vst v63  }
0x8e: {  	_ =	swait.ge [sflag:s23], $0x2000  }
0x8f: {  	[sflag:s23] =	ssyncset.done $0x0  }
0x90: {  	s13 =	sadd.s32 $0x5180, s0;
	[sflag:s23] =	ssyncadd.s32 $0xFFFFE000  }
0x91: {  	[spmem:s2] =	stream.indirect.scatter.add.f32 [tilespmem:s18], [sflag:$0x9], $0x40, s13, s14, $0xb8;
	[tilespmem:$0x1E000] =	vst v63  }
0x92: {  	_ =	swait.ge [sflag:s24], $0x2000  }
0x93: {  	[sflag:s24] =	ssyncset.done $0x0  }
0x94: {  	s0 =	sadd.s32 $0x5200, s0;
	[sflag:s24] =	ssyncadd.s32 $0xFFFFE000  }
0x95: {  	[spmem:s2] =	stream.indirect.scatter.add.f32 [tilespmem:s19], [sflag:$0xA], $0x40, s0, s14, $0xb8;
	[tilespmem:$0x1E000] =	vst v63  }
0x96: {  	_ =	swait.ge [sflag:s25], $0x2000  }
0x97: {  	[sflag:s25] =	ssyncset.done $0x0  }
0x98: {  	[sflag:s25] =	ssyncadd.s32 $0xFFFFE000  }
0x99: {  	_ =	swait.ge [sflag:s26], $0x2000  }
0x9a: {  	[sflag:s26] =	ssyncset.done $0x0  }
0x9b: {  	[sflag:s26] =	ssyncadd.s32 $0xFFFFE000  }
0x9c: {  	_ =	swait.ge [sflag:s28], $0x2000  }
0x9d: {  	[sflag:s28] =	ssyncset.done $0x0  }
0x9e: {  	[sflag:s28] =	ssyncadd.s32 $0xFFFFE000  }
0x9f: {  	_ =	swait.ge [sflag:s29], $0x2000  }
0xa0: {  	[sflag:s29] =	ssyncset.done $0x0  }
0xa1: {  	[sflag:s29] =	ssyncadd.s32 $0xFFFFE000  }
0xa2: {  	_ =	swait.ge [sflag:s30], $0x2000  }
0xa3: {  	s31 =	sadd.s32 $0x1, s31;
	[sflag:s30] =	ssyncset.done $0x0  }
0xa4: {  	p0 =	sne.s32 s31, s10;
	[sflag:s30] =	ssyncadd.s32 $0xFFFFE000  }
.Ltmp1:
0xa5: {  	[bflag:$0x0] =	sbarrier.arrive $0xFFFF;
	(pc) =	sbr.rel @p0 .LBB2_1-.Ltmp1, $4  }
0xa6: {  	[hbm:s9], [sflag:s6] =	dma.local [spmem:s11], $0x1400  }
0xa7: {  	_ =	swait.ge [sflag:s12], $0x1400  }
0xa8: {  	[sflag:s12] =	ssyncset.done $0x0  }
0xa9: {  	[sflag:s12] =	ssyncadd.s32 $0xFFFFEC00  }
0xaa: {  	_ =	sfence.sel $0x180000  }
0xab: {  	[bflag:$0x0] =	sbarrier.arrive $0xFFFF  }
0xac: {  	_ =	strace $0x90000050  }
0xad: {  	s0 =	stileid.u32;
	[bflag:$0x2] =	sbarrier.arrive $0xFFFF  }
0xae: {  	p0 =	sne.s32 s0, $0x0;
	s0 =	rddreg [dreg:$0x3]  }
0xaf: {  	s0 =	sadd.s32 @!p0 $0x100000, s0  }
0xb0: {  	[sflag:s0] =	ssyncadd.tile.s32 @!p0 $0x1;
	_ =	shalt  }
.Lfunc_end2:
_tile_overlayer_lowered:
.L_overlay_start_2:
0xb1: {  	(tag) =	ssettag $0x2  }
0xb2: {  	s0 =	rddreg [dreg:$0x0];
	s2 =	stileid.u32  }
0xb3: {  	s1 =	rddreg [dreg:$0x1];
	p0 =	sne.s32 s2, $0x0  }
0xb4: {  	s3 =	rddreg [dreg:$0x2];
	[bflag:$0x3] =	sbarrier.arrive $0xFFFF;
	s2 =	simm.s32 @!p0 $0x1C0B  }
0xb5: {  	[timem:s3], [sflag:s2] =	dma.local @!p0 [hbm:s0], s1  }
0xb6: {  	s0 =	simm.s32 @!p0 $0xB  }
0xb7: {  	_ =	swait.ge @!p0 [sflag:s0], s1  }
0xb8: {  	s1 =	ssub.s32 @!p0 $0x0, s1;
	[sflag:s0] =	ssyncset.done @!p0 $0x0  }
0xb9: {  	[sflag:s0] =	ssyncadd.s32 @!p0 s1  }
0xba: {  	[bflag:$0x3] =	sbarrier.arrive $0xFFFF  }
0xbb: {  	_ =	shalt  }

// kernel: kernel.27.cloned.1.call-start
scs
__scs_entry_jumppad:
0x0: {  	(pc) =	sbr.rel $0x88, $3  }
0x1: {  	(tag) =	ssettag $0x0;
	lr =	simm.s32 $0x1  }
0x2: {  	[smem:$0x3F91] =	sst lr;
	_ =	strace $0xD0000000  }
0x3: {  	_ = 	snop  }
0x4: {  	_ = 	snop  }
0x5: {  	_ = 	snop  }
0x6: {  	_ = 	snop  }
0x7: {  	_ = 	snop  }
__scs_overlays_trampoline_lowered:
0x8: {  	[smem:$0x3FA0] =	sst s0  }
0x9: {  	[smem:$0x3FA1] =	sst s1  }
0xa: {  	[smem:$0x3FA2] =	sst s2  }
0xb: {  	[smem:$0x3FA3] =	sst s3  }
0xc: {  	[smem:$0x3FA4] =	sst s4  }
0xd: {  	[smem:$0x3FA5] =	sst s5  }
0xe: {  	[smem:$0x3FA6] =	sst s6  }
0xf: {  	[smem:$0x3FA7] =	sst s7  }
0x10: {  	[smem:$0x3FA8] =	sst s8  }
0x11: {  	[smem:$0x3FA9] =	sst s9;
	s0 =	simm.s32 @!p0 $0x0  }
0x12: {  	s1 =	sld [smem:$0x3F8F];
	s0 =	simm.s32 @p0 $0x1  }
0x13: {  	[smem:$0x3FAA] =	sst s0;
	s0 =	simm.s32 @!p1 $0x0  }
0x14: {  	s2 =	sld [smem:$0x3F8E];
	s0 =	simm.s32 @p1 $0x1  }
0x15: {  	[smem:$0x3FAB] =	sst s0;
	s0 =	simm.s32 @!p2 $0x0  }
0x16: {  	s3 =	sld [smem:$0x3FDB];
	s0 =	simm.s32 @p2 $0x1  }
0x17: {  	s4 =	simm.s32 $0x1BF5;
	[smem:$0x3FAD] =	sst s0  }
0x18: {  	s0 =	sld [smem:$0x3F90];
	_ =	swait.ge [sflag:s4], $0x0  }
0x19: {  	s7 =	sld [smem:$0x3F91]  }
0x1a: {  	s8 =	sadd.s32 $0xFFFFE003, lr  }
0x1b: {  	s9 =	sadd.s32 $0xFFFFFEF7, lr;
	s5 =	simm.s32 $0xFFFFFFFF;
	p2 =	slt.u32 s8, $0xFFFFF086  }
0x1c: {  	p1 =	slt.u32 s9, $0xF7A;
	s5 =	simm.s32 @!p2 $0x0  }
0x1d: {  	s5 =	simm.s32 @p1 $0x1;
	p0 =	seq.s32 s7, s2  }
0x1e: {  	s7 =	smul.u32 @!p0 $0xF7A, s2;
	p2 =	seq.s32 @!p0 s5, $0x0  }
0x1f: {  	s9 =	smul.u32 $0xF7A, s1;
	s8 =	simm.s32 @!p0 $0x1BF5;
	p2 =	por !p2, p0  }
0x20: {  	[sflag:s8] =	ssyncset.s32 @!p0 $0xFFFFF086;
	s6 =	sadd.s32 @!p0 s3, s7;
	s7 =	simm.s32 @!p0 $0x108  }
0x21: {  	s3 =	sadd.s32 s3, s9;
	s6 =	sadd.s32 @!p0 $0x88, s6;
	s7 =	simm.s32 @p2 $0x1082  }
0x22: {  	[simem:s7], [sflag:s8] =	dma.local @!p0 [hbm:s6], $0xF7A  }
0x23: {  	s9 =	sor.u32 $0xD0000000, s2;
	s6 =	simm.s32 $0x108;
	_ =	swait.ge @!p0 [sflag:s8], $0x0  }
0x24: {  	s3 =	sadd.s32 $0x88, s3;
	s6 =	simm.s32 @!p1 $0x1082;
	[sflag:s4] =	ssyncset.s32 $0xFFFFF086  }
0x25: {  	[simem:s6], [sflag:s4] =	dma.local [hbm:s3], $0xF7A  }
0x26: {  	[smem:$0x3F91] =	sst s1;
	(tag) =	ssettag s2;
	_ =	strace s9  }
0x27: {  	s1 =	sld [smem:$0x3FA1]  }
0x28: {  	s2 =	sld [smem:$0x3FA2]  }
0x29: {  	s4 =	sld [smem:$0x3FA4]  }
0x2a: {  	p0 =	seq.s32 s5, $0x0;
	s5 =	sld [smem:$0x3FA5]  }
0x2b: {  	s6 =	sld [smem:$0x3FA6]  }
0x2c: {  	s7 =	sld [smem:$0x3FA7]  }
0x2d: {  	s3 =	simm.s32 $0x108;
	s8 =	sld [smem:$0x3FA8]  }
0x2e: {  	s3 =	simm.s32 @!p0 $0x1082;
	s9 =	sld [smem:$0x3FA9]  }
0x2f: {  	lr =	sadd.s32 s0, s3;
	s0 =	sld [smem:$0x3FA0]  }
0x30: {  	s3 =	sld [smem:$0x3FA3]  }
0x31: {  	[smem:$0x3FAC] =	sst s10  }
0x32: {  	s10 =	sld [smem:$0x3FAA];
	_ =	sdelay $0x3  }
0x33: {  	p0 =	seq.s32 s10, $0x1;
	s10 =	sld [smem:$0x3FAC];
	_ =	sdelay $0x3  }
0x34: {  	[smem:$0x3FAC] =	sst s10  }
0x35: {  	s10 =	sld [smem:$0x3FAB];
	_ =	sdelay $0x3  }
0x36: {  	p1 =	seq.s32 s10, $0x1;
	s10 =	sld [smem:$0x3FAC];
	_ =	sdelay $0x3  }
0x37: {  	[smem:$0x3FAC] =	sst s10  }
0x38: {  	s10 =	sld [smem:$0x3FAD]  }
0x39: {  	_ = 	snop;
	(pc) =	sbr.ind lr, $3  }
0x3a: {  	_ = 	snop  }
0x3b: {  	_ = 	snop  }
0x3c: {  	p2 =	seq.s32 s10, $0x1;
	s10 =	sld [smem:$0x3FAC]  }
0x3d: {  	_ =	shalt  }
0x3e: {  	_ =	shalt  }
0x3f: {  	_ =	shalt  }
0x40: {  	_ =	shalt  }
0x41: {  	_ =	shalt  }
0x42: {  	_ =	shalt  }
0x43: {  	_ =	shalt  }
0x44: {  	_ =	shalt  }
0x45: {  	_ =	shalt  }
0x46: {  	_ =	shalt  }
0x47: {  	_ =	shalt  }
0x48: {  	_ =	shalt  }
0x49: {  	_ =	shalt  }
0x4a: {  	_ =	shalt  }
0x4b: {  	_ =	shalt  }
0x4c: {  	_ =	shalt  }
0x4d: {  	_ =	shalt  }
0x4e: {  	_ =	shalt  }
0x4f: {  	_ =	shalt  }
0x50: {  	_ =	shalt  }
0x51: {  	_ =	shalt  }
0x52: {  	_ =	shalt  }
0x53: {  	_ =	shalt  }
0x54: {  	_ =	shalt  }
0x55: {  	_ =	shalt  }
0x56: {  	_ =	shalt  }
0x57: {  	_ =	shalt  }
0x58: {  	_ =	shalt  }
0x59: {  	_ =	shalt  }
0x5a: {  	_ =	shalt  }
0x5b: {  	_ =	shalt  }
0x5c: {  	_ =	shalt  }
0x5d: {  	_ =	shalt  }
0x5e: {  	_ =	shalt  }
0x5f: {  	_ =	shalt  }
0x60: {  	_ =	shalt  }
0x61: {  	_ =	shalt  }
0x62: {  	_ =	shalt  }
0x63: {  	_ =	shalt  }
0x64: {  	_ =	shalt  }
0x65: {  	_ =	shalt  }
0x66: {  	_ =	shalt  }
0x67: {  	_ =	shalt  }
0x68: {  	_ =	shalt  }
0x69: {  	_ =	shalt  }
0x6a: {  	_ =	shalt  }
0x6b: {  	_ =	shalt  }
0x6c: {  	_ =	shalt  }
0x6d: {  	_ =	shalt  }
0x6e: {  	_ =	shalt  }
0x6f: {  	_ =	shalt  }
0x70: {  	_ =	shalt  }
0x71: {  	_ =	shalt  }
0x72: {  	_ =	shalt  }
0x73: {  	_ =	shalt  }
0x74: {  	_ =	shalt  }
0x75: {  	_ =	shalt  }
0x76: {  	_ =	shalt  }
0x77: {  	_ =	shalt  }
0x78: {  	_ =	shalt  }
0x79: {  	_ =	shalt  }
0x7a: {  	_ =	shalt  }
0x7b: {  	_ =	shalt  }
0x7c: {  	_ =	shalt  }
0x7d: {  	_ =	shalt  }
0x7e: {  	_ =	shalt  }
0x7f: {  	_ =	shalt  }
0x80: {  	_ =	shalt  }
0x81: {  	_ =	shalt  }
0x82: {  	_ =	shalt  }
0x83: {  	_ =	shalt  }
0x84: {  	_ =	shalt  }
0x85: {  	_ =	shalt  }
0x86: {  	_ =	shalt  }
0x87: {  	_ =	shalt  }
.Lfunc_end0:
.L_simem_size_0:
called_computation.4_lowered:
.L_overlay_start_0:
0x88: {  	s2 =	sld [smem:$0x3FD9]  }
0x89: {  	s3 =	sld [smem:$0x3FFE];
	_ =	sdelay $0x1  }
0x8a: {  	s1 =	srdreg.scid  }
0x8b: {  	s0 =	sand.u32 $0x1, s1  }
0x8c: {  	s17 =	sshll.u32 s0, $0xA;
	s2 =	sadd.s32 s3, s2  }
0x8d: {  	s2 =	sadd.s32 s2, s17  }
0x8e: {  	[smem:$0x3FB8] =	sst s2  }
0x8f: {  	_ = 	snop  }
0x90: {  	s2 =	sld [smem:$0x3FD0];
	(tm) =	ssettm $0x1  }
0x91: {  	s18 =	sld [smem:$0x3FFB];
	_ =	sdelay $0x3  }
0x92: {  	_ =	strace s18  }
0x93: {  	s3 =	sld [smem:$0x3FFC];
	_ =	sdelay $0x3  }
0x94: {  	_ =	strace s3  }
0x95: {  	s3 =	sld [smem:$0x3FFD];
	_ =	sdelay $0x3  }
0x96: {  	_ =	strace s3  }
0x97: {  	_ =	strace $0x8FFFFFFF  }
0x98: {  	s19 =	sld [smem:$0x3FDB];
	_ =	sdelay $0x1  }
0x99: {  	s4 =	simm.s32 $_scs_section_size  }
0x9a: {  	s5 =	simm.s32 $_size__tile_overlayer_lowered;
	s6 =	simm.s32 $_tile_overlayer_lowered  }
0x9b: {  	s22 =	simm.s32 $0x1BFF;
	s21 =	sshll.u32 s6, $0x1;
	s3 =	sadd.s32 s4, s19  }
0x9c: {  	s7 =	simm.s32 $0x0;
	s20 =	sshll.u32 s5, $0x1;
	s5 =	sadd.s32 s21, s3  }
0x9d: {  	[timem:s7], [sflag:s22] =	dma.local [hbm:s5], s20  }
0x9e: {  	_ =	swait.ge [sflag:s22], s20  }
0x9f: {  	s4 =	ssub.s32 $0x0, s20;
	[sflag:s22] =	ssyncset.done $0x0  }
0xa0: {  	[sflag:s22] =	ssyncadd.s32 s4;
	_ =	sdelay $0x1  }
0xa1: {  	s23 =	simm.s32 $0x1B8B  }
0xa2: {  	_ =	swait.ge [sflag:s23], $0x1  }
0xa3: {  	[sflag:s23] =	ssyncset.done $0x0  }
0xa4: {  	s25 =	simm.s32 $0x1B8E;
	s24 =	sld [smem:$0x3FFE];
	[sflag:s23] =	ssyncadd.s32 $0xFFFFFFFF  }
0xa5: {  	s26 =	simm.s32 $execute0_lowered;
	[smem:$0x3FD2] =	sst s25  }
0xa6: {  	s5 =	sshll.u32 s26, $0x1;
	_ =	strace $0x80000052;
	[dreg:$0x1] =	wrdreg $0xFFFFFFFF  }
0xa7: {  	s28 =	simm.s32 $_size_execute0_lowered;
	s3 =	sadd.s32 s3, s5;
	[dreg:$0x0] =	wrdreg $0x0  }
0xa8: {  	s5 =	sshll.u32 s28, $0x1;
	[dreg:$0x2] =	wrdreg s3  }
0xa9: {  	[dreg:$0x3] =	wrdreg s5  }
0xaa: {  	[dreg:$0x4] =	wrdreg $0xC0  }
0xab: {  	_ =	task [dreg:s7], $0x5FFFF  }
0xac: {  	[dreg:$0x1] =	wrdreg $0xFFFFFFFF  }
0xad: {  	[dreg:$0x0] =	wrdreg $0x60  }
0xae: {  	[dreg:$0x2] =	wrdreg s24  }
0xaf: {  	[dreg:$0x3] =	wrdreg s2  }
0xb0: {  	[dreg:$0x4] =	wrdreg $0x140000  }
0xb1: {  	[dreg:$0x5] =	wrdreg $0x9  }
0xb2: {  	_ =	task.clear_ibuf [dreg:s7], $0x6FFFF;
	_ =	strace $0x90000052  }
0xb3: {  	s29 =	simm.s32 $0x9;
	_ =	strace $0x80000054  }
0xb4: {  	_ =	swait.ge [sflag:s29], $0x1  }
0xb5: {  	[sflag:s29] =	ssyncadd.s32 $0xFFFFFFFF  }
0xb6: {  	_ =	strace $0x90000054  }
0xb7: {  	_ =	sfence  }
0xb8: {  	s30 =	sld [smem:$0x0];
	_ =	sdelay $0x2  }
0xb9: {  	s31 =	sshll.u32 s1, $0xD;
	s1 =	sshrl.u32 s1, $0x2  }
0xba: {  	s3 =	sand.u32 $0x4000, s31;
	s1 =	sadd.s32 s1, s30  }
0xbb: {  	s0 =	sor.u32 s3, s0;
	s1 =	sshll.u32 s1, $0x11  }
0xbc: {  	s0 =	sor.u32 s1, s0  }
0xbd: {  	s0 =	sadd.s32 $0x8F2B, s0  }
0xbe: {  	[sflag:s0] =	ssyncadd.remote.s32 $0x1  }
0xbf: {  	_ =	sfence.sel $0xFFFF  }
0xc0: {  	[dreg:$0x0] =	wrdreg $0xFFFFFFFF;
	(pc) =	sbr.abs _section_cstart, $3  }
0xc1: {  	[dreg:$0x1] =	wrdreg $0xFFFFFFFF  }
0xc2: {  	_ =	task.clear_ibuf [dreg:s7], $0x2FFFF;
	_ =	strace $0x9FFFFFFF  }
0xc3: {  	(tm) =	ssettm $0x7FFFFFFF  }
tec
execute0_lowered:
.L_overlay_start_1:
0x0: {  	(tag) =	ssettag $0x1  }
0x1: {  	s0 =	rddreg [dreg:$0x0]  }
0x2: {  	s1 =	srdreg.scid;
	s3 =	rddreg [dreg:$0x1]  }
0x3: {  	s11 =	stileid.u32;
	s2 =	rddreg [dreg:$0x2];
	s5 =	simm.s32 $0x0  }
0x4: {  	s12 =	simm.s32 $0xB;
	s14 =	simm.s32 $0x80;
	s15 =	simm.s32 $0xA000  }
0x5: {  	s16 =	simm.s32 $0xC000;
	s17 =	simm.s32 $0xE000;
	s18 =	simm.s32 $0x10000  }
0x6: {  	s19 =	simm.s32 $0x12000;
	s20 =	simm.s32 $0x1;
	s21 =	simm.s32 $0x2  }
0x7: {  	s22 =	simm.s32 $0x3;
	s28 =	simm.s32 $0x8;
	s7 =	smul.u32 $0x5000, s11  }
0x8: {  	s29 =	simm.s32 $0x9;
	s1 =	sand.u32 $0x1, s1;
	s6 =	smul.u32 $0xA000, s11  }
0x9: {  	s30 =	simm.s32 $0xA;
	s31 =	simm.s32 $0x0;
	s4 =	smul.u32 $0x50000, s1  }
0xa: {  	[smem:$0x7FF] =	sst s5;
	s8 =	smul.u32 $0xA0000, s1;
	s1 =	ssub.s32 $0x2, s1  }
0xb: {  	s24 =	sshll.u32 s11, $0x6;
	_ =	strace $0x80000053;
	s10 =	sshrl.u32 s1, $0x1  }
0xc: {  	s25 =	sadd.s32 s6, s2;
	s26 =	sshrl.u32 s7, $0x3;
	s23 =	sadd.s32 s7, s4  }
0xd: {  	s4 =	sadd.s32 $0x3400, s0;
	s8 =	sadd.s32 s6, s8;
	s1 =	ssub.s32 s1, s10  }
0xe: {  	s6 =	sor.u32 $0x1C0B, s24;
	s11 =	sshrl.u32 s25, $0x3;
	s24 =	simm.s32 $0x5  }
0xf: {  	s25 =	simm.s32 $0x6;
	s5 =	sshrl.u32 s23, $0x3;
	s8 =	sshrl.u32 s8, $0x3  }
0x10: {  	s10 =	smax.u32 s1, $0x1;
	s23 =	simm.s32 $0x4;
	s9 =	sadd.s32 s5, s0  }
0x11: {  	s5 =	sadd.s32 $0x48E00, s0;
	s0 =	sadd.s32 s8, s0;
	s8 =	sadd.s32 s3, s26  }
0x12: {  	s26 =	simm.s32 $0x7;
	s7 =	sadd.s32 $0x34E00, s9;
	s9 =	sadd.s32 $0x4A200, s0  }
.LBB2_1:
0x13: {  	[spmem:s11], [sflag:s6] =	dma.local [hbm:s5], $0x1400  }
0x14: {  	_ =	swait.ge [sflag:s12], $0x1400  }
0x15: {  	[sflag:s12] =	ssyncset.done $0x0  }
0x16: {  	s0 =	simm.s32 $0x0;
	[sflag:s12] =	ssyncadd.s32 $0xFFFFEC00  }
0x17: {  	[tilespmem:s0], [sflag:$0xB] =	stream.linear.gather [hbm4b:s7+s0], $0x5000, $0x38;
	[tilespmem:$0x1E000] =	vst v63  }
0x18: {  	_ =	swait.ge [sflag:s12], $0x5000  }
0x19: {  	[sflag:s12] =	ssyncset.done $0x0  }
0x1a: {  	s1 =	simm.s32 $0x5000;
	[sflag:s12] =	ssyncadd.s32 $0xFFFFB000  }
0x1b: {  	[tilespmem:s1], [sflag:$0xB] =	stream.linear.gather [hbm4b:s8+s0], $0x5000, $0x38;
	[tilespmem:$0x1E000] =	vst v63  }
0x1c: {  	_ =	swait.ge [sflag:s12], $0x5000  }
0x1d: {  	[sflag:s12] =	ssyncset.done $0x0  }
0x1e: {  	[sflag:s12] =	ssyncadd.s32 $0xFFFFB000  }
0x1f: {  	s13 =	simm.s32 $0x0;
	[bflag:$0x0] =	sbarrier.arrive $0xFFFF  }
0x20: {  	[tilespmem:s15], [sflag:$0x1] =	stream.indirect.gather [hbm4b:s4+s14], $0x40, s13, s14, $0xb8;
	[tilespmem:$0x1E000] =	vst v63  }
0x21: {  	s1 =	simm.s32 $0x80  }
0x22: {  	[tilespmem:s16], [sflag:$0x2] =	stream.indirect.gather [hbm4b:s4+s14], $0x40, s1, s14, $0xb8;
	[tilespmem:$0x1E000] =	vst v63  }
0x23: {  	s3 =	simm.s32 $0x100  }
0x24: {  	[tilespmem:s17], [sflag:$0x3] =	stream.indirect.gather [hbm4b:s4+s14], $0x40, s3, s14, $0xb8;
	[tilespmem:$0x1E000] =	vst v63  }
0x25: {  	s13 =	simm.s32 $0x180  }
0x26: {  	[tilespmem:s18], [sflag:$0x4] =	stream.indirect.gather [hbm4b:s4+s14], $0x40, s13, s14, $0xb8;
	[tilespmem:$0x1E000] =	vst v63  }
0x27: {  	s1 =	simm.s32 $0x200  }
0x28: {  	[tilespmem:s19], [sflag:$0x5] =	stream.indirect.gather [hbm4b:s4+s14], $0x40, s1, s14, $0xb8;
	[tilespmem:$0x1E000] =	vst v63  }
0x29: {  	_ =	swait.ge [sflag:s20], $0x2000  }
0x2a: {  	[sflag:s20] =	ssyncset.done $0x0  }
0x2b: {  	s3 =	simm.s32 $0x5000;
	[sflag:s20] =	ssyncadd.s32 $0xFFFFE000  }
0x2c: {  	[spmem:s2] =	stream.indirect.scatter.add.f32 [tilespmem:s15], [sflag:$0x6], $0x40, s3, s14, $0xb8;
	[tilespmem:$0x1E000] =	vst v63  }
0x2d: {  	_ =	swait.ge [sflag:s21], $0x2000  }
0x2e: {  	[sflag:s21] =	ssyncset.done $0x0  }
0x2f: {  	s13 =	simm.s32 $0x5080;
	[sflag:s21] =	ssyncadd.s32 $0xFFFFE000  }
0x30: {  	[spmem:s2] =	stream.indirect.scatter.add.f32 [tilespmem:s16], [sflag:$0x7], $0x40, s13, s14, $0xb8;
	[tilespmem:$0x1E000] =	vst v63  }
0x31: {  	_ =	swait.ge [sflag:s22], $0x2000  }
0x32: {  	[sflag:s22] =	ssyncset.done $0x0  }
0x33: {  	s1 =	simm.s32 $0x5100;
	[sflag:s22] =	ssyncadd.s32 $0xFFFFE000  }
0x34: {  	[spmem:s2] =	stream.indirect.scatter.add.f32 [tilespmem:s17], [sflag:$0x8], $0x40, s1, s14, $0xb8;
	[tilespmem:$0x1E000] =	vst v63  }
0x35: {  	_ =	swait.ge [sflag:s23], $0x2000  }
0x36: {  	[sflag:s23] =	ssyncset.done $0x0  }
0x37: {  	s3 =	simm.s32 $0x5180;
	[sflag:s23] =	ssyncadd.s32 $0xFFFFE000  }
0x38: {  	[spmem:s2] =	stream.indirect.scatter.add.f32 [tilespmem:s18], [sflag:$0x9], $0x40, s3, s14, $0xb8;
	[tilespmem:$0x1E000] =	vst v63  }
0x39: {  	_ =	swait.ge [sflag:s24], $0x2000  }
0x3a: {  	[sflag:s24] =	ssyncset.done $0x0  }
0x3b: {  	s13 =	simm.s32 $0x5200;
	[sflag:s24] =	ssyncadd.s32 $0xFFFFE000  }
0x3c: {  	[spmem:s2] =	stream.indirect.scatter.add.f32 [tilespmem:s19], [sflag:$0xA], $0x40, s13, s14, $0xb8;
	[tilespmem:$0x1E000] =	vst v63  }
0x3d: {  	_ =	swait.ge [sflag:s25], $0x2000  }
0x3e: {  	[sflag:s25] =	ssyncset.done $0x0  }
0x3f: {  	[sflag:s25] =	ssyncadd.s32 $0xFFFFE000  }
0x40: {  	_ =	swait.ge [sflag:s26], $0x2000  }
0x41: {  	[sflag:s26] =	ssyncset.done $0x0  }
0x42: {  	[sflag:s26] =	ssyncadd.s32 $0xFFFFE000  }
0x43: {  	_ =	swait.ge [sflag:s28], $0x2000  }
0x44: {  	[sflag:s28] =	ssyncset.done $0x0  }
0x45: {  	[sflag:s28] =	ssyncadd.s32 $0xFFFFE000  }
0x46: {  	_ =	swait.ge [sflag:s29], $0x2000  }
0x47: {  	[sflag:s29] =	ssyncset.done $0x0  }
0x48: {  	[sflag:s29] =	ssyncadd.s32 $0xFFFFE000  }
0x49: {  	_ =	swait.ge [sflag:s30], $0x2000  }
0x4a: {  	s0 =	simm.s32 $0x1400;
	s1 =	simm.s32 $0xA00;
	[sflag:s30] =	ssyncset.done $0x0  }
.LBB2_2:
0x4b: {  	s13 =	sshra.s32 s1, $0x2  }
0x4c: {  	[sflag:s30] =	ssyncadd.s32 $0xFFFFE000;
	s1 =	smov.u32 s0;
	s3 =	sadd.s32 $0xA00, s0  }
0x4d: {  	[tilespmem:s15], [sflag:$0x1] =	stream.indirect.gather [hbm4b:s4+s14], $0x40, s13, s14, $0xb8;
	[tilespmem:$0x1E000] =	vst v63  }
0x4e: {  	p0 =	sne.s32 s0, $0x13600;
	s0 =	sadd.s32 $0x80, s13  }
0x4f: {  	[tilespmem:s16], [sflag:$0x2] =	stream.indirect.gather [hbm4b:s4+s14], $0x40, s0, s14, $0xb8;
	[tilespmem:$0x1E000] =	vst v63  }
0x50: {  	s0 =	sadd.s32 $0x100, s13  }
0x51: {  	[tilespmem:s17], [sflag:$0x3] =	stream.indirect.gather [hbm4b:s4+s14], $0x40, s0, s14, $0xb8;
	[tilespmem:$0x1E000] =	vst v63  }
0x52: {  	s0 =	sadd.s32 $0x180, s13  }
0x53: {  	[tilespmem:s18], [sflag:$0x4] =	stream.indirect.gather [hbm4b:s4+s14], $0x40, s0, s14, $0xb8;
	[tilespmem:$0x1E000] =	vst v63  }
0x54: {  	s0 =	sadd.s32 $0x200, s13  }
0x55: {  	[tilespmem:s19], [sflag:$0x5] =	stream.indirect.gather [hbm4b:s4+s14], $0x40, s0, s14, $0xb8;
	[tilespmem:$0x1E000] =	vst v63  }
0x56: {  	_ =	swait.ge [sflag:s20], $0x2000  }
0x57: {  	[sflag:s20] =	ssyncset.done $0x0  }
0x58: {  	s0 =	sadd.s32 $0x5000, s13;
	[sflag:s20] =	ssyncadd.s32 $0xFFFFE000  }
0x59: {  	[spmem:s2] =	stream.indirect.scatter.add.f32 [tilespmem:s15], [sflag:$0x6], $0x40, s0, s14, $0xb8;
	[tilespmem:$0x1E000] =	vst v63  }
0x5a: {  	_ =	swait.ge [sflag:s21], $0x2000  }
0x5b: {  	[sflag:s21] =	ssyncset.done $0x0  }
0x5c: {  	s0 =	sadd.s32 $0x5080, s13;
	[sflag:s21] =	ssyncadd.s32 $0xFFFFE000  }
0x5d: {  	[spmem:s2] =	stream.indirect.scatter.add.f32 [tilespmem:s16], [sflag:$0x7], $0x40, s0, s14, $0xb8;
	[tilespmem:$0x1E000] =	vst v63  }
0x5e: {  	_ =	swait.ge [sflag:s22], $0x2000  }
0x5f: {  	[sflag:s22] =	ssyncset.done $0x0  }
0x60: {  	s0 =	sadd.s32 $0x5100, s13;
	[sflag:s22] =	ssyncadd.s32 $0xFFFFE000  }
0x61: {  	[spmem:s2] =	stream.indirect.scatter.add.f32 [tilespmem:s17], [sflag:$0x8], $0x40, s0, s14, $0xb8;
	[tilespmem:$0x1E000] =	vst v63  }
0x62: {  	_ =	swait.ge [sflag:s23], $0x2000  }
0x63: {  	[sflag:s23] =	ssyncset.done $0x0  }
0x64: {  	s0 =	sadd.s32 $0x5180, s13;
	[sflag:s23] =	ssyncadd.s32 $0xFFFFE000  }
0x65: {  	[spmem:s2] =	stream.indirect.scatter.add.f32 [tilespmem:s18], [sflag:$0x9], $0x40, s0, s14, $0xb8;
	[tilespmem:$0x1E000] =	vst v63  }
0x66: {  	_ =	swait.ge [sflag:s24], $0x2000  }
0x67: {  	[sflag:s24] =	ssyncset.done $0x0  }
0x68: {  	s0 =	sadd.s32 $0x5200, s13;
	[sflag:s24] =	ssyncadd.s32 $0xFFFFE000  }
0x69: {  	[spmem:s2] =	stream.indirect.scatter.add.f32 [tilespmem:s19], [sflag:$0xA], $0x40, s0, s14, $0xb8;
	[tilespmem:$0x1E000] =	vst v63  }
0x6a: {  	_ =	swait.ge [sflag:s25], $0x2000  }
0x6b: {  	[sflag:s25] =	ssyncset.done $0x0  }
0x6c: {  	[sflag:s25] =	ssyncadd.s32 $0xFFFFE000  }
0x6d: {  	_ =	swait.ge [sflag:s26], $0x2000  }
0x6e: {  	[sflag:s26] =	ssyncset.done $0x0  }
0x6f: {  	[sflag:s26] =	ssyncadd.s32 $0xFFFFE000  }
0x70: {  	_ =	swait.ge [sflag:s28], $0x2000  }
0x71: {  	[sflag:s28] =	ssyncset.done $0x0  }
0x72: {  	[sflag:s28] =	ssyncadd.s32 $0xFFFFE000  }
.Ltmp0:
0x73: {  	_ =	swait.ge [sflag:s29], $0x2000;
	(pc) =	sbr.rel @p0 .LBB2_2-.Ltmp0, $4  }
0x74: {  	[sflag:s29] =	ssyncset.done $0x0  }
0x75: {  	[sflag:s29] =	ssyncadd.s32 $0xFFFFE000  }
0x76: {  	_ =	swait.ge [sflag:s30], $0x2000  }
0x77: {  	s0 =	smov.u32 s3;
	[sflag:s30] =	ssyncset.done $0x0  }
0x78: {  	s0 =	sshra.s32 s1, $0x2;
	[sflag:s30] =	ssyncadd.s32 $0xFFFFE000  }
0x79: {  	[tilespmem:s15], [sflag:$0x1] =	stream.indirect.gather [hbm4b:s4+s14], $0x40, s0, s14, $0xb8;
	[tilespmem:$0x1E000] =	vst v63  }
0x7a: {  	s1 =	sadd.s32 $0x80, s0  }
0x7b: {  	[tilespmem:s16], [sflag:$0x2] =	stream.indirect.gather [hbm4b:s4+s14], $0x40, s1, s14, $0xb8;
	[tilespmem:$0x1E000] =	vst v63  }
0x7c: {  	s13 =	sadd.s32 $0x100, s0  }
0x7d: {  	[tilespmem:s17], [sflag:$0x3] =	stream.indirect.gather [hbm4b:s4+s14], $0x40, s13, s14, $0xb8;
	[tilespmem:$0x1E000] =	vst v63  }
0x7e: {  	s3 =	sadd.s32 $0x180, s0  }
0x7f: {  	[tilespmem:s18], [sflag:$0x4] =	stream.indirect.gather [hbm4b:s4+s14], $0x40, s3, s14, $0xb8;
	[tilespmem:$0x1E000] =	vst v63  }
0x80: {  	s13 =	sadd.s32 $0x200, s0  }
0x81: {  	[tilespmem:s19], [sflag:$0x5] =	stream.indirect.gather [hbm4b:s4+s14], $0x40, s13, s14, $0xb8;
	[tilespmem:$0x1E000] =	vst v63  }
0x82: {  	_ =	swait.ge [sflag:s20], $0x2000  }
0x83: {  	[sflag:s20] =	ssyncset.done $0x0  }
0x84: {  	s3 =	sadd.s32 $0x5000, s0;
	[sflag:s20] =	ssyncadd.s32 $0xFFFFE000  }
0x85: {  	[spmem:s2] =	stream.indirect.scatter.add.f32 [tilespmem:s15], [sflag:$0x6], $0x40, s3, s14, $0xb8;
	[tilespmem:$0x1E000] =	vst v63  }
0x86: {  	_ =	swait.ge [sflag:s21], $0x2000  }
0x87: {  	[sflag:s21] =	ssyncset.done $0x0  }
0x88: {  	s13 =	sadd.s32 $0x5080, s0;
	[sflag:s21] =	ssyncadd.s32 $0xFFFFE000  }
0x89: {  	[spmem:s2] =	stream.indirect.scatter.add.f32 [tilespmem:s16], [sflag:$0x7], $0x40, s13, s14, $0xb8;
	[tilespmem:$0x1E000] =	vst v63  }
0x8a: {  	_ =	swait.ge [sflag:s22], $0x2000  }
0x8b: {  	[sflag:s22] =	ssyncset.done $0x0  }
0x8c: {  	s3 =	sadd.s32 $0x5100, s0;
	[sflag:s22] =	ssyncadd.s32 $0xFFFFE000  }
0x8d: {  	[spmem:s2] =	stream.indirect.scatter.add.f32 [tilespmem:s17], [sflag:$0x8], $0x40, s3, s14, $0xb8;
	[tilespmem:$0x1E000] =	vst v63  }
0x8e: {  	_ =	swait.ge [sflag:s23], $0x2000  }
0x8f: {  	[sflag:s23] =	ssyncset.done $0x0  }
0x90: {  	s13 =	sadd.s32 $0x5180, s0;
	[sflag:s23] =	ssyncadd.s32 $0xFFFFE000  }
0x91: {  	[spmem:s2] =	stream.indirect.scatter.add.f32 [tilespmem:s18], [sflag:$0x9], $0x40, s13, s14, $0xb8;
	[tilespmem:$0x1E000] =	vst v63  }
0x92: {  	_ =	swait.ge [sflag:s24], $0x2000  }
0x93: {  	[sflag:s24] =	ssyncset.done $0x0  }
0x94: {  	s0 =	sadd.s32 $0x5200, s0;
	[sflag:s24] =	ssyncadd.s32 $0xFFFFE000  }
0x95: {  	[spmem:s2] =	stream.indirect.scatter.add.f32 [tilespmem:s19], [sflag:$0xA], $0x40, s0, s14, $0xb8;
	[tilespmem:$0x1E000] =	vst v63  }
0x96: {  	_ =	swait.ge [sflag:s25], $0x2000  }
0x97: {  	[sflag:s25] =	ssyncset.done $0x0  }
0x98: {  	[sflag:s25] =	ssyncadd.s32 $0xFFFFE000  }
0x99: {  	_ =	swait.ge [sflag:s26], $0x2000  }
0x9a: {  	[sflag:s26] =	ssyncset.done $0x0  }
0x9b: {  	[sflag:s26] =	ssyncadd.s32 $0xFFFFE000  }
0x9c: {  	_ =	swait.ge [sflag:s28], $0x2000  }
0x9d: {  	[sflag:s28] =	ssyncset.done $0x0  }
0x9e: {  	[sflag:s28] =	ssyncadd.s32 $0xFFFFE000  }
0x9f: {  	_ =	swait.ge [sflag:s29], $0x2000  }
0xa0: {  	[sflag:s29] =	ssyncset.done $0x0  }
0xa1: {  	[sflag:s29] =	ssyncadd.s32 $0xFFFFE000  }
0xa2: {  	_ =	swait.ge [sflag:s30], $0x2000  }
0xa3: {  	s31 =	sadd.s32 $0x1, s31;
	[sflag:s30] =	ssyncset.done $0x0  }
0xa4: {  	p0 =	sne.s32 s31, s10;
	[sflag:s30] =	ssyncadd.s32 $0xFFFFE000  }
.Ltmp1:
0xa5: {  	[bflag:$0x0] =	sbarrier.arrive $0xFFFF;
	(pc) =	sbr.rel @p0 .LBB2_1-.Ltmp1, $4  }
0xa6: {  	[hbm:s9], [sflag:s6] =	dma.local [spmem:s11], $0x1400  }
0xa7: {  	_ =	swait.ge [sflag:s12], $0x1400  }
0xa8: {  	[sflag:s12] =	ssyncset.done $0x0  }
0xa9: {  	[sflag:s12] =	ssyncadd.s32 $0xFFFFEC00  }
0xaa: {  	_ =	sfence.sel $0x180000  }
0xab: {  	[bflag:$0x0] =	sbarrier.arrive $0xFFFF  }
0xac: {  	_ =	strace $0x90000053  }
0xad: {  	s0 =	stileid.u32;
	[bflag:$0x2] =	sbarrier.arrive $0xFFFF  }
0xae: {  	p0 =	sne.s32 s0, $0x0;
	s0 =	rddreg [dreg:$0x3]  }
0xaf: {  	s0 =	sadd.s32 @!p0 $0x100000, s0  }
0xb0: {  	[sflag:s0] =	ssyncadd.tile.s32 @!p0 $0x1;
	_ =	shalt  }
.Lfunc_end2:
_tile_overlayer_lowered:
.L_overlay_start_2:
0xb1: {  	(tag) =	ssettag $0x2  }
0xb2: {  	s0 =	rddreg [dreg:$0x0];
	s2 =	stileid.u32  }
0xb3: {  	s1 =	rddreg [dreg:$0x1];
	p0 =	sne.s32 s2, $0x0  }
0xb4: {  	s3 =	rddreg [dreg:$0x2];
	[bflag:$0x3] =	sbarrier.arrive $0xFFFF;
	s2 =	simm.s32 @!p0 $0x1C0B  }
0xb5: {  	[timem:s3], [sflag:s2] =	dma.local @!p0 [hbm:s0], s1  }
0xb6: {  	s0 =	simm.s32 @!p0 $0xB  }
0xb7: {  	_ =	swait.ge @!p0 [sflag:s0], s1  }
0xb8: {  	s1 =	ssub.s32 @!p0 $0x0, s1;
	[sflag:s0] =	ssyncset.done @!p0 $0x0  }
0xb9: {  	[sflag:s0] =	ssyncadd.s32 @!p0 s1  }
0xba: {  	[bflag:$0x3] =	sbarrier.arrive $0xFFFF  }
0xbb: {  	_ =	shalt  }

</sc_bundles>
